<compile_context>
chip_gen: v7x
topology: tpu7x:2x2x1
jax: 0.10.2.dev20260603
libtpu: 0.0.44.dev20260713+nightly
codegen_flags: <defaults>
</compile_context>

<pallas_src>
import jax
import jax.numpy as jnp
from jax import lax
from jax.experimental import pallas as pl
from jax.experimental.pallas import tpu as pltpu
from jax.experimental.pallas import tpu_sc as plsc

N = 10000
E = 320000
NF = 128
HC = 128
NCLS = 64

SC_CORES = 2
SC_TILES = 16

NPAD = 10240
ROWS_PER_TILE = NPAD // SC_TILES
EPC = E // SC_CORES
EPT = EPC // SC_TILES
CHUNK_A = 80
NCHUNK_A = EPT // CHUNK_A
CHUNK_B = 125
NCHUNK_B = EPT // CHUNK_B

_mesh = plsc.VectorSubcoreMesh(core_axis_name="c", subcore_axis_name="s")


def _seg_body(d, with_cnt, NBUF, IDEPTH, NCHUNK, x_hbm, es_hbm, zeros_hbm,
              zerosc_hbm, ones_hbm, out_hbm, outc_hbm, ib_v, rows_v, ones_v,
              acc_sh, cnt_sh, isem, gsem, ssem, csem, zsem):
    cid = lax.axis_index("c")
    sid = lax.axis_index("s")
    row0 = sid * ROWS_PER_TILE

    for k in range(IDEPTH):
        pltpu.async_copy(es_hbm.at[cid, sid, k], ib_v.at[k], isem.at[k])
    pltpu.async_copy(zeros_hbm, acc_sh.at[pl.ds(row0, ROWS_PER_TILE)], zsem)
    if with_cnt:
        pltpu.async_copy(zerosc_hbm, cnt_sh.at[pl.ds(row0, ROWS_PER_TILE)], zsem)
        pltpu.async_copy(ones_hbm, ones_v, zsem)
    for k in range(NBUF - 1):
        pltpu.make_async_copy(es_hbm.at[cid, sid, k], ib_v.at[k],
                              isem.at[k]).wait()
        pltpu.async_copy(x_hbm.at[ib_v.at[k, 0]], rows_v.at[k], gsem.at[k])
    pltpu.make_async_copy(zeros_hbm, acc_sh.at[pl.ds(row0, ROWS_PER_TILE)],
                          zsem).wait()
    if with_cnt:
        pltpu.make_async_copy(zerosc_hbm, cnt_sh.at[pl.ds(row0, ROWS_PER_TILE)],
                              zsem).wait()
        pltpu.make_async_copy(ones_hbm, ones_v, zsem).wait()
    plsc.subcore_barrier()

    def body(j, carry):
        b = lax.rem(j, NBUF)
        t = lax.rem(j, IDEPTH)
        pltpu.make_async_copy(x_hbm.at[ib_v.at[t, 0]], rows_v.at[b],
                              gsem.at[b]).wait()
        pltpu.async_copy(rows_v.at[b], acc_sh.at[ib_v.at[t, 1]], ssem.at[b],
                         add=True)
        if with_cnt:
            pltpu.async_copy(ones_v, cnt_sh.at[ib_v.at[t, 1]], csem.at[b],
                             add=True)

        @pl.when(j + NBUF - 1 < NCHUNK)
        def _():
            bp = lax.rem(j + NBUF - 1, NBUF)
            tp = lax.rem(j + IDEPTH - 1, IDEPTH)

            @pl.when(j >= 1)
            def _():
                pltpu.make_async_copy(rows_v.at[bp], acc_sh.at[ib_v.at[tp, 1]],
                                      ssem.at[bp]).wait()
                if with_cnt:
                    pltpu.make_async_copy(ones_v, cnt_sh.at[ib_v.at[tp, 1]],
                                          csem.at[bp]).wait()

                @pl.when(j - 1 + IDEPTH < NCHUNK)
                def _():
                    pltpu.async_copy(es_hbm.at[cid, sid, j - 1 + IDEPTH],
                                     ib_v.at[tp], isem.at[tp])

            tk = lax.rem(j + NBUF - 1, IDEPTH)
            pltpu.make_async_copy(es_hbm.at[cid, sid, j + NBUF - 1],
                                  ib_v.at[tk], isem.at[tk]).wait()
            pltpu.async_copy(x_hbm.at[ib_v.at[tk, 0]], rows_v.at[bp],
                             gsem.at[bp])

        return carry

    lax.fori_loop(0, NCHUNK, body, 0)
    for k in range(NCHUNK - NBUF, NCHUNK):
        _b = k % NBUF
        _t = k % IDEPTH
        pltpu.make_async_copy(rows_v.at[_b], acc_sh.at[ib_v.at[_t, 1]],
                              ssem.at[_b]).wait()
        if with_cnt:
            pltpu.make_async_copy(ones_v, cnt_sh.at[ib_v.at[_t, 1]],
                                  csem.at[_b]).wait()
    plsc.subcore_barrier()

    pltpu.async_copy(acc_sh.at[pl.ds(row0, ROWS_PER_TILE)],
                     out_hbm.at[cid, pl.ds(row0, ROWS_PER_TILE)], zsem)
    if with_cnt:
        pltpu.async_copy(cnt_sh.at[pl.ds(row0, ROWS_PER_TILE)],
                         outc_hbm.at[cid, pl.ds(row0, ROWS_PER_TILE)], zsem)
        pltpu.make_async_copy(cnt_sh.at[pl.ds(row0, ROWS_PER_TILE)],
                              outc_hbm.at[cid, pl.ds(row0, ROWS_PER_TILE)],
                              zsem).wait()
    pltpu.make_async_copy(acc_sh.at[pl.ds(row0, ROWS_PER_TILE)],
                          out_hbm.at[cid, pl.ds(row0, ROWS_PER_TILE)],
                          zsem).wait()


def _make_seg_kernel(d, with_cnt, NBUF, IDEPTH, CHUNK):
    NCHUNK = EPT // CHUNK
    if with_cnt:
        out_type = [jax.ShapeDtypeStruct((SC_CORES, NPAD, d), jnp.float32),
                    jax.ShapeDtypeStruct((SC_CORES, NPAD, 8), jnp.float32)]
    else:
        out_type = jax.ShapeDtypeStruct((SC_CORES, NPAD, d), jnp.float32)
    scratch = [
        pltpu.VMEM((IDEPTH, 2, CHUNK), jnp.int32),
        pltpu.VMEM((NBUF, CHUNK, d), jnp.float32),
        pltpu.VMEM((CHUNK, 8), jnp.float32),
        pltpu.VMEM_SHARED((NPAD, d), jnp.float32),
        pltpu.VMEM_SHARED((NPAD, 8), jnp.float32) if with_cnt else None,
        pltpu.SemaphoreType.DMA((IDEPTH,)),
        pltpu.SemaphoreType.DMA((NBUF,)),
        pltpu.SemaphoreType.DMA((NBUF,)),
        pltpu.SemaphoreType.DMA((NBUF,)) if with_cnt else None,
        pltpu.SemaphoreType.DMA,
    ]
    scratch = [s for s in scratch if s is not None]

    if with_cnt:
        def body(x_hbm, es_hbm, zeros_hbm, zerosc_hbm, ones_hbm,
                 out_hbm, outc_hbm, ib_v, rows_v, ones_v, acc_sh,
                 cnt_sh, isem, gsem, ssem, csem, zsem):
            _seg_body(d, True, NBUF, IDEPTH, NCHUNK, x_hbm, es_hbm, zeros_hbm,
                      zerosc_hbm, ones_hbm, out_hbm, outc_hbm, ib_v, rows_v,
                      ones_v, acc_sh, cnt_sh, isem, gsem, ssem, csem, zsem)
    else:
        def body(x_hbm, es_hbm, zeros_hbm, zerosc_hbm, ones_hbm,
                 out_hbm, ib_v, rows_v, ones_v, acc_sh, isem, gsem, ssem,
                 zsem):
            _seg_body(d, False, NBUF, IDEPTH, NCHUNK, x_hbm, es_hbm,
                      zeros_hbm, zerosc_hbm, ones_hbm, out_hbm, None, ib_v,
                      rows_v, ones_v, acc_sh, None, isem, gsem, ssem, None,
                      zsem)

    return pl.kernel(body, out_type=out_type, mesh=_mesh,
                     scratch_types=scratch, name=f"sage_seg_{d}",
                     compiler_params=pltpu.CompilerParams(
                         use_tc_tiling_on_sc=False))


_seg128 = _make_seg_kernel(NF, True, 4, 6, CHUNK_A)
_seg64 = _make_seg_kernel(NCLS, False, 6, 8, CHUNK_B)

R = 400


def _tc0_body(x_ref, wr1_ref, b1_ref, xr_ref):
    xr_ref[...] = (jnp.dot(x_ref[...], wr1_ref[...],
                           preferred_element_type=jnp.float32) + b1_ref[...])


def _tc1_body(pa_ref, pb_ref, ca_ref, cb_ref, xr_ref, wl1_ref,
              wl2_ref, emb_ref, hw_ref):
    cnt = ca_ref[0][:, 0:1] + cb_ref[0][:, 0:1]
    mean = (pa_ref[0] + pb_ref[0]) / jnp.maximum(cnt, 1.0)
    emb = (jnp.dot(mean, wl1_ref[...], preferred_element_type=jnp.float32)
           + xr_ref[...])
    h = jnp.maximum(emb, 0.0)
    emb_ref[...] = emb
    hw_ref[...] = jnp.dot(h, wl2_ref[...], preferred_element_type=jnp.float32)


def _tc1b_body(emb_ref, wr2_ref, b2_ref, hr_ref):
    h = jnp.maximum(emb_ref[...], 0.0)
    hr_ref[...] = (jnp.dot(h, wr2_ref[...], preferred_element_type=jnp.float32)
                   + b2_ref[...])


def _tc2_body(pa_ref, pb_ref, ca_ref, cb_ref, hr_ref, out_ref):
    cnt = ca_ref[0][:, 0:1] + cb_ref[0][:, 0:1]
    out_ref[...] = (pa_ref[0] + pb_ref[0]) / jnp.maximum(cnt, 1.0) + hr_ref[...]


def _part_spec(core, d):
    return pl.BlockSpec((1, R, d), lambda i, c=core: (c, i, 0))


_tc0 = pl.pallas_call(
    _tc0_body,
    grid=(N // R,),
    in_specs=[
        pl.BlockSpec((R, NF), lambda i: (i, 0)),
        pl.BlockSpec((NF, HC), lambda i: (0, 0)),
        pl.BlockSpec((1, HC), lambda i: (0, 0)),
    ],
    out_specs=pl.BlockSpec((R, HC), lambda i: (i, 0)),
    out_shape=jax.ShapeDtypeStruct((N, HC), jnp.float32),
)

_tc1 = pl.pallas_call(
    _tc1_body,
    grid=(N // R,),
    in_specs=[
        _part_spec(0, NF), _part_spec(1, NF),
        _part_spec(0, 8), _part_spec(1, 8),
        pl.BlockSpec((R, HC), lambda i: (i, 0)),
        pl.BlockSpec((NF, HC), lambda i: (0, 0)),
        pl.BlockSpec((HC, NCLS), lambda i: (0, 0)),
    ],
    out_specs=[
        pl.BlockSpec((R, HC), lambda i: (i, 0)),
        pl.BlockSpec((R, NCLS), lambda i: (i, 0)),
    ],
    out_shape=[
        jax.ShapeDtypeStruct((N, HC), jnp.float32),
        jax.ShapeDtypeStruct((N, NCLS), jnp.float32),
    ],
)

_tc1b = pl.pallas_call(
    _tc1b_body,
    grid=(N // R,),
    in_specs=[
        pl.BlockSpec((R, HC), lambda i: (i, 0)),
        pl.BlockSpec((HC, NCLS), lambda i: (0, 0)),
        pl.BlockSpec((1, NCLS), lambda i: (0, 0)),
    ],
    out_specs=pl.BlockSpec((R, NCLS), lambda i: (i, 0)),
    out_shape=jax.ShapeDtypeStruct((N, NCLS), jnp.float32),
)

_tc2 = pl.pallas_call(
    _tc2_body,
    grid=(N // R,),
    in_specs=[
        _part_spec(0, NCLS), _part_spec(1, NCLS),
        _part_spec(0, 8), _part_spec(1, 8),
        pl.BlockSpec((R, NCLS), lambda i: (i, 0)),
    ],
    out_specs=pl.BlockSpec((R, NCLS), lambda i: (i, 0)),
    out_shape=jax.ShapeDtypeStruct((N, NCLS), jnp.float32),
)

def kernel(x, edge_index, W_l1, W_r1, b1, W_l2, W_r2, b2):
    src = edge_index[0].astype(jnp.int32)
    dst = edge_index[1].astype(jnp.int32)
    es_a = jnp.stack(
        [src.reshape(SC_CORES, SC_TILES, NCHUNK_A, CHUNK_A),
         dst.reshape(SC_CORES, SC_TILES, NCHUNK_A, CHUNK_A)], axis=3)
    es_b = jnp.stack(
        [src.reshape(SC_CORES, SC_TILES, NCHUNK_B, CHUNK_B),
         dst.reshape(SC_CORES, SC_TILES, NCHUNK_B, CHUNK_B)], axis=3)
    zeros128 = jnp.zeros((ROWS_PER_TILE, NF), jnp.float32)
    zeros64 = jnp.zeros((ROWS_PER_TILE, NCLS), jnp.float32)
    zeros8 = jnp.zeros((ROWS_PER_TILE, 8), jnp.float32)
    ones = jnp.ones((CHUNK_A, 8), jnp.float32)

    p1, c1 = _seg128(x, es_a, zeros128, zeros8, ones)
    xr = _tc0(x, W_r1, b1.reshape(1, HC))
    emb, hw = _tc1(p1, p1, c1, c1, xr, W_l1, W_l2)
    p2 = _seg64(hw, es_b, zeros64, zeros8, ones)
    hr = _tc1b(emb, W_r2, b2.reshape(1, NCLS))
    logits = _tc2(p2, p2, c1, c1, hr)
    return (logits, emb)

# --- scband reference (transcript-rebuilt; emitter-appended) ---
"""Pipeline reference for scband-graph-sagenet-20804821581834 (READ-ONLY COPY).

The authoritative reference and input builder live on the scoring server;
editing this copy changes nothing except your own understanding.
"""

import jax, jax.numpy as jnp
import numpy as np

N_NODES = 10000
N_EDGES = 320000
NF = 128
HC = 128
NC = 64


def _sage_conv(x, edge_index, W_l, W_r, b):
    # PyG SAGEConv (mean aggr): out = lin_l(mean_{j->i} x_j) + lin_r(x_i)
    src = edge_index[0]
    dst = edge_index[1]
    msgs = jnp.take(x, src, axis=0)
    n = x.shape[0]
    agg = jax.ops.segment_sum(msgs, dst, num_segments=n)
    cnt = jax.ops.segment_sum(jnp.ones((msgs.shape[0], 1), dtype=x.dtype), dst, num_segments=n)
    mean = agg / jnp.clip(cnt, 1.0, None)
    return mean @ W_l + x @ W_r + b


def setup_inputs(seed: int = 0) -> dict:
    key = jax.random.key(seed)
    k_x, k_e, k1, k2, k3, k4, k5, k6 = jax.random.split(key, 8)
    x = jax.random.normal(k_x, (N_NODES, NF), dtype=jnp.float32)
    edge_index = jax.random.randint(k_e, (2, N_EDGES), 0, N_NODES, dtype=jnp.int64)
    s1 = 1.0 / np.sqrt(NF)
    s2 = 1.0 / np.sqrt(HC)
    W_l1 = jax.random.uniform(k1, (NF, HC), jnp.float32, -s1, s1)
    W_r1 = jax.random.uniform(k2, (NF, HC), jnp.float32, -s1, s1)
    b1 = jax.random.uniform(k3, (HC,), jnp.float32, -s1, s1)
    W_l2 = jax.random.uniform(k4, (HC, NC), jnp.float32, -s2, s2)
    W_r2 = jax.random.uniform(k5, (HC, NC), jnp.float32, -s2, s2)
    b2 = jax.random.uniform(k6, (NC,), jnp.float32, -s2, s2)
    return {"x": x, "edge_index": edge_index, "W_l1": W_l1, "W_r1": W_r1, "b1": b1,
            "W_l2": W_l2, "W_r2": W_r2, "b2": b2}


def reference(x, edge_index, W_l1, W_r1, b1, W_l2, W_r2, b2):
    # GraphSAGENet.forward (eval mode: dropout is identity)
    emb = _sage_conv(x, edge_index, W_l1, W_r1, b1)
    h = jax.nn.relu(emb)
    logits = _sage_conv(h, edge_index, W_l2, W_r2, b2)
    return (logits, emb)

if __name__ == "__main__":
    import jax
    _d = setup_inputs()
    print(jax.jit(kernel)(*tuple(_d.values())))

</pallas_src>

<mosaic_0001>
#map = affine_map<(d0, d1) -> (0, 0)>
#map1 = affine_map<(d0, d1) -> (0, 0, 0, 0, 0)>
#map2 = affine_map<(d0, d1) -> (0, 0, 0)>
module attributes {stable_mosaic.version = 14 : i64} {
  func.func @sage_seg_128(%arg0: i32, %arg1: i32, %arg2: memref<10000x128xf32, #tpu.memory_space<hbm>>, %arg3: memref<2x16x125x2x80xi32, #tpu.memory_space<hbm>>, %arg4: memref<640x128xf32, #tpu.memory_space<hbm>>, %arg5: memref<640x8xf32, #tpu.memory_space<hbm>>, %arg6: memref<80x8xf32, #tpu.memory_space<hbm>>, %arg7: memref<2x10240x128xf32, #tpu.memory_space<hbm>>, %arg8: memref<2x10240x8xf32, #tpu.memory_space<hbm>>, %arg9: memref<6x2x80xi32, #tpu.memory_space<vmem>>, %arg10: memref<4x80x128xf32, #tpu.memory_space<vmem>>, %arg11: memref<80x8xf32, #tpu.memory_space<vmem>>, %arg12: memref<10240x128xf32, #tpu.memory_space<vmem_shared>>, %arg13: memref<10240x8xf32, #tpu.memory_space<vmem_shared>>, %arg14: memref<6x!tpu.dma_semaphore, #tpu.memory_space<semaphore_mem>>, %arg15: memref<4x!tpu.dma_semaphore, #tpu.memory_space<semaphore_mem>>, %arg16: memref<4x!tpu.dma_semaphore, #tpu.memory_space<semaphore_mem>>, %arg17: memref<4x!tpu.dma_semaphore, #tpu.memory_space<semaphore_mem>>, %arg18: memref<!tpu.dma_semaphore, #tpu.memory_space<semaphore_mem>>) attributes {dimension_semantics = [#tpu.dimension_semantics<core_parallel>, #tpu.dimension_semantics<subcore_parallel>], iteration_bounds = array<i64: 2, 16>, scalar_prefetch = 0 : i64, scratch_operands = 10 : i64, tpu.core_type = #tpu.core_type<sc_vector_subcore>, window_params = [{transform_indices = #map}, {transform_indices = #map1}, {transform_indices = #map}, {transform_indices = #map}, {transform_indices = #map}, {transform_indices = #map2}, {transform_indices = #map2}]} {
    %mul3A = arith.constant 640 : i32
    %mul3A_0 = arith.muli %arg1, %mul3A : i32
    %dma_start3A = arith.constant 0 : i32
    %dma_start3A_1 = arith.constant 0 : i32
    %dma_start3A_2 = arith.constant 0 : i32
    %dma_start3A_3 = arith.constant 0 : i32
    %dma_start3A_4 = arith.constant 0 : i32
    %dma_start3A_5 = tpu.memref_slice %arg9[%dma_start3A_1, %dma_start3A_3, %dma_start3A_4] : memref<6x2x80xi32, #tpu.memory_space<vmem>> -> memref<1x2x80xi32, #tpu.memory_space<vmem>>
    %dma_start3A_6 = tpu.memref_squeeze %dma_start3A_5 : memref<1x2x80xi32, #tpu.memory_space<vmem>> -> memref<2x80xi32, #tpu.memory_space<vmem>>
    %dma_start3A_7 = arith.constant 0 : i32
    %dma_start3A_8 = arith.constant 0 : i32
    %dma_start3A_9 = tpu.memref_slice %arg3[%arg0, %arg1, %dma_start3A, %dma_start3A_7, %dma_start3A_8] : memref<2x16x125x2x80xi32, #tpu.memory_space<hbm>> -> memref<1x1x1x2x80xi32, #tpu.memory_space<hbm>>
    %dma_start3A_10 = tpu.memref_squeeze %dma_start3A_9 : memref<1x1x1x2x80xi32, #tpu.memory_space<hbm>> -> memref<2x80xi32, #tpu.memory_space<hbm>>
    %dma_start3A_11 = tpu.memref_slice %arg14[%dma_start3A_2] : memref<6x!tpu.dma_semaphore, #tpu.memory_space<semaphore_mem>> -> memref<1x!tpu.dma_semaphore, #tpu.memory_space<semaphore_mem>>
    %dma_start3A_12 = tpu.memref_squeeze %dma_start3A_11 : memref<1x!tpu.dma_semaphore, #tpu.memory_space<semaphore_mem>> -> memref<!tpu.dma_semaphore, #tpu.memory_space<semaphore_mem>>
    %dma_start3A_13 = arith.constant 0 : i32
    %dma_start3A_14 = arith.constant 0 : i32
    %dma_start3A_15 = tpu.memref_slice %arg9[%dma_start3A_1, %dma_start3A_13, %dma_start3A_14] : memref<6x2x80xi32, #tpu.memory_space<vmem>> -> memref<1x2x80xi32, #tpu.memory_space<vmem>>
    %dma_start3A_16 = tpu.memref_squeeze %dma_start3A_15 : memref<1x2x80xi32, #tpu.memory_space<vmem>> -> memref<2x80xi32, #tpu.memory_space<vmem>>
    %dma_start3A_17 = arith.constant 0 : i32
    %dma_start3A_18 = arith.constant 0 : i32
    %dma_start3A_19 = tpu.memref_slice %arg3[%arg0, %arg1, %dma_start3A, %dma_start3A_17, %dma_start3A_18] : memref<2x16x125x2x80xi32, #tpu.memory_space<hbm>> -> memref<1x1x1x2x80xi32, #tpu.memory_space<hbm>>
    %dma_start3A_20 = tpu.memref_squeeze %dma_start3A_19 : memref<1x1x1x2x80xi32, #tpu.memory_space<hbm>> -> memref<2x80xi32, #tpu.memory_space<hbm>>
    tpu.enqueue_dma source(%dma_start3A_20 : memref<2x80xi32, #tpu.memory_space<hbm>>) target(%dma_start3A_16 : memref<2x80xi32, #tpu.memory_space<vmem>>) target_semaphore(%dma_start3A_12 : memref<!tpu.dma_semaphore, #tpu.memory_space<semaphore_mem>>)
    %dma_start3A_21 = arith.constant 1 : i32
    %dma_start3A_22 = arith.constant 1 : i32
    %dma_start3A_23 = arith.constant 1 : i32
    %dma_start3A_24 = arith.constant 0 : i32
    %dma_start3A_25 = arith.constant 0 : i32
    %dma_start3A_26 = tpu.memref_slice %arg9[%dma_start3A_22, %dma_start3A_24, %dma_start3A_25] : memref<6x2x80xi32, #tpu.memory_space<vmem>> -> memref<1x2x80xi32, #tpu.memory_space<vmem>>
    %dma_start3A_27 = tpu.memref_squeeze %dma_start3A_26 : memref<1x2x80xi32, #tpu.memory_space<vmem>> -> memref<2x80xi32, #tpu.memory_space<vmem>>
    %dma_start3A_28 = arith.constant 0 : i32
    %dma_start3A_29 = arith.constant 0 : i32
    %dma_start3A_30 = tpu.memref_slice %arg3[%arg0, %arg1, %dma_start3A_21, %dma_start3A_28, %dma_start3A_29] : memref<2x16x125x2x80xi32, #tpu.memory_space<hbm>> -> memref<1x1x1x2x80xi32, #tpu.memory_space<hbm>>
    %dma_start3A_31 = tpu.memref_squeeze %dma_start3A_30 : memref<1x1x1x2x80xi32, #tpu.memory_space<hbm>> -> memref<2x80xi32, #tpu.memory_space<hbm>>
    %dma_start3A_32 = tpu.memref_slice %arg14[%dma_start3A_23] : memref<6x!tpu.dma_semaphore, #tpu.memory_space<semaphore_mem>> -> memref<1x!tpu.dma_semaphore, #tpu.memory_space<semaphore_mem>>
    %dma_start3A_33 = tpu.memref_squeeze %dma_start3A_32 : memref<1x!tpu.dma_semaphore, #tpu.memory_space<semaphore_mem>> -> memref<!tpu.dma_semaphore, #tpu.memory_space<semaphore_mem>>
    %dma_start3A_34 = arith.constant 0 : i32
    %dma_start3A_35 = arith.constant 0 : i32
    %dma_start3A_36 = tpu.memref_slice %arg9[%dma_start3A_22, %dma_start3A_34, %dma_start3A_35] : memref<6x2x80xi32, #tpu.memory_space<vmem>> -> memref<1x2x80xi32, #tpu.memory_space<vmem>>
    %dma_start3A_37 = tpu.memref_squeeze %dma_start3A_36 : memref<1x2x80xi32, #tpu.memory_space<vmem>> -> memref<2x80xi32, #tpu.memory_space<vmem>>
    %dma_start3A_38 = arith.constant 0 : i32
    %dma_start3A_39 = arith.constant 0 : i32
    %dma_start3A_40 = tpu.memref_slice %arg3[%arg0, %arg1, %dma_start3A_21, %dma_start3A_38, %dma_start3A_39] : memref<2x16x125x2x80xi32, #tpu.memory_space<hbm>> -> memref<1x1x1x2x80xi32, #tpu.memory_space<hbm>>
    %dma_start3A_41 = tpu.memref_squeeze %dma_start3A_40 : memref<1x1x1x2x80xi32, #tpu.memory_space<hbm>> -> memref<2x80xi32, #tpu.memory_space<hbm>>
    tpu.enqueue_dma source(%dma_start3A_41 : memref<2x80xi32, #tpu.memory_space<hbm>>) target(%dma_start3A_37 : memref<2x80xi32, #tpu.memory_space<vmem>>) target_semaphore(%dma_start3A_33 : memref<!tpu.dma_semaphore, #tpu.memory_space<semaphore_mem>>)
    %dma_start3A_42 = arith.constant 2 : i32
    %dma_start3A_43 = arith.constant 2 : i32
    %dma_start3A_44 = arith.constant 2 : i32
    %dma_start3A_45 = arith.constant 0 : i32
    %dma_start3A_46 = arith.constant 0 : i32
    %dma_start3A_47 = tpu.memref_slice %arg9[%dma_start3A_43, %dma_start3A_45, %dma_start3A_46] : memref<6x2x80xi32, #tpu.memory_space<vmem>> -> memref<1x2x80xi32, #tpu.memory_space<vmem>>
    %dma_start3A_48 = tpu.memref_squeeze %dma_start3A_47 : memref<1x2x80xi32, #tpu.memory_space<vmem>> -> memref<2x80xi32, #tpu.memory_space<vmem>>
    %dma_start3A_49 = arith.constant 0 : i32
    %dma_start3A_50 = arith.constant 0 : i32
    %dma_start3A_51 = tpu.memref_slice %arg3[%arg0, %arg1, %dma_start3A_42, %dma_start3A_49, %dma_start3A_50] : memref<2x16x125x2x80xi32, #tpu.memory_space<hbm>> -> memref<1x1x1x2x80xi32, #tpu.memory_space<hbm>>
    %dma_start3A_52 = tpu.memref_squeeze %dma_start3A_51 : memref<1x1x1x2x80xi32, #tpu.memory_space<hbm>> -> memref<2x80xi32, #tpu.memory_space<hbm>>
    %dma_start3A_53 = tpu.memref_slice %arg14[%dma_start3A_44] : memref<6x!tpu.dma_semaphore, #tpu.memory_space<semaphore_mem>> -> memref<1x!tpu.dma_semaphore, #tpu.memory_space<semaphore_mem>>
    %dma_start3A_54 = tpu.memref_squeeze %dma_start3A_53 : memref<1x!tpu.dma_semaphore, #tpu.memory_space<semaphore_mem>> -> memref<!tpu.dma_semaphore, #tpu.memory_space<semaphore_mem>>
    %dma_start3A_55 = arith.constant 0 : i32
    %dma_start3A_56 = arith.constant 0 : i32
    %dma_start3A_57 = tpu.memref_slice %arg9[%dma_start3A_43, %dma_start3A_55, %dma_start3A_56] : memref<6x2x80xi32, #tpu.memory_space<vmem>> -> memref<1x2x80xi32, #tpu.memory_space<vmem>>
    %dma_start3A_58 = tpu.memref_squeeze %dma_start3A_57 : memref<1x2x80xi32, #tpu.memory_space<vmem>> -> memref<2x80xi32, #tpu.memory_space<vmem>>
    %dma_start3A_59 = arith.constant 0 : i32
    %dma_start3A_60 = arith.constant 0 : i32
    %dma_start3A_61 = tpu.memref_slice %arg3[%arg0, %arg1, %dma_start3A_42, %dma_start3A_59, %dma_start3A_60] : memref<2x16x125x2x80xi32, #tpu.memory_space<hbm>> -> memref<1x1x1x2x80xi32, #tpu.memory_space<hbm>>
    %dma_start3A_62 = tpu.memref_squeeze %dma_start3A_61 : memref<1x1x1x2x80xi32, #tpu.memory_space<hbm>> -> memref<2x80xi32, #tpu.memory_space<hbm>>
    tpu.enqueue_dma source(%dma_start3A_62 : memref<2x80xi32, #tpu.memory_space<hbm>>) target(%dma_start3A_58 : memref<2x80xi32, #tpu.memory_space<vmem>>) target_semaphore(%dma_start3A_54 : memref<!tpu.dma_semaphore, #tpu.memory_space<semaphore_mem>>)
    %dma_start3A_63 = arith.constant 3 : i32
    %dma_start3A_64 = arith.constant 3 : i32
    %dma_start3A_65 = arith.constant 3 : i32
    %dma_start3A_66 = arith.constant 0 : i32
    %dma_start3A_67 = arith.constant 0 : i32
    %dma_start3A_68 = tpu.memref_slice %arg9[%dma_start3A_64, %dma_start3A_66, %dma_start3A_67] : memref<6x2x80xi32, #tpu.memory_space<vmem>> -> memref<1x2x80xi32, #tpu.memory_space<vmem>>
    %dma_start3A_69 = tpu.memref_squeeze %dma_start3A_68 : memref<1x2x80xi32, #tpu.memory_space<vmem>> -> memref<2x80xi32, #tpu.memory_space<vmem>>
    %dma_start3A_70 = arith.constant 0 : i32
    %dma_start3A_71 = arith.constant 0 : i32
    %dma_start3A_72 = tpu.memref_slice %arg3[%arg0, %arg1, %dma_start3A_63, %dma_start3A_70, %dma_start3A_71] : memref<2x16x125x2x80xi32, #tpu.memory_space<hbm>> -> memref<1x1x1x2x80xi32, #tpu.memory_space<hbm>>
    %dma_start3A_73 = tpu.memref_squeeze %dma_start3A_72 : memref<1x1x1x2x80xi32, #tpu.memory_space<hbm>> -> memref<2x80xi32, #tpu.memory_space<hbm>>
    %dma_start3A_74 = tpu.memref_slice %arg14[%dma_start3A_65] : memref<6x!tpu.dma_semaphore, #tpu.memory_space<semaphore_mem>> -> memref<1x!tpu.dma_semaphore, #tpu.memory_space<semaphore_mem>>
    %dma_start3A_75 = tpu.memref_squeeze %dma_start3A_74 : memref<1x!tpu.dma_semaphore, #tpu.memory_space<semaphore_mem>> -> memref<!tpu.dma_semaphore, #tpu.memory_space<semaphore_mem>>
    %dma_start3A_76 = arith.constant 0 : i32
    %dma_start3A_77 = arith.constant 0 : i32
    %dma_start3A_78 = tpu.memref_slice %arg9[%dma_start3A_64, %dma_start3A_76, %dma_start3A_77] : memref<6x2x80xi32, #tpu.memory_space<vmem>> -> memref<1x2x80xi32, #tpu.memory_space<vmem>>
    %dma_start3A_79 = tpu.memref_squeeze %dma_start3A_78 : memref<1x2x80xi32, #tpu.memory_space<vmem>> -> memref<2x80xi32, #tpu.memory_space<vmem>>
    %dma_start3A_80 = arith.constant 0 : i32
    %dma_start3A_81 = arith.constant 0 : i32
    %dma_start3A_82 = tpu.memref_slice %arg3[%arg0, %arg1, %dma_start3A_63, %dma_start3A_80, %dma_start3A_81] : memref<2x16x125x2x80xi32, #tpu.memory_space<hbm>> -> memref<1x1x1x2x80xi32, #tpu.memory_space<hbm>>
    %dma_start3A_83 = tpu.memref_squeeze %dma_start3A_82 : memref<1x1x1x2x80xi32, #tpu.memory_space<hbm>> -> memref<2x80xi32, #tpu.memory_space<hbm>>
    tpu.enqueue_dma source(%dma_start3A_83 : memref<2x80xi32, #tpu.memory_space<hbm>>) target(%dma_start3A_79 : memref<2x80xi32, #tpu.memory_space<vmem>>) target_semaphore(%dma_start3A_75 : memref<!tpu.dma_semaphore, #tpu.memory_space<semaphore_mem>>)
    %dma_start3A_84 = arith.constant 4 : i32
    %dma_start3A_85 = arith.constant 4 : i32
    %dma_start3A_86 = arith.constant 4 : i32
    %dma_start3A_87 = arith.constant 0 : i32
    %dma_start3A_88 = arith.constant 0 : i32
    %dma_start3A_89 = tpu.memref_slice %arg9[%dma_start3A_85, %dma_start3A_87, %dma_start3A_88] : memref<6x2x80xi32, #tpu.memory_space<vmem>> -> memref<1x2x80xi32, #tpu.memory_space<vmem>>
    %dma_start3A_90 = tpu.memref_squeeze %dma_start3A_89 : memref<1x2x80xi32, #tpu.memory_space<vmem>> -> memref<2x80xi32, #tpu.memory_space<vmem>>
    %dma_start3A_91 = arith.constant 0 : i32
    %dma_start3A_92 = arith.constant 0 : i32
    %dma_start3A_93 = tpu.memref_slice %arg3[%arg0, %arg1, %dma_start3A_84, %dma_start3A_91, %dma_start3A_92] : memref<2x16x125x2x80xi32, #tpu.memory_space<hbm>> -> memref<1x1x1x2x80xi32, #tpu.memory_space<hbm>>
    %dma_start3A_94 = tpu.memref_squeeze %dma_start3A_93 : memref<1x1x1x2x80xi32, #tpu.memory_space<hbm>> -> memref<2x80xi32, #tpu.memory_space<hbm>>
    %dma_start3A_95 = tpu.memref_slice %arg14[%dma_start3A_86] : memref<6x!tpu.dma_semaphore, #tpu.memory_space<semaphore_mem>> -> memref<1x!tpu.dma_semaphore, #tpu.memory_space<semaphore_mem>>
    %dma_start3A_96 = tpu.memref_squeeze %dma_start3A_95 : memref<1x!tpu.dma_semaphore, #tpu.memory_space<semaphore_mem>> -> memref<!tpu.dma_semaphore, #tpu.memory_space<semaphore_mem>>
    %dma_start3A_97 = arith.constant 0 : i32
    %dma_start3A_98 = arith.constant 0 : i32
    %dma_start3A_99 = tpu.memref_slice %arg9[%dma_start3A_85, %dma_start3A_97, %dma_start3A_98] : memref<6x2x80xi32, #tpu.memory_space<vmem>> -> memref<1x2x80xi32, #tpu.memory_space<vmem>>
    %dma_start3A_100 = tpu.memref_squeeze %dma_start3A_99 : memref<1x2x80xi32, #tpu.memory_space<vmem>> -> memref<2x80xi32, #tpu.memory_space<vmem>>
    %dma_start3A_101 = arith.constant 0 : i32
    %dma_start3A_102 = arith.constant 0 : i32
    %dma_start3A_103 = tpu.memref_slice %arg3[%arg0, %arg1, %dma_start3A_84, %dma_start3A_101, %dma_start3A_102] : memref<2x16x125x2x80xi32, #tpu.memory_space<hbm>> -> memref<1x1x1x2x80xi32, #tpu.memory_space<hbm>>
    %dma_start3A_104 = tpu.memref_squeeze %dma_start3A_103 : memref<1x1x1x2x80xi32, #tpu.memory_space<hbm>> -> memref<2x80xi32, #tpu.memory_space<hbm>>
    tpu.enqueue_dma source(%dma_start3A_104 : memref<2x80xi32, #tpu.memory_space<hbm>>) target(%dma_start3A_100 : memref<2x80xi32, #tpu.memory_space<vmem>>) target_semaphore(%dma_start3A_96 : memref<!tpu.dma_semaphore, #tpu.memory_space<semaphore_mem>>)
    %dma_start3A_105 = arith.constant 5 : i32
    %dma_start3A_106 = arith.constant 5 : i32
    %dma_start3A_107 = arith.constant 5 : i32
    %dma_start3A_108 = arith.constant 0 : i32
    %dma_start3A_109 = arith.constant 0 : i32
    %dma_start3A_110 = tpu.memref_slice %arg9[%dma_start3A_106, %dma_start3A_108, %dma_start3A_109] : memref<6x2x80xi32, #tpu.memory_space<vmem>> -> memref<1x2x80xi32, #tpu.memory_space<vmem>>
    %dma_start3A_111 = tpu.memref_squeeze %dma_start3A_110 : memref<1x2x80xi32, #tpu.memory_space<vmem>> -> memref<2x80xi32, #tpu.memory_space<vmem>>
    %dma_start3A_112 = arith.constant 0 : i32
    %dma_start3A_113 = arith.constant 0 : i32
    %dma_start3A_114 = tpu.memref_slice %arg3[%arg0, %arg1, %dma_start3A_105, %dma_start3A_112, %dma_start3A_113] : memref<2x16x125x2x80xi32, #tpu.memory_space<hbm>> -> memref<1x1x1x2x80xi32, #tpu.memory_space<hbm>>
    %dma_start3A_115 = tpu.memref_squeeze %dma_start3A_114 : memref<1x1x1x2x80xi32, #tpu.memory_space<hbm>> -> memref<2x80xi32, #tpu.memory_space<hbm>>
    %dma_start3A_116 = tpu.memref_slice %arg14[%dma_start3A_107] : memref<6x!tpu.dma_semaphore, #tpu.memory_space<semaphore_mem>> -> memref<1x!tpu.dma_semaphore, #tpu.memory_space<semaphore_mem>>
    %dma_start3A_117 = tpu.memref_squeeze %dma_start3A_116 : memref<1x!tpu.dma_semaphore, #tpu.memory_space<semaphore_mem>> -> memref<!tpu.dma_semaphore, #tpu.memory_space<semaphore_mem>>
    %dma_start3A_118 = arith.constant 0 : i32
    %dma_start3A_119 = arith.constant 0 : i32
    %dma_start3A_120 = tpu.memref_slice %arg9[%dma_start3A_106, %dma_start3A_118, %dma_start3A_119] : memref<6x2x80xi32, #tpu.memory_space<vmem>> -> memref<1x2x80xi32, #tpu.memory_space<vmem>>
    %dma_start3A_121 = tpu.memref_squeeze %dma_start3A_120 : memref<1x2x80xi32, #tpu.memory_space<vmem>> -> memref<2x80xi32, #tpu.memory_space<vmem>>
    %dma_start3A_122 = arith.constant 0 : i32
    %dma_start3A_123 = arith.constant 0 : i32
    %dma_start3A_124 = tpu.memref_slice %arg3[%arg0, %arg1, %dma_start3A_105, %dma_start3A_122, %dma_start3A_123] : memref<2x16x125x2x80xi32, #tpu.memory_space<hbm>> -> memref<1x1x1x2x80xi32, #tpu.memory_space<hbm>>
    %dma_start3A_125 = tpu.memref_squeeze %dma_start3A_124 : memref<1x1x1x2x80xi32, #tpu.memory_space<hbm>> -> memref<2x80xi32, #tpu.memory_space<hbm>>
    tpu.enqueue_dma source(%dma_start3A_125 : memref<2x80xi32, #tpu.memory_space<hbm>>) target(%dma_start3A_121 : memref<2x80xi32, #tpu.memory_space<vmem>>) target_semaphore(%dma_start3A_117 : memref<!tpu.dma_semaphore, #tpu.memory_space<semaphore_mem>>)
    %dma_start3A_126 = arith.constant 0 : i32
    %dma_start3A_127 = tpu.memref_slice %arg12[%mul3A_0, %dma_start3A_126] : memref<10240x128xf32, #tpu.memory_space<vmem_shared>> -> memref<640x128xf32, #tpu.memory_space<vmem_shared>>
    tpu.enqueue_dma source(%arg4 : memref<640x128xf32, #tpu.memory_space<hbm>>) target(%dma_start3A_127 : memref<640x128xf32, #tpu.memory_space<vmem_shared>>) target_semaphore(%arg18 : memref<!tpu.dma_semaphore, #tpu.memory_space<semaphore_mem>>)
    %dma_start3A_128 = arith.constant 0 : i32
    %dma_start3A_129 = tpu.memref_slice %arg13[%mul3A_0, %dma_start3A_128] : memref<10240x8xf32, #tpu.memory_space<vmem_shared>> -> memref<640x8xf32, #tpu.memory_space<vmem_shared>>
    tpu.enqueue_dma source(%arg5 : memref<640x8xf32, #tpu.memory_space<hbm>>) target(%dma_start3A_129 : memref<640x8xf32, #tpu.memory_space<vmem_shared>>) target_semaphore(%arg18 : memref<!tpu.dma_semaphore, #tpu.memory_space<semaphore_mem>>)
    tpu.enqueue_dma source(%arg6 : memref<80x8xf32, #tpu.memory_space<hbm>>) target(%arg11 : memref<80x8xf32, #tpu.memory_space<vmem>>) target_semaphore(%arg18 : memref<!tpu.dma_semaphore, #tpu.memory_space<semaphore_mem>>)
    %dma_wait3A = arith.constant 0 : i32
    %dma_wait3A_130 = arith.constant 0 : i32
    %dma_wait3A_131 = arith.constant 0 : i32
    %dma_wait3A_132 = arith.constant 0 : i32
    %dma_wait3A_133 = arith.constant 0 : i32
    %dma_wait3A_134 = tpu.memref_slice %arg9[%dma_wait3A_130, %dma_wait3A_132, %dma_wait3A_133] : memref<6x2x80xi32, #tpu.memory_space<vmem>> -> memref<1x2x80xi32, #tpu.memory_space<vmem>>
    %dma_wait3A_135 = tpu.memref_squeeze %dma_wait3A_134 : memref<1x2x80xi32, #tpu.memory_space<vmem>> -> memref<2x80xi32, #tpu.memory_space<vmem>>
    %dma_wait3A_136 = arith.constant 0 : i32
    %dma_wait3A_137 = arith.constant 0 : i32
    %dma_wait3A_138 = tpu.memref_slice %arg3[%arg0, %arg1, %dma_wait3A, %dma_wait3A_136, %dma_wait3A_137] : memref<2x16x125x2x80xi32, #tpu.memory_space<hbm>> -> memref<1x1x1x2x80xi32, #tpu.memory_space<hbm>>
    %dma_wait3A_139 = tpu.memref_squeeze %dma_wait3A_138 : memref<1x1x1x2x80xi32, #tpu.memory_space<hbm>> -> memref<2x80xi32, #tpu.memory_space<hbm>>
    %dma_wait3A_140 = tpu.memref_slice %arg14[%dma_wait3A_131] : memref<6x!tpu.dma_semaphore, #tpu.memory_space<semaphore_mem>> -> memref<1x!tpu.dma_semaphore, #tpu.memory_space<semaphore_mem>>
    %dma_wait3A_141 = tpu.memref_squeeze %dma_wait3A_140 : memref<1x!tpu.dma_semaphore, #tpu.memory_space<semaphore_mem>> -> memref<!tpu.dma_semaphore, #tpu.memory_space<semaphore_mem>>
    %dma_wait3A_142 = arith.constant 0 : i32
    %dma_wait3A_143 = arith.constant 0 : i32
    %dma_wait3A_144 = tpu.memref_slice %arg9[%dma_wait3A_130, %dma_wait3A_142, %dma_wait3A_143] : memref<6x2x80xi32, #tpu.memory_space<vmem>> -> memref<1x2x80xi32, #tpu.memory_space<vmem>>
    %dma_wait3A_145 = tpu.memref_squeeze %dma_wait3A_144 : memref<1x2x80xi32, #tpu.memory_space<vmem>> -> memref<2x80xi32, #tpu.memory_space<vmem>>
    %dma_wait3A_146 = arith.constant 0 : i32
    %dma_wait3A_147 = arith.constant 0 : i32
    %dma_wait3A_148 = tpu.memref_slice %arg3[%arg0, %arg1, %dma_wait3A, %dma_wait3A_146, %dma_wait3A_147] : memref<2x16x125x2x80xi32, #tpu.memory_space<hbm>> -> memref<1x1x1x2x80xi32, #tpu.memory_space<hbm>>
    %dma_wait3A_149 = tpu.memref_squeeze %dma_wait3A_148 : memref<1x1x1x2x80xi32, #tpu.memory_space<hbm>> -> memref<2x80xi32, #tpu.memory_space<hbm>>
    tpu.wait_dma2 semaphore(%dma_wait3A_141 : memref<!tpu.dma_semaphore, #tpu.memory_space<semaphore_mem>>) src(%dma_wait3A_149 : memref<2x80xi32, #tpu.memory_space<hbm>>) dst(%dma_wait3A_145 : memref<2x80xi32, #tpu.memory_space<vmem>>)
    %dma_start3A_150 = arith.constant 0 : i32
    %dma_start3A_151 = arith.constant 0 : i32
    %dma_start3A_152 = arith.constant 0 : i32
    %dma_start3A_153 = arith.constant 0 : i32
    %dma_start3A_154 = arith.constant 0 : i32
    %dma_start3A_155 = arith.constant 0 : i32
    %dma_start3A_156 = tpu.memref_slice %arg10[%dma_start3A_152, %dma_start3A_154, %dma_start3A_155] : memref<4x80x128xf32, #tpu.memory_space<vmem>> -> memref<1x80x128xf32, #tpu.memory_space<vmem>>
    %dma_start3A_157 = tpu.memref_squeeze %dma_start3A_156 : memref<1x80x128xf32, #tpu.memory_space<vmem>> -> memref<80x128xf32, #tpu.memory_space<vmem>>
    %dma_start3A_158 = arith.constant 0 : i32
    %dma_start3A_159 = tpu.memref_slice %arg9[%dma_start3A_150, %dma_start3A_151, %dma_start3A_158] : memref<6x2x80xi32, #tpu.memory_space<vmem>> -> memref<1x1x80xi32, #tpu.memory_space<vmem>>
    %dma_start3A_160 = tpu.memref_squeeze %dma_start3A_159 : memref<1x1x80xi32, #tpu.memory_space<vmem>> -> memref<80xi32, #tpu.memory_space<vmem>>
    %dma_start3A_161 = arith.constant 0 : i32
    %dma_start3A_162 = arith.constant 0 : i32
    %dma_start3A_163 = tpu.memref_slice %arg2[%dma_start3A_161, %dma_start3A_162] : memref<10000x128xf32, #tpu.memory_space<hbm>> -> memref<10000x128xf32, #tpu.memory_space<hbm>>
    %dma_start3A_164 = tpu.memref_slice %arg15[%dma_start3A_153] : memref<4x!tpu.dma_semaphore, #tpu.memory_space<semaphore_mem>> -> memref<1x!tpu.dma_semaphore, #tpu.memory_space<semaphore_mem>>
    %dma_start3A_165 = tpu.memref_squeeze %dma_start3A_164 : memref<1x!tpu.dma_semaphore, #tpu.memory_space<semaphore_mem>> -> memref<!tpu.dma_semaphore, #tpu.memory_space<semaphore_mem>>
    tpu.enqueue_indirect_dma source(%dma_start3A_163 : memref<10000x128xf32, #tpu.memory_space<hbm>>) target(%dma_start3A_157 : memref<80x128xf32, #tpu.memory_space<vmem>>) offsets(%dma_start3A_160 : memref<80xi32, #tpu.memory_space<vmem>>) semaphore(%dma_start3A_165 : memref<!tpu.dma_semaphore, #tpu.memory_space<semaphore_mem>>)
    %dma_wait3A_166 = arith.constant 1 : i32
    %dma_wait3A_167 = arith.constant 1 : i32
    %dma_wait3A_168 = arith.constant 1 : i32
    %dma_wait3A_169 = arith.constant 0 : i32
    %dma_wait3A_170 = arith.constant 0 : i32
    %dma_wait3A_171 = tpu.memref_slice %arg9[%dma_wait3A_167, %dma_wait3A_169, %dma_wait3A_170] : memref<6x2x80xi32, #tpu.memory_space<vmem>> -> memref<1x2x80xi32, #tpu.memory_space<vmem>>
    %dma_wait3A_172 = tpu.memref_squeeze %dma_wait3A_171 : memref<1x2x80xi32, #tpu.memory_space<vmem>> -> memref<2x80xi32, #tpu.memory_space<vmem>>
    %dma_wait3A_173 = arith.constant 0 : i32
    %dma_wait3A_174 = arith.constant 0 : i32
    %dma_wait3A_175 = tpu.memref_slice %arg3[%arg0, %arg1, %dma_wait3A_166, %dma_wait3A_173, %dma_wait3A_174] : memref<2x16x125x2x80xi32, #tpu.memory_space<hbm>> -> memref<1x1x1x2x80xi32, #tpu.memory_space<hbm>>
    %dma_wait3A_176 = tpu.memref_squeeze %dma_wait3A_175 : memref<1x1x1x2x80xi32, #tpu.memory_space<hbm>> -> memref<2x80xi32, #tpu.memory_space<hbm>>
    %dma_wait3A_177 = tpu.memref_slice %arg14[%dma_wait3A_168] : memref<6x!tpu.dma_semaphore, #tpu.memory_space<semaphore_mem>> -> memref<1x!tpu.dma_semaphore, #tpu.memory_space<semaphore_mem>>
    %dma_wait3A_178 = tpu.memref_squeeze %dma_wait3A_177 : memref<1x!tpu.dma_semaphore, #tpu.memory_space<semaphore_mem>> -> memref<!tpu.dma_semaphore, #tpu.memory_space<semaphore_mem>>
    %dma_wait3A_179 = arith.constant 0 : i32
    %dma_wait3A_180 = arith.constant 0 : i32
    %dma_wait3A_181 = tpu.memref_slice %arg9[%dma_wait3A_167, %dma_wait3A_179, %dma_wait3A_180] : memref<6x2x80xi32, #tpu.memory_space<vmem>> -> memref<1x2x80xi32, #tpu.memory_space<vmem>>
    %dma_wait3A_182 = tpu.memref_squeeze %dma_wait3A_181 : memref<1x2x80xi32, #tpu.memory_space<vmem>> -> memref<2x80xi32, #tpu.memory_space<vmem>>
    %dma_wait3A_183 = arith.constant 0 : i32
    %dma_wait3A_184 = arith.constant 0 : i32
    %dma_wait3A_185 = tpu.memref_slice %arg3[%arg0, %arg1, %dma_wait3A_166, %dma_wait3A_183, %dma_wait3A_184] : memref<2x16x125x2x80xi32, #tpu.memory_space<hbm>> -> memref<1x1x1x2x80xi32, #tpu.memory_space<hbm>>
    %dma_wait3A_186 = tpu.memref_squeeze %dma_wait3A_185 : memref<1x1x1x2x80xi32, #tpu.memory_space<hbm>> -> memref<2x80xi32, #tpu.memory_space<hbm>>
    tpu.wait_dma2 semaphore(%dma_wait3A_178 : memref<!tpu.dma_semaphore, #tpu.memory_space<semaphore_mem>>) src(%dma_wait3A_186 : memref<2x80xi32, #tpu.memory_space<hbm>>) dst(%dma_wait3A_182 : memref<2x80xi32, #tpu.memory_space<vmem>>)
    %dma_start3A_187 = arith.constant 1 : i32
    %dma_start3A_188 = arith.constant 0 : i32
    %dma_start3A_189 = arith.constant 1 : i32
    %dma_start3A_190 = arith.constant 1 : i32
    %dma_start3A_191 = arith.constant 0 : i32
    %dma_start3A_192 = arith.constant 0 : i32
    %dma_start3A_193 = tpu.memref_slice %arg10[%dma_start3A_189, %dma_start3A_191, %dma_start3A_192] : memref<4x80x128xf32, #tpu.memory_space<vmem>> -> memref<1x80x128xf32, #tpu.memory_space<vmem>>
    %dma_start3A_194 = tpu.memref_squeeze %dma_start3A_193 : memref<1x80x128xf32, #tpu.memory_space<vmem>> -> memref<80x128xf32, #tpu.memory_space<vmem>>
    %dma_start3A_195 = arith.constant 0 : i32
    %dma_start3A_196 = tpu.memref_slice %arg9[%dma_start3A_187, %dma_start3A_188, %dma_start3A_195] : memref<6x2x80xi32, #tpu.memory_space<vmem>> -> memref<1x1x80xi32, #tpu.memory_space<vmem>>
    %dma_start3A_197 = tpu.memref_squeeze %dma_start3A_196 : memref<1x1x80xi32, #tpu.memory_space<vmem>> -> memref<80xi32, #tpu.memory_space<vmem>>
    %dma_start3A_198 = arith.constant 0 : i32
    %dma_start3A_199 = arith.constant 0 : i32
    %dma_start3A_200 = tpu.memref_slice %arg2[%dma_start3A_198, %dma_start3A_199] : memref<10000x128xf32, #tpu.memory_space<hbm>> -> memref<10000x128xf32, #tpu.memory_space<hbm>>
    %dma_start3A_201 = tpu.memref_slice %arg15[%dma_start3A_190] : memref<4x!tpu.dma_semaphore, #tpu.memory_space<semaphore_mem>> -> memref<1x!tpu.dma_semaphore, #tpu.memory_space<semaphore_mem>>
    %dma_start3A_202 = tpu.memref_squeeze %dma_start3A_201 : memref<1x!tpu.dma_semaphore, #tpu.memory_space<semaphore_mem>> -> memref<!tpu.dma_semaphore, #tpu.memory_space<semaphore_mem>>
    tpu.enqueue_indirect_dma source(%dma_start3A_200 : memref<10000x128xf32, #tpu.memory_space<hbm>>) target(%dma_start3A_194 : memref<80x128xf32, #tpu.memory_space<vmem>>) offsets(%dma_start3A_197 : memref<80xi32, #tpu.memory_space<vmem>>) semaphore(%dma_start3A_202 : memref<!tpu.dma_semaphore, #tpu.memory_space<semaphore_mem>>)
    %dma_wait3A_203 = arith.constant 2 : i32
    %dma_wait3A_204 = arith.constant 2 : i32
    %dma_wait3A_205 = arith.constant 2 : i32
    %dma_wait3A_206 = arith.constant 0 : i32
    %dma_wait3A_207 = arith.constant 0 : i32
    %dma_wait3A_208 = tpu.memref_slice %arg9[%dma_wait3A_204, %dma_wait3A_206, %dma_wait3A_207] : memref<6x2x80xi32, #tpu.memory_space<vmem>> -> memref<1x2x80xi32, #tpu.memory_space<vmem>>
    %dma_wait3A_209 = tpu.memref_squeeze %dma_wait3A_208 : memref<1x2x80xi32, #tpu.memory_space<vmem>> -> memref<2x80xi32, #tpu.memory_space<vmem>>
    %dma_wait3A_210 = arith.constant 0 : i32
    %dma_wait3A_211 = arith.constant 0 : i32
    %dma_wait3A_212 = tpu.memref_slice %arg3[%arg0, %arg1, %dma_wait3A_203, %dma_wait3A_210, %dma_wait3A_211] : memref<2x16x125x2x80xi32, #tpu.memory_space<hbm>> -> memref<1x1x1x2x80xi32, #tpu.memory_space<hbm>>
    %dma_wait3A_213 = tpu.memref_squeeze %dma_wait3A_212 : memref<1x1x1x2x80xi32, #tpu.memory_space<hbm>> -> memref<2x80xi32, #tpu.memory_space<hbm>>
    %dma_wait3A_214 = tpu.memref_slice %arg14[%dma_wait3A_205] : memref<6x!tpu.dma_semaphore, #tpu.memory_space<semaphore_mem>> -> memref<1x!tpu.dma_semaphore, #tpu.memory_space<semaphore_mem>>
    %dma_wait3A_215 = tpu.memref_squeeze %dma_wait3A_214 : memref<1x!tpu.dma_semaphore, #tpu.memory_space<semaphore_mem>> -> memref<!tpu.dma_semaphore, #tpu.memory_space<semaphore_mem>>
    %dma_wait3A_216 = arith.constant 0 : i32
    %dma_wait3A_217 = arith.constant 0 : i32
    %dma_wait3A_218 = tpu.memref_slice %arg9[%dma_wait3A_204, %dma_wait3A_216, %dma_wait3A_217] : memref<6x2x80xi32, #tpu.memory_space<vmem>> -> memref<1x2x80xi32, #tpu.memory_space<vmem>>
    %dma_wait3A_219 = tpu.memref_squeeze %dma_wait3A_218 : memref<1x2x80xi32, #tpu.memory_space<vmem>> -> memref<2x80xi32, #tpu.memory_space<vmem>>
    %dma_wait3A_220 = arith.constant 0 : i32
    %dma_wait3A_221 = arith.constant 0 : i32
    %dma_wait3A_222 = tpu.memref_slice %arg3[%arg0, %arg1, %dma_wait3A_203, %dma_wait3A_220, %dma_wait3A_221] : memref<2x16x125x2x80xi32, #tpu.memory_space<hbm>> -> memref<1x1x1x2x80xi32, #tpu.memory_space<hbm>>
    %dma_wait3A_223 = tpu.memref_squeeze %dma_wait3A_222 : memref<1x1x1x2x80xi32, #tpu.memory_space<hbm>> -> memref<2x80xi32, #tpu.memory_space<hbm>>
    tpu.wait_dma2 semaphore(%dma_wait3A_215 : memref<!tpu.dma_semaphore, #tpu.memory_space<semaphore_mem>>) src(%dma_wait3A_223 : memref<2x80xi32, #tpu.memory_space<hbm>>) dst(%dma_wait3A_219 : memref<2x80xi32, #tpu.memory_space<vmem>>)
    %dma_start3A_224 = arith.constant 2 : i32
    %dma_start3A_225 = arith.constant 0 : i32
    %dma_start3A_226 = arith.constant 2 : i32
    %dma_start3A_227 = arith.constant 2 : i32
    %dma_start3A_228 = arith.constant 0 : i32
    %dma_start3A_229 = arith.constant 0 : i32
    %dma_start3A_230 = tpu.memref_slice %arg10[%dma_start3A_226, %dma_start3A_228, %dma_start3A_229] : memref<4x80x128xf32, #tpu.memory_space<vmem>> -> memref<1x80x128xf32, #tpu.memory_space<vmem>>
    %dma_start3A_231 = tpu.memref_squeeze %dma_start3A_230 : memref<1x80x128xf32, #tpu.memory_space<vmem>> -> memref<80x128xf32, #tpu.memory_space<vmem>>
    %dma_start3A_232 = arith.constant 0 : i32
    %dma_start3A_233 = tpu.memref_slice %arg9[%dma_start3A_224, %dma_start3A_225, %dma_start3A_232] : memref<6x2x80xi32, #tpu.memory_space<vmem>> -> memref<1x1x80xi32, #tpu.memory_space<vmem>>
    %dma_start3A_234 = tpu.memref_squeeze %dma_start3A_233 : memref<1x1x80xi32, #tpu.memory_space<vmem>> -> memref<80xi32, #tpu.memory_space<vmem>>
    %dma_start3A_235 = arith.constant 0 : i32
    %dma_start3A_236 = arith.constant 0 : i32
    %dma_start3A_237 = tpu.memref_slice %arg2[%dma_start3A_235, %dma_start3A_236] : memref<10000x128xf32, #tpu.memory_space<hbm>> -> memref<10000x128xf32, #tpu.memory_space<hbm>>
    %dma_start3A_238 = tpu.memref_slice %arg15[%dma_start3A_227] : memref<4x!tpu.dma_semaphore, #tpu.memory_space<semaphore_mem>> -> memref<1x!tpu.dma_semaphore, #tpu.memory_space<semaphore_mem>>
    %dma_start3A_239 = tpu.memref_squeeze %dma_start3A_238 : memref<1x!tpu.dma_semaphore, #tpu.memory_space<semaphore_mem>> -> memref<!tpu.dma_semaphore, #tpu.memory_space<semaphore_mem>>
    tpu.enqueue_indirect_dma source(%dma_start3A_237 : memref<10000x128xf32, #tpu.memory_space<hbm>>) target(%dma_start3A_231 : memref<80x128xf32, #tpu.memory_space<vmem>>) offsets(%dma_start3A_234 : memref<80xi32, #tpu.memory_space<vmem>>) semaphore(%dma_start3A_239 : memref<!tpu.dma_semaphore, #tpu.memory_space<semaphore_mem>>)
    %dma_wait3A_240 = arith.constant 0 : i32
    %dma_wait3A_241 = tpu.memref_slice %arg12[%mul3A_0, %dma_wait3A_240] : memref<10240x128xf32, #tpu.memory_space<vmem_shared>> -> memref<640x128xf32, #tpu.memory_space<vmem_shared>>
    tpu.wait_dma2 semaphore(%arg18 : memref<!tpu.dma_semaphore, #tpu.memory_space<semaphore_mem>>) src(%arg4 : memref<640x128xf32, #tpu.memory_space<hbm>>) dst(%dma_wait3A_241 : memref<640x128xf32, #tpu.memory_space<vmem_shared>>)
    %dma_wait3A_242 = arith.constant 0 : i32
    %dma_wait3A_243 = tpu.memref_slice %arg13[%mul3A_0, %dma_wait3A_242] : memref<10240x8xf32, #tpu.memory_space<vmem_shared>> -> memref<640x8xf32, #tpu.memory_space<vmem_shared>>
    tpu.wait_dma2 semaphore(%arg18 : memref<!tpu.dma_semaphore, #tpu.memory_space<semaphore_mem>>) src(%arg5 : memref<640x8xf32, #tpu.memory_space<hbm>>) dst(%dma_wait3A_243 : memref<640x8xf32, #tpu.memory_space<vmem_shared>>)
    tpu.wait_dma2 semaphore(%arg18 : memref<!tpu.dma_semaphore, #tpu.memory_space<semaphore_mem>>) src(%arg6 : memref<80x8xf32, #tpu.memory_space<hbm>>) dst(%arg11 : memref<80x8xf32, #tpu.memory_space<vmem>>)
    %barrier3A = arith.constant 0 : index
    tpu.barrier barrier_id(%barrier3A)
    %scan3A = arith.constant 0 : i32
    %scan3A_244 = arith.constant 0 : i32
    %scan3A_245 = arith.constant 125 : i32
    %scan3A_246 = arith.addi %scan3A_244, %scan3A_245 : i32
    %scan3A_247 = arith.constant 1 : i32
    scf.for %scan3A_378 = %scan3A_244 to %scan3A_246 step %scan3A_247  : i32 {
      %rem3A = arith.constant 4 : i32
      %rem3A_379 = arith.remsi %scan3A_378, %rem3A : i32
      %rem3A_380 = arith.constant 6 : i32
      %rem3A_381 = arith.remsi %scan3A_378, %rem3A_380 : i32
      %dma_wait3A_382 = arith.constant 0 : i32
      %dma_wait3A_383 = arith.constant 0 : i32
      %dma_wait3A_384 = arith.constant 0 : i32
      %dma_wait3A_385 = tpu.memref_slice %arg10[%rem3A_379, %dma_wait3A_383, %dma_wait3A_384] : memref<4x80x128xf32, #tpu.memory_space<vmem>> -> memref<1x80x128xf32, #tpu.memory_space<vmem>>
      %dma_wait3A_386 = tpu.memref_squeeze %dma_wait3A_385 : memref<1x80x128xf32, #tpu.memory_space<vmem>> -> memref<80x128xf32, #tpu.memory_space<vmem>>
      %dma_wait3A_387 = arith.constant 0 : i32
      %dma_wait3A_388 = tpu.memref_slice %arg9[%rem3A_381, %dma_wait3A_382, %dma_wait3A_387] : memref<6x2x80xi32, #tpu.memory_space<vmem>> -> memref<1x1x80xi32, #tpu.memory_space<vmem>>
      %dma_wait3A_389 = tpu.memref_squeeze %dma_wait3A_388 : memref<1x1x80xi32, #tpu.memory_space<vmem>> -> memref<80xi32, #tpu.memory_space<vmem>>
      %dma_wait3A_390 = arith.constant 0 : i32
      %dma_wait3A_391 = arith.constant 0 : i32
      %dma_wait3A_392 = tpu.memref_slice %arg2[%dma_wait3A_390, %dma_wait3A_391] : memref<10000x128xf32, #tpu.memory_space<hbm>> -> memref<10000x128xf32, #tpu.memory_space<hbm>>
      %dma_wait3A_393 = tpu.memref_slice %arg15[%rem3A_379] : memref<4x!tpu.dma_semaphore, #tpu.memory_space<semaphore_mem>> -> memref<1x!tpu.dma_semaphore, #tpu.memory_space<semaphore_mem>>
      %dma_wait3A_394 = tpu.memref_squeeze %dma_wait3A_393 : memref<1x!tpu.dma_semaphore, #tpu.memory_space<semaphore_mem>> -> memref<!tpu.dma_semaphore, #tpu.memory_space<semaphore_mem>>
      tpu.wait_indirect_dma semaphore(%dma_wait3A_394 : memref<!tpu.dma_semaphore, #tpu.memory_space<semaphore_mem>>) src(%dma_wait3A_392 : memref<10000x128xf32, #tpu.memory_space<hbm>>) dst(%dma_wait3A_386 : memref<80x128xf32, #tpu.memory_space<vmem>>)
      %dma_start3A_395 = arith.constant 1 : i32
      %dma_start3A_396 = arith.constant 0 : i32
      %dma_start3A_397 = arith.constant 0 : i32
      %dma_start3A_398 = tpu.memref_slice %arg10[%rem3A_379, %dma_start3A_396, %dma_start3A_397] : memref<4x80x128xf32, #tpu.memory_space<vmem>> -> memref<1x80x128xf32, #tpu.memory_space<vmem>>
      %dma_start3A_399 = tpu.memref_squeeze %dma_start3A_398 : memref<1x80x128xf32, #tpu.memory_space<vmem>> -> memref<80x128xf32, #tpu.memory_space<vmem>>
      %dma_start3A_400 = arith.constant 0 : i32
      %dma_start3A_401 = tpu.memref_slice %arg9[%rem3A_381, %dma_start3A_395, %dma_start3A_400] : memref<6x2x80xi32, #tpu.memory_space<vmem>> -> memref<1x1x80xi32, #tpu.memory_space<vmem>>
      %dma_start3A_402 = tpu.memref_squeeze %dma_start3A_401 : memref<1x1x80xi32, #tpu.memory_space<vmem>> -> memref<80xi32, #tpu.memory_space<vmem>>
      %dma_start3A_403 = arith.constant 0 : i32
      %dma_start3A_404 = arith.constant 0 : i32
      %dma_start3A_405 = tpu.memref_slice %arg12[%dma_start3A_403, %dma_start3A_404] : memref<10240x128xf32, #tpu.memory_space<vmem_shared>> -> memref<10240x128xf32, #tpu.memory_space<vmem_shared>>
      %dma_start3A_406 = tpu.memref_slice %arg16[%rem3A_379] : memref<4x!tpu.dma_semaphore, #tpu.memory_space<semaphore_mem>> -> memref<1x!tpu.dma_semaphore, #tpu.memory_space<semaphore_mem>>
      %dma_start3A_407 = tpu.memref_squeeze %dma_start3A_406 : memref<1x!tpu.dma_semaphore, #tpu.memory_space<semaphore_mem>> -> memref<!tpu.dma_semaphore, #tpu.memory_space<semaphore_mem>>
      tpu.enqueue_indirect_dma source(%dma_start3A_399 : memref<80x128xf32, #tpu.memory_space<vmem>>) target(%dma_start3A_405 : memref<10240x128xf32, #tpu.memory_space<vmem_shared>>) offsets(%dma_start3A_402 : memref<80xi32, #tpu.memory_space<vmem>>) semaphore(%dma_start3A_407 : memref<!tpu.dma_semaphore, #tpu.memory_space<semaphore_mem>>) {add = true}
      %dma_start3A_408 = arith.constant 1 : i32
      %dma_start3A_409 = arith.constant 0 : i32
      %dma_start3A_410 = tpu.memref_slice %arg9[%rem3A_381, %dma_start3A_408, %dma_start3A_409] : memref<6x2x80xi32, #tpu.memory_space<vmem>> -> memref<1x1x80xi32, #tpu.memory_space<vmem>>
      %dma_start3A_411 = tpu.memref_squeeze %dma_start3A_410 : memref<1x1x80xi32, #tpu.memory_space<vmem>> -> memref<80xi32, #tpu.memory_space<vmem>>
      %dma_start3A_412 = arith.constant 0 : i32
      %dma_start3A_413 = arith.constant 0 : i32
      %dma_start3A_414 = tpu.memref_slice %arg13[%dma_start3A_412, %dma_start3A_413] : memref<10240x8xf32, #tpu.memory_space<vmem_shared>> -> memref<10240x8xf32, #tpu.memory_space<vmem_shared>>
      %dma_start3A_415 = tpu.memref_slice %arg17[%rem3A_379] : memref<4x!tpu.dma_semaphore, #tpu.memory_space<semaphore_mem>> -> memref<1x!tpu.dma_semaphore, #tpu.memory_space<semaphore_mem>>
      %dma_start3A_416 = tpu.memref_squeeze %dma_start3A_415 : memref<1x!tpu.dma_semaphore, #tpu.memory_space<semaphore_mem>> -> memref<!tpu.dma_semaphore, #tpu.memory_space<semaphore_mem>>
      tpu.enqueue_indirect_dma source(%arg11 : memref<80x8xf32, #tpu.memory_space<vmem>>) target(%dma_start3A_414 : memref<10240x8xf32, #tpu.memory_space<vmem_shared>>) offsets(%dma_start3A_411 : memref<80xi32, #tpu.memory_space<vmem>>) semaphore(%dma_start3A_416 : memref<!tpu.dma_semaphore, #tpu.memory_space<semaphore_mem>>) {add = true}
      %add3A = arith.constant 4 : i32
      %add3A_417 = arith.addi %scan3A_378, %add3A : i32
      %sub3A = arith.constant 1 : i32
      %sub3A_418 = arith.subi %add3A_417, %sub3A : i32
      %lt3A = arith.constant 125 : i32
      %lt3A_419 = arith.cmpi slt, %sub3A_418, %lt3A : i32
      %convert_element_type3A = arith.extui %lt3A_419 : i1 to i32
      %cond3A = arith.constant 0 : i32
      %cond3A_420 = arith.cmpi ne, %convert_element_type3A, %cond3A : i32
      scf.if %cond3A_420 {
        %add3A_421 = arith.constant 4 : i32
        %add3A_422 = arith.addi %scan3A_378, %add3A_421 : i32
        %sub3A_423 = arith.constant 1 : i32
        %sub3A_424 = arith.subi %add3A_422, %sub3A_423 : i32
        %rem3A_425 = arith.constant 4 : i32
        %rem3A_426 = arith.remsi %sub3A_424, %rem3A_425 : i32
        %add3A_427 = arith.constant 6 : i32
        %add3A_428 = arith.addi %scan3A_378, %add3A_427 : i32
        %sub3A_429 = arith.constant 1 : i32
        %sub3A_430 = arith.subi %add3A_428, %sub3A_429 : i32
        %rem3A_431 = arith.constant 6 : i32
        %rem3A_432 = arith.remsi %sub3A_430, %rem3A_431 : i32
        %ge3A = arith.constant 1 : i32
        %ge3A_433 = arith.cmpi sge, %scan3A_378, %ge3A : i32
        %convert_element_type3A_434 = arith.extui %ge3A_433 : i1 to i32
        %cond3A_435 = arith.constant 0 : i32
        %cond3A_436 = arith.cmpi ne, %convert_element_type3A_434, %cond3A_435 : i32
        scf.if %cond3A_436 {
          %dma_wait3A_478 = arith.constant 1 : i32
          %dma_wait3A_479 = arith.constant 0 : i32
          %dma_wait3A_480 = arith.constant 0 : i32
          %dma_wait3A_481 = tpu.memref_slice %arg10[%rem3A_426, %dma_wait3A_479, %dma_wait3A_480] : memref<4x80x128xf32, #tpu.memory_space<vmem>> -> memref<1x80x128xf32, #tpu.memory_space<vmem>>
          %dma_wait3A_482 = tpu.memref_squeeze %dma_wait3A_481 : memref<1x80x128xf32, #tpu.memory_space<vmem>> -> memref<80x128xf32, #tpu.memory_space<vmem>>
          %dma_wait3A_483 = arith.constant 0 : i32
          %dma_wait3A_484 = tpu.memref_slice %arg9[%rem3A_432, %dma_wait3A_478, %dma_wait3A_483] : memref<6x2x80xi32, #tpu.memory_space<vmem>> -> memref<1x1x80xi32, #tpu.memory_space<vmem>>
          %dma_wait3A_485 = tpu.memref_squeeze %dma_wait3A_484 : memref<1x1x80xi32, #tpu.memory_space<vmem>> -> memref<80xi32, #tpu.memory_space<vmem>>
          %dma_wait3A_486 = arith.constant 0 : i32
          %dma_wait3A_487 = arith.constant 0 : i32
          %dma_wait3A_488 = tpu.memref_slice %arg12[%dma_wait3A_486, %dma_wait3A_487] : memref<10240x128xf32, #tpu.memory_space<vmem_shared>> -> memref<10240x128xf32, #tpu.memory_space<vmem_shared>>
          %dma_wait3A_489 = tpu.memref_slice %arg16[%rem3A_426] : memref<4x!tpu.dma_semaphore, #tpu.memory_space<semaphore_mem>> -> memref<1x!tpu.dma_semaphore, #tpu.memory_space<semaphore_mem>>
          %dma_wait3A_490 = tpu.memref_squeeze %dma_wait3A_489 : memref<1x!tpu.dma_semaphore, #tpu.memory_space<semaphore_mem>> -> memref<!tpu.dma_semaphore, #tpu.memory_space<semaphore_mem>>
          tpu.wait_indirect_dma semaphore(%dma_wait3A_490 : memref<!tpu.dma_semaphore, #tpu.memory_space<semaphore_mem>>) src(%dma_wait3A_482 : memref<80x128xf32, #tpu.memory_space<vmem>>) dst(%dma_wait3A_488 : memref<10240x128xf32, #tpu.memory_space<vmem_shared>>)
          %dma_wait3A_491 = arith.constant 1 : i32
          %dma_wait3A_492 = arith.constant 0 : i32
          %dma_wait3A_493 = tpu.memref_slice %arg9[%rem3A_432, %dma_wait3A_491, %dma_wait3A_492] : memref<6x2x80xi32, #tpu.memory_space<vmem>> -> memref<1x1x80xi32, #tpu.memory_space<vmem>>
          %dma_wait3A_494 = tpu.memref_squeeze %dma_wait3A_493 : memref<1x1x80xi32, #tpu.memory_space<vmem>> -> memref<80xi32, #tpu.memory_space<vmem>>
          %dma_wait3A_495 = arith.constant 0 : i32
          %dma_wait3A_496 = arith.constant 0 : i32
          %dma_wait3A_497 = tpu.memref_slice %arg13[%dma_wait3A_495, %dma_wait3A_496] : memref<10240x8xf32, #tpu.memory_space<vmem_shared>> -> memref<10240x8xf32, #tpu.memory_space<vmem_shared>>
          %dma_wait3A_498 = tpu.memref_slice %arg17[%rem3A_426] : memref<4x!tpu.dma_semaphore, #tpu.memory_space<semaphore_mem>> -> memref<1x!tpu.dma_semaphore, #tpu.memory_space<semaphore_mem>>
          %dma_wait3A_499 = tpu.memref_squeeze %dma_wait3A_498 : memref<1x!tpu.dma_semaphore, #tpu.memory_space<semaphore_mem>> -> memref<!tpu.dma_semaphore, #tpu.memory_space<semaphore_mem>>
          tpu.wait_indirect_dma semaphore(%dma_wait3A_499 : memref<!tpu.dma_semaphore, #tpu.memory_space<semaphore_mem>>) src(%arg11 : memref<80x8xf32, #tpu.memory_space<vmem>>) dst(%dma_wait3A_497 : memref<10240x8xf32, #tpu.memory_space<vmem_shared>>)
          %sub3A_500 = arith.constant 1 : i32
          %sub3A_501 = arith.subi %scan3A_378, %sub3A_500 : i32
          %add3A_502 = arith.constant 6 : i32
          %add3A_503 = arith.addi %sub3A_501, %add3A_502 : i32
          %lt3A_504 = arith.constant 125 : i32
          %lt3A_505 = arith.cmpi slt, %add3A_503, %lt3A_504 : i32
          %convert_element_type3A_506 = arith.extui %lt3A_505 : i1 to i32
          %cond3A_507 = arith.constant 0 : i32
          %cond3A_508 = arith.cmpi ne, %convert_element_type3A_506, %cond3A_507 : i32
          scf.if %cond3A_508 {
            %sub3A_509 = arith.constant 1 : i32
            %sub3A_510 = arith.subi %scan3A_378, %sub3A_509 : i32
            %add3A_511 = arith.constant 6 : i32
            %add3A_512 = arith.addi %sub3A_510, %add3A_511 : i32
            %dma_start3A_513 = arith.constant 0 : i32
            %dma_start3A_514 = arith.constant 0 : i32
            %dma_start3A_515 = tpu.memref_slice %arg9[%rem3A_432, %dma_start3A_513, %dma_start3A_514] : memref<6x2x80xi32, #tpu.memory_space<vmem>> -> memref<1x2x80xi32, #tpu.memory_space<vmem>>
            %dma_start3A_516 = tpu.memref_squeeze %dma_start3A_515 : memref<1x2x80xi32, #tpu.memory_space<vmem>> -> memref<2x80xi32, #tpu.memory_space<vmem>>
            %dma_start3A_517 = arith.constant 0 : i32
            %dma_start3A_518 = arith.constant 0 : i32
            %dma_start3A_519 = tpu.memref_slice %arg3[%arg0, %arg1, %add3A_512, %dma_start3A_517, %dma_start3A_518] : memref<2x16x125x2x80xi32, #tpu.memory_space<hbm>> -> memref<1x1x1x2x80xi32, #tpu.memory_space<hbm>>
            %dma_start3A_520 = tpu.memref_squeeze %dma_start3A_519 : memref<1x1x1x2x80xi32, #tpu.memory_space<hbm>> -> memref<2x80xi32, #tpu.memory_space<hbm>>
            %dma_start3A_521 = tpu.memref_slice %arg14[%rem3A_432] : memref<6x!tpu.dma_semaphore, #tpu.memory_space<semaphore_mem>> -> memref<1x!tpu.dma_semaphore, #tpu.memory_space<semaphore_mem>>
            %dma_start3A_522 = tpu.memref_squeeze %dma_start3A_521 : memref<1x!tpu.dma_semaphore, #tpu.memory_space<semaphore_mem>> -> memref<!tpu.dma_semaphore, #tpu.memory_space<semaphore_mem>>
            %dma_start3A_523 = arith.constant 0 : i32
            %dma_start3A_524 = arith.constant 0 : i32
            %dma_start3A_525 = tpu.memref_slice %arg9[%rem3A_432, %dma_start3A_523, %dma_start3A_524] : memref<6x2x80xi32, #tpu.memory_space<vmem>> -> memref<1x2x80xi32, #tpu.memory_space<vmem>>
            %dma_start3A_526 = tpu.memref_squeeze %dma_start3A_525 : memref<1x2x80xi32, #tpu.memory_space<vmem>> -> memref<2x80xi32, #tpu.memory_space<vmem>>
            %dma_start3A_527 = arith.constant 0 : i32
            %dma_start3A_528 = arith.constant 0 : i32
            %dma_start3A_529 = tpu.memref_slice %arg3[%arg0, %arg1, %add3A_512, %dma_start3A_527, %dma_start3A_528] : memref<2x16x125x2x80xi32, #tpu.memory_space<hbm>> -> memref<1x1x1x2x80xi32, #tpu.memory_space<hbm>>
            %dma_start3A_530 = tpu.memref_squeeze %dma_start3A_529 : memref<1x1x1x2x80xi32, #tpu.memory_space<hbm>> -> memref<2x80xi32, #tpu.memory_space<hbm>>
            tpu.enqueue_dma source(%dma_start3A_530 : memref<2x80xi32, #tpu.memory_space<hbm>>) target(%dma_start3A_526 : memref<2x80xi32, #tpu.memory_space<vmem>>) target_semaphore(%dma_start3A_522 : memref<!tpu.dma_semaphore, #tpu.memory_space<semaphore_mem>>)
          } else {
          }
        } else {
        }
        %add3A_437 = arith.constant 4 : i32
        %add3A_438 = arith.addi %scan3A_378, %add3A_437 : i32
        %sub3A_439 = arith.constant 1 : i32
        %sub3A_440 = arith.subi %add3A_438, %sub3A_439 : i32
        %rem3A_441 = arith.constant 6 : i32
        %rem3A_442 = arith.remsi %sub3A_440, %rem3A_441 : i32
        %add3A_443 = arith.constant 4 : i32
        %add3A_444 = arith.addi %scan3A_378, %add3A_443 : i32
        %sub3A_445 = arith.constant 1 : i32
        %sub3A_446 = arith.subi %add3A_444, %sub3A_445 : i32
        %dma_wait3A_447 = arith.constant 0 : i32
        %dma_wait3A_448 = arith.constant 0 : i32
        %dma_wait3A_449 = tpu.memref_slice %arg9[%rem3A_442, %dma_wait3A_447, %dma_wait3A_448] : memref<6x2x80xi32, #tpu.memory_space<vmem>> -> memref<1x2x80xi32, #tpu.memory_space<vmem>>
        %dma_wait3A_450 = tpu.memref_squeeze %dma_wait3A_449 : memref<1x2x80xi32, #tpu.memory_space<vmem>> -> memref<2x80xi32, #tpu.memory_space<vmem>>
        %dma_wait3A_451 = arith.constant 0 : i32
        %dma_wait3A_452 = arith.constant 0 : i32
        %dma_wait3A_453 = tpu.memref_slice %arg3[%arg0, %arg1, %sub3A_446, %dma_wait3A_451, %dma_wait3A_452] : memref<2x16x125x2x80xi32, #tpu.memory_space<hbm>> -> memref<1x1x1x2x80xi32, #tpu.memory_space<hbm>>
        %dma_wait3A_454 = tpu.memref_squeeze %dma_wait3A_453 : memref<1x1x1x2x80xi32, #tpu.memory_space<hbm>> -> memref<2x80xi32, #tpu.memory_space<hbm>>
        %dma_wait3A_455 = tpu.memref_slice %arg14[%rem3A_442] : memref<6x!tpu.dma_semaphore, #tpu.memory_space<semaphore_mem>> -> memref<1x!tpu.dma_semaphore, #tpu.memory_space<semaphore_mem>>
        %dma_wait3A_456 = tpu.memref_squeeze %dma_wait3A_455 : memref<1x!tpu.dma_semaphore, #tpu.memory_space<semaphore_mem>> -> memref<!tpu.dma_semaphore, #tpu.memory_space<semaphore_mem>>
        %dma_wait3A_457 = arith.constant 0 : i32
        %dma_wait3A_458 = arith.constant 0 : i32
        %dma_wait3A_459 = tpu.memref_slice %arg9[%rem3A_442, %dma_wait3A_457, %dma_wait3A_458] : memref<6x2x80xi32, #tpu.memory_space<vmem>> -> memref<1x2x80xi32, #tpu.memory_space<vmem>>
        %dma_wait3A_460 = tpu.memref_squeeze %dma_wait3A_459 : memref<1x2x80xi32, #tpu.memory_space<vmem>> -> memref<2x80xi32, #tpu.memory_space<vmem>>
        %dma_wait3A_461 = arith.constant 0 : i32
        %dma_wait3A_462 = arith.constant 0 : i32
        %dma_wait3A_463 = tpu.memref_slice %arg3[%arg0, %arg1, %sub3A_446, %dma_wait3A_461, %dma_wait3A_462] : memref<2x16x125x2x80xi32, #tpu.memory_space<hbm>> -> memref<1x1x1x2x80xi32, #tpu.memory_space<hbm>>
        %dma_wait3A_464 = tpu.memref_squeeze %dma_wait3A_463 : memref<1x1x1x2x80xi32, #tpu.memory_space<hbm>> -> memref<2x80xi32, #tpu.memory_space<hbm>>
        tpu.wait_dma2 semaphore(%dma_wait3A_456 : memref<!tpu.dma_semaphore, #tpu.memory_space<semaphore_mem>>) src(%dma_wait3A_464 : memref<2x80xi32, #tpu.memory_space<hbm>>) dst(%dma_wait3A_460 : memref<2x80xi32, #tpu.memory_space<vmem>>)
        %dma_start3A_465 = arith.constant 0 : i32
        %dma_start3A_466 = arith.constant 0 : i32
        %dma_start3A_467 = arith.constant 0 : i32
        %dma_start3A_468 = tpu.memref_slice %arg10[%rem3A_426, %dma_start3A_466, %dma_start3A_467] : memref<4x80x128xf32, #tpu.memory_space<vmem>> -> memref<1x80x128xf32, #tpu.memory_space<vmem>>
        %dma_start3A_469 = tpu.memref_squeeze %dma_start3A_468 : memref<1x80x128xf32, #tpu.memory_space<vmem>> -> memref<80x128xf32, #tpu.memory_space<vmem>>
        %dma_start3A_470 = arith.constant 0 : i32
        %dma_start3A_471 = tpu.memref_slice %arg9[%rem3A_442, %dma_start3A_465, %dma_start3A_470] : memref<6x2x80xi32, #tpu.memory_space<vmem>> -> memref<1x1x80xi32, #tpu.memory_space<vmem>>
        %dma_start3A_472 = tpu.memref_squeeze %dma_start3A_471 : memref<1x1x80xi32, #tpu.memory_space<vmem>> -> memref<80xi32, #tpu.memory_space<vmem>>
        %dma_start3A_473 = arith.constant 0 : i32
        %dma_start3A_474 = arith.constant 0 : i32
        %dma_start3A_475 = tpu.memref_slice %arg2[%dma_start3A_473, %dma_start3A_474] : memref<10000x128xf32, #tpu.memory_space<hbm>> -> memref<10000x128xf32, #tpu.memory_space<hbm>>
        %dma_start3A_476 = tpu.memref_slice %arg15[%rem3A_426] : memref<4x!tpu.dma_semaphore, #tpu.memory_space<semaphore_mem>> -> memref<1x!tpu.dma_semaphore, #tpu.memory_space<semaphore_mem>>
        %dma_start3A_477 = tpu.memref_squeeze %dma_start3A_476 : memref<1x!tpu.dma_semaphore, #tpu.memory_space<semaphore_mem>> -> memref<!tpu.dma_semaphore, #tpu.memory_space<semaphore_mem>>
        tpu.enqueue_indirect_dma source(%dma_start3A_475 : memref<10000x128xf32, #tpu.memory_space<hbm>>) target(%dma_start3A_469 : memref<80x128xf32, #tpu.memory_space<vmem>>) offsets(%dma_start3A_472 : memref<80xi32, #tpu.memory_space<vmem>>) semaphore(%dma_start3A_477 : memref<!tpu.dma_semaphore, #tpu.memory_space<semaphore_mem>>)
      } else {
      }
    }
    %scan3A_248 = arith.constant 125 : i32
    %dma_wait3A_249 = arith.constant 1 : i32
    %dma_wait3A_250 = arith.constant 1 : i32
    %dma_wait3A_251 = arith.constant 1 : i32
    %dma_wait3A_252 = arith.constant 1 : i32
    %dma_wait3A_253 = arith.constant 0 : i32
    %dma_wait3A_254 = arith.constant 0 : i32
    %dma_wait3A_255 = tpu.memref_slice %arg10[%dma_wait3A_249, %dma_wait3A_253, %dma_wait3A_254] : memref<4x80x128xf32, #tpu.memory_space<vmem>> -> memref<1x80x128xf32, #tpu.memory_space<vmem>>
    %dma_wait3A_256 = tpu.memref_squeeze %dma_wait3A_255 : memref<1x80x128xf32, #tpu.memory_space<vmem>> -> memref<80x128xf32, #tpu.memory_space<vmem>>
    %dma_wait3A_257 = arith.constant 0 : i32
    %dma_wait3A_258 = tpu.memref_slice %arg9[%dma_wait3A_250, %dma_wait3A_251, %dma_wait3A_257] : memref<6x2x80xi32, #tpu.memory_space<vmem>> -> memref<1x1x80xi32, #tpu.memory_space<vmem>>
    %dma_wait3A_259 = tpu.memref_squeeze %dma_wait3A_258 : memref<1x1x80xi32, #tpu.memory_space<vmem>> -> memref<80xi32, #tpu.memory_space<vmem>>
    %dma_wait3A_260 = arith.constant 0 : i32
    %dma_wait3A_261 = arith.constant 0 : i32
    %dma_wait3A_262 = tpu.memref_slice %arg12[%dma_wait3A_260, %dma_wait3A_261] : memref<10240x128xf32, #tpu.memory_space<vmem_shared>> -> memref<10240x128xf32, #tpu.memory_space<vmem_shared>>
    %dma_wait3A_263 = tpu.memref_slice %arg16[%dma_wait3A_252] : memref<4x!tpu.dma_semaphore, #tpu.memory_space<semaphore_mem>> -> memref<1x!tpu.dma_semaphore, #tpu.memory_space<semaphore_mem>>
    %dma_wait3A_264 = tpu.memref_squeeze %dma_wait3A_263 : memref<1x!tpu.dma_semaphore, #tpu.memory_space<semaphore_mem>> -> memref<!tpu.dma_semaphore, #tpu.memory_space<semaphore_mem>>
    tpu.wait_indirect_dma semaphore(%dma_wait3A_264 : memref<!tpu.dma_semaphore, #tpu.memory_space<semaphore_mem>>) src(%dma_wait3A_256 : memref<80x128xf32, #tpu.memory_space<vmem>>) dst(%dma_wait3A_262 : memref<10240x128xf32, #tpu.memory_space<vmem_shared>>)
    %dma_wait3A_265 = arith.constant 1 : i32
    %dma_wait3A_266 = arith.constant 1 : i32
    %dma_wait3A_267 = arith.constant 1 : i32
    %dma_wait3A_268 = arith.constant 0 : i32
    %dma_wait3A_269 = tpu.memref_slice %arg9[%dma_wait3A_265, %dma_wait3A_266, %dma_wait3A_268] : memref<6x2x80xi32, #tpu.memory_space<vmem>> -> memref<1x1x80xi32, #tpu.memory_space<vmem>>
    %dma_wait3A_270 = tpu.memref_squeeze %dma_wait3A_269 : memref<1x1x80xi32, #tpu.memory_space<vmem>> -> memref<80xi32, #tpu.memory_space<vmem>>
    %dma_wait3A_271 = arith.constant 0 : i32
    %dma_wait3A_272 = arith.constant 0 : i32
    %dma_wait3A_273 = tpu.memref_slice %arg13[%dma_wait3A_271, %dma_wait3A_272] : memref<10240x8xf32, #tpu.memory_space<vmem_shared>> -> memref<10240x8xf32, #tpu.memory_space<vmem_shared>>
    %dma_wait3A_274 = tpu.memref_slice %arg17[%dma_wait3A_267] : memref<4x!tpu.dma_semaphore, #tpu.memory_space<semaphore_mem>> -> memref<1x!tpu.dma_semaphore, #tpu.memory_space<semaphore_mem>>
    %dma_wait3A_275 = tpu.memref_squeeze %dma_wait3A_274 : memref<1x!tpu.dma_semaphore, #tpu.memory_space<semaphore_mem>> -> memref<!tpu.dma_semaphore, #tpu.memory_space<semaphore_mem>>
    tpu.wait_indirect_dma semaphore(%dma_wait3A_275 : memref<!tpu.dma_semaphore, #tpu.memory_space<semaphore_mem>>) src(%arg11 : memref<80x8xf32, #tpu.memory_space<vmem>>) dst(%dma_wait3A_273 : memref<10240x8xf32, #tpu.memory_space<vmem_shared>>)
    %dma_wait3A_276 = arith.constant 2 : i32
    %dma_wait3A_277 = arith.constant 2 : i32
    %dma_wait3A_278 = arith.constant 1 : i32
    %dma_wait3A_279 = arith.constant 2 : i32
    %dma_wait3A_280 = arith.constant 0 : i32
    %dma_wait3A_281 = arith.constant 0 : i32
    %dma_wait3A_282 = tpu.memref_slice %arg10[%dma_wait3A_276, %dma_wait3A_280, %dma_wait3A_281] : memref<4x80x128xf32, #tpu.memory_space<vmem>> -> memref<1x80x128xf32, #tpu.memory_space<vmem>>
    %dma_wait3A_283 = tpu.memref_squeeze %dma_wait3A_282 : memref<1x80x128xf32, #tpu.memory_space<vmem>> -> memref<80x128xf32, #tpu.memory_space<vmem>>
    %dma_wait3A_284 = arith.constant 0 : i32
    %dma_wait3A_285 = tpu.memref_slice %arg9[%dma_wait3A_277, %dma_wait3A_278, %dma_wait3A_284] : memref<6x2x80xi32, #tpu.memory_space<vmem>> -> memref<1x1x80xi32, #tpu.memory_space<vmem>>
    %dma_wait3A_286 = tpu.memref_squeeze %dma_wait3A_285 : memref<1x1x80xi32, #tpu.memory_space<vmem>> -> memref<80xi32, #tpu.memory_space<vmem>>
    %dma_wait3A_287 = arith.constant 0 : i32
    %dma_wait3A_288 = arith.constant 0 : i32
    %dma_wait3A_289 = tpu.memref_slice %arg12[%dma_wait3A_287, %dma_wait3A_288] : memref<10240x128xf32, #tpu.memory_space<vmem_shared>> -> memref<10240x128xf32, #tpu.memory_space<vmem_shared>>
    %dma_wait3A_290 = tpu.memref_slice %arg16[%dma_wait3A_279] : memref<4x!tpu.dma_semaphore, #tpu.memory_space<semaphore_mem>> -> memref<1x!tpu.dma_semaphore, #tpu.memory_space<semaphore_mem>>
    %dma_wait3A_291 = tpu.memref_squeeze %dma_wait3A_290 : memref<1x!tpu.dma_semaphore, #tpu.memory_space<semaphore_mem>> -> memref<!tpu.dma_semaphore, #tpu.memory_space<semaphore_mem>>
    tpu.wait_indirect_dma semaphore(%dma_wait3A_291 : memref<!tpu.dma_semaphore, #tpu.memory_space<semaphore_mem>>) src(%dma_wait3A_283 : memref<80x128xf32, #tpu.memory_space<vmem>>) dst(%dma_wait3A_289 : memref<10240x128xf32, #tpu.memory_space<vmem_shared>>)
    %dma_wait3A_292 = arith.constant 2 : i32
    %dma_wait3A_293 = arith.constant 1 : i32
    %dma_wait3A_294 = arith.constant 2 : i32
    %dma_wait3A_295 = arith.constant 0 : i32
    %dma_wait3A_296 = tpu.memref_slice %arg9[%dma_wait3A_292, %dma_wait3A_293, %dma_wait3A_295] : memref<6x2x80xi32, #tpu.memory_space<vmem>> -> memref<1x1x80xi32, #tpu.memory_space<vmem>>
    %dma_wait3A_297 = tpu.memref_squeeze %dma_wait3A_296 : memref<1x1x80xi32, #tpu.memory_space<vmem>> -> memref<80xi32, #tpu.memory_space<vmem>>
    %dma_wait3A_298 = arith.constant 0 : i32
    %dma_wait3A_299 = arith.constant 0 : i32
    %dma_wait3A_300 = tpu.memref_slice %arg13[%dma_wait3A_298, %dma_wait3A_299] : memref<10240x8xf32, #tpu.memory_space<vmem_shared>> -> memref<10240x8xf32, #tpu.memory_space<vmem_shared>>
    %dma_wait3A_301 = tpu.memref_slice %arg17[%dma_wait3A_294] : memref<4x!tpu.dma_semaphore, #tpu.memory_space<semaphore_mem>> -> memref<1x!tpu.dma_semaphore, #tpu.memory_space<semaphore_mem>>
    %dma_wait3A_302 = tpu.memref_squeeze %dma_wait3A_301 : memref<1x!tpu.dma_semaphore, #tpu.memory_space<semaphore_mem>> -> memref<!tpu.dma_semaphore, #tpu.memory_space<semaphore_mem>>
    tpu.wait_indirect_dma semaphore(%dma_wait3A_302 : memref<!tpu.dma_semaphore, #tpu.memory_space<semaphore_mem>>) src(%arg11 : memref<80x8xf32, #tpu.memory_space<vmem>>) dst(%dma_wait3A_300 : memref<10240x8xf32, #tpu.memory_space<vmem_shared>>)
    %dma_wait3A_303 = arith.constant 3 : i32
    %dma_wait3A_304 = arith.constant 3 : i32
    %dma_wait3A_305 = arith.constant 1 : i32
    %dma_wait3A_306 = arith.constant 3 : i32
    %dma_wait3A_307 = arith.constant 0 : i32
    %dma_wait3A_308 = arith.constant 0 : i32
    %dma_wait3A_309 = tpu.memref_slice %arg10[%dma_wait3A_303, %dma_wait3A_307, %dma_wait3A_308] : memref<4x80x128xf32, #tpu.memory_space<vmem>> -> memref<1x80x128xf32, #tpu.memory_space<vmem>>
    %dma_wait3A_310 = tpu.memref_squeeze %dma_wait3A_309 : memref<1x80x128xf32, #tpu.memory_space<vmem>> -> memref<80x128xf32, #tpu.memory_space<vmem>>
    %dma_wait3A_311 = arith.constant 0 : i32
    %dma_wait3A_312 = tpu.memref_slice %arg9[%dma_wait3A_304, %dma_wait3A_305, %dma_wait3A_311] : memref<6x2x80xi32, #tpu.memory_space<vmem>> -> memref<1x1x80xi32, #tpu.memory_space<vmem>>
    %dma_wait3A_313 = tpu.memref_squeeze %dma_wait3A_312 : memref<1x1x80xi32, #tpu.memory_space<vmem>> -> memref<80xi32, #tpu.memory_space<vmem>>
    %dma_wait3A_314 = arith.constant 0 : i32
    %dma_wait3A_315 = arith.constant 0 : i32
    %dma_wait3A_316 = tpu.memref_slice %arg12[%dma_wait3A_314, %dma_wait3A_315] : memref<10240x128xf32, #tpu.memory_space<vmem_shared>> -> memref<10240x128xf32, #tpu.memory_space<vmem_shared>>
    %dma_wait3A_317 = tpu.memref_slice %arg16[%dma_wait3A_306] : memref<4x!tpu.dma_semaphore, #tpu.memory_space<semaphore_mem>> -> memref<1x!tpu.dma_semaphore, #tpu.memory_space<semaphore_mem>>
    %dma_wait3A_318 = tpu.memref_squeeze %dma_wait3A_317 : memref<1x!tpu.dma_semaphore, #tpu.memory_space<semaphore_mem>> -> memref<!tpu.dma_semaphore, #tpu.memory_space<semaphore_mem>>
    tpu.wait_indirect_dma semaphore(%dma_wait3A_318 : memref<!tpu.dma_semaphore, #tpu.memory_space<semaphore_mem>>) src(%dma_wait3A_310 : memref<80x128xf32, #tpu.memory_space<vmem>>) dst(%dma_wait3A_316 : memref<10240x128xf32, #tpu.memory_space<vmem_shared>>)
    %dma_wait3A_319 = arith.constant 3 : i32
    %dma_wait3A_320 = arith.constant 1 : i32
    %dma_wait3A_321 = arith.constant 3 : i32
    %dma_wait3A_322 = arith.constant 0 : i32
    %dma_wait3A_323 = tpu.memref_slice %arg9[%dma_wait3A_319, %dma_wait3A_320, %dma_wait3A_322] : memref<6x2x80xi32, #tpu.memory_space<vmem>> -> memref<1x1x80xi32, #tpu.memory_space<vmem>>
    %dma_wait3A_324 = tpu.memref_squeeze %dma_wait3A_323 : memref<1x1x80xi32, #tpu.memory_space<vmem>> -> memref<80xi32, #tpu.memory_space<vmem>>
    %dma_wait3A_325 = arith.constant 0 : i32
    %dma_wait3A_326 = arith.constant 0 : i32
    %dma_wait3A_327 = tpu.memref_slice %arg13[%dma_wait3A_325, %dma_wait3A_326] : memref<10240x8xf32, #tpu.memory_space<vmem_shared>> -> memref<10240x8xf32, #tpu.memory_space<vmem_shared>>
    %dma_wait3A_328 = tpu.memref_slice %arg17[%dma_wait3A_321] : memref<4x!tpu.dma_semaphore, #tpu.memory_space<semaphore_mem>> -> memref<1x!tpu.dma_semaphore, #tpu.memory_space<semaphore_mem>>
    %dma_wait3A_329 = tpu.memref_squeeze %dma_wait3A_328 : memref<1x!tpu.dma_semaphore, #tpu.memory_space<semaphore_mem>> -> memref<!tpu.dma_semaphore, #tpu.memory_space<semaphore_mem>>
    tpu.wait_indirect_dma semaphore(%dma_wait3A_329 : memref<!tpu.dma_semaphore, #tpu.memory_space<semaphore_mem>>) src(%arg11 : memref<80x8xf32, #tpu.memory_space<vmem>>) dst(%dma_wait3A_327 : memref<10240x8xf32, #tpu.memory_space<vmem_shared>>)
    %dma_wait3A_330 = arith.constant 0 : i32
    %dma_wait3A_331 = arith.constant 4 : i32
    %dma_wait3A_332 = arith.constant 1 : i32
    %dma_wait3A_333 = arith.constant 0 : i32
    %dma_wait3A_334 = arith.constant 0 : i32
    %dma_wait3A_335 = arith.constant 0 : i32
    %dma_wait3A_336 = tpu.memref_slice %arg10[%dma_wait3A_330, %dma_wait3A_334, %dma_wait3A_335] : memref<4x80x128xf32, #tpu.memory_space<vmem>> -> memref<1x80x128xf32, #tpu.memory_space<vmem>>
    %dma_wait3A_337 = tpu.memref_squeeze %dma_wait3A_336 : memref<1x80x128xf32, #tpu.memory_space<vmem>> -> memref<80x128xf32, #tpu.memory_space<vmem>>
    %dma_wait3A_338 = arith.constant 0 : i32
    %dma_wait3A_339 = tpu.memref_slice %arg9[%dma_wait3A_331, %dma_wait3A_332, %dma_wait3A_338] : memref<6x2x80xi32, #tpu.memory_space<vmem>> -> memref<1x1x80xi32, #tpu.memory_space<vmem>>
    %dma_wait3A_340 = tpu.memref_squeeze %dma_wait3A_339 : memref<1x1x80xi32, #tpu.memory_space<vmem>> -> memref<80xi32, #tpu.memory_space<vmem>>
    %dma_wait3A_341 = arith.constant 0 : i32
    %dma_wait3A_342 = arith.constant 0 : i32
    %dma_wait3A_343 = tpu.memref_slice %arg12[%dma_wait3A_341, %dma_wait3A_342] : memref<10240x128xf32, #tpu.memory_space<vmem_shared>> -> memref<10240x128xf32, #tpu.memory_space<vmem_shared>>
    %dma_wait3A_344 = tpu.memref_slice %arg16[%dma_wait3A_333] : memref<4x!tpu.dma_semaphore, #tpu.memory_space<semaphore_mem>> -> memref<1x!tpu.dma_semaphore, #tpu.memory_space<semaphore_mem>>
    %dma_wait3A_345 = tpu.memref_squeeze %dma_wait3A_344 : memref<1x!tpu.dma_semaphore, #tpu.memory_space<semaphore_mem>> -> memref<!tpu.dma_semaphore, #tpu.memory_space<semaphore_mem>>
    tpu.wait_indirect_dma semaphore(%dma_wait3A_345 : memref<!tpu.dma_semaphore, #tpu.memory_space<semaphore_mem>>) src(%dma_wait3A_337 : memref<80x128xf32, #tpu.memory_space<vmem>>) dst(%dma_wait3A_343 : memref<10240x128xf32, #tpu.memory_space<vmem_shared>>)
    %dma_wait3A_346 = arith.constant 4 : i32
    %dma_wait3A_347 = arith.constant 1 : i32
    %dma_wait3A_348 = arith.constant 0 : i32
    %dma_wait3A_349 = arith.constant 0 : i32
    %dma_wait3A_350 = tpu.memref_slice %arg9[%dma_wait3A_346, %dma_wait3A_347, %dma_wait3A_349] : memref<6x2x80xi32, #tpu.memory_space<vmem>> -> memref<1x1x80xi32, #tpu.memory_space<vmem>>
    %dma_wait3A_351 = tpu.memref_squeeze %dma_wait3A_350 : memref<1x1x80xi32, #tpu.memory_space<vmem>> -> memref<80xi32, #tpu.memory_space<vmem>>
    %dma_wait3A_352 = arith.constant 0 : i32
    %dma_wait3A_353 = arith.constant 0 : i32
    %dma_wait3A_354 = tpu.memref_slice %arg13[%dma_wait3A_352, %dma_wait3A_353] : memref<10240x8xf32, #tpu.memory_space<vmem_shared>> -> memref<10240x8xf32, #tpu.memory_space<vmem_shared>>
    %dma_wait3A_355 = tpu.memref_slice %arg17[%dma_wait3A_348] : memref<4x!tpu.dma_semaphore, #tpu.memory_space<semaphore_mem>> -> memref<1x!tpu.dma_semaphore, #tpu.memory_space<semaphore_mem>>
    %dma_wait3A_356 = tpu.memref_squeeze %dma_wait3A_355 : memref<1x!tpu.dma_semaphore, #tpu.memory_space<semaphore_mem>> -> memref<!tpu.dma_semaphore, #tpu.memory_space<semaphore_mem>>
    tpu.wait_indirect_dma semaphore(%dma_wait3A_356 : memref<!tpu.dma_semaphore, #tpu.memory_space<semaphore_mem>>) src(%arg11 : memref<80x8xf32, #tpu.memory_space<vmem>>) dst(%dma_wait3A_354 : memref<10240x8xf32, #tpu.memory_space<vmem_shared>>)
    %barrier3A_357 = arith.constant 0 : index
    tpu.barrier barrier_id(%barrier3A_357)
    %dma_start3A_358 = arith.constant 0 : i32
    %dma_start3A_359 = tpu.memref_slice %arg7[%arg0, %mul3A_0, %dma_start3A_358] : memref<2x10240x128xf32, #tpu.memory_space<hbm>> -> memref<1x640x128xf32, #tpu.memory_space<hbm>>
    %dma_start3A_360 = tpu.memref_squeeze %dma_start3A_359 : memref<1x640x128xf32, #tpu.memory_space<hbm>> -> memref<640x128xf32, #tpu.memory_space<hbm>>
    %dma_start3A_361 = arith.constant 0 : i32
    %dma_start3A_362 = tpu.memref_slice %arg12[%mul3A_0, %dma_start3A_361] : memref<10240x128xf32, #tpu.memory_space<vmem_shared>> -> memref<640x128xf32, #tpu.memory_space<vmem_shared>>
    tpu.enqueue_dma source(%dma_start3A_362 : memref<640x128xf32, #tpu.memory_space<vmem_shared>>) target(%dma_start3A_360 : memref<640x128xf32, #tpu.memory_space<hbm>>) target_semaphore(%arg18 : memref<!tpu.dma_semaphore, #tpu.memory_space<semaphore_mem>>)
    %dma_start3A_363 = arith.constant 0 : i32
    %dma_start3A_364 = tpu.memref_slice %arg8[%arg0, %mul3A_0, %dma_start3A_363] : memref<2x10240x8xf32, #tpu.memory_space<hbm>> -> memref<1x640x8xf32, #tpu.memory_space<hbm>>
    %dma_start3A_365 = tpu.memref_squeeze %dma_start3A_364 : memref<1x640x8xf32, #tpu.memory_space<hbm>> -> memref<640x8xf32, #tpu.memory_space<hbm>>
    %dma_start3A_366 = arith.constant 0 : i32
    %dma_start3A_367 = tpu.memref_slice %arg13[%mul3A_0, %dma_start3A_366] : memref<10240x8xf32, #tpu.memory_space<vmem_shared>> -> memref<640x8xf32, #tpu.memory_space<vmem_shared>>
    tpu.enqueue_dma source(%dma_start3A_367 : memref<640x8xf32, #tpu.memory_space<vmem_shared>>) target(%dma_start3A_365 : memref<640x8xf32, #tpu.memory_space<hbm>>) target_semaphore(%arg18 : memref<!tpu.dma_semaphore, #tpu.memory_space<semaphore_mem>>)
    %dma_wait3A_368 = arith.constant 0 : i32
    %dma_wait3A_369 = tpu.memref_slice %arg8[%arg0, %mul3A_0, %dma_wait3A_368] : memref<2x10240x8xf32, #tpu.memory_space<hbm>> -> memref<1x640x8xf32, #tpu.memory_space<hbm>>
    %dma_wait3A_370 = tpu.memref_squeeze %dma_wait3A_369 : memref<1x640x8xf32, #tpu.memory_space<hbm>> -> memref<640x8xf32, #tpu.memory_space<hbm>>
    %dma_wait3A_371 = arith.constant 0 : i32
    %dma_wait3A_372 = tpu.memref_slice %arg13[%mul3A_0, %dma_wait3A_371] : memref<10240x8xf32, #tpu.memory_space<vmem_shared>> -> memref<640x8xf32, #tpu.memory_space<vmem_shared>>
    tpu.wait_dma2 semaphore(%arg18 : memref<!tpu.dma_semaphore, #tpu.memory_space<semaphore_mem>>) src(%dma_wait3A_372 : memref<640x8xf32, #tpu.memory_space<vmem_shared>>) dst(%dma_wait3A_370 : memref<640x8xf32, #tpu.memory_space<hbm>>)
    %dma_wait3A_373 = arith.constant 0 : i32
    %dma_wait3A_374 = tpu.memref_slice %arg7[%arg0, %mul3A_0, %dma_wait3A_373] : memref<2x10240x128xf32, #tpu.memory_space<hbm>> -> memref<1x640x128xf32, #tpu.memory_space<hbm>>
    %dma_wait3A_375 = tpu.memref_squeeze %dma_wait3A_374 : memref<1x640x128xf32, #tpu.memory_space<hbm>> -> memref<640x128xf32, #tpu.memory_space<hbm>>
    %dma_wait3A_376 = arith.constant 0 : i32
    %dma_wait3A_377 = tpu.memref_slice %arg12[%mul3A_0, %dma_wait3A_376] : memref<10240x128xf32, #tpu.memory_space<vmem_shared>> -> memref<640x128xf32, #tpu.memory_space<vmem_shared>>
    tpu.wait_dma2 semaphore(%arg18 : memref<!tpu.dma_semaphore, #tpu.memory_space<semaphore_mem>>) src(%dma_wait3A_377 : memref<640x128xf32, #tpu.memory_space<vmem_shared>>) dst(%dma_wait3A_375 : memref<640x128xf32, #tpu.memory_space<hbm>>)
    return
  }
}

#map = affine_map<(d0, d1) -> (0, 0)>
#map1 = affine_map<(d0, d1) -> (0, 0, 0, 0, 0)>
#map2 = affine_map<(d0, d1) -> (0, 0, 0)>
module attributes {stable_mosaic.version = 14 : i64} {
  func.func @sage_seg_64(%arg0: i32, %arg1: i32, %arg2: memref<10000x64xf32, #tpu.memory_space<hbm>>, %arg3: memref<2x16x80x2x125xi32, #tpu.memory_space<hbm>>, %arg4: memref<640x64xf32, #tpu.memory_space<hbm>>, %arg5: memref<640x8xf32, #tpu.memory_space<hbm>>, %arg6: memref<80x8xf32, #tpu.memory_space<hbm>>, %arg7: memref<2x10240x64xf32, #tpu.memory_space<hbm>>, %arg8: memref<8x2x125xi32, #tpu.memory_space<vmem>>, %arg9: memref<6x125x64xf32, #tpu.memory_space<vmem>>, %arg10: memref<125x8xf32, #tpu.memory_space<vmem>>, %arg11: memref<10240x64xf32, #tpu.memory_space<vmem_shared>>, %arg12: memref<8x!tpu.dma_semaphore, #tpu.memory_space<semaphore_mem>>, %arg13: memref<6x!tpu.dma_semaphore, #tpu.memory_space<semaphore_mem>>, %arg14: memref<6x!tpu.dma_semaphore, #tpu.memory_space<semaphore_mem>>, %arg15: memref<!tpu.dma_semaphore, #tpu.memory_space<semaphore_mem>>) attributes {dimension_semantics = [#tpu.dimension_semantics<core_parallel>, #tpu.dimension_semantics<subcore_parallel>], iteration_bounds = array<i64: 2, 16>, scalar_prefetch = 0 : i64, scratch_operands = 8 : i64, tpu.core_type = #tpu.core_type<sc_vector_subcore>, window_params = [{transform_indices = #map}, {transform_indices = #map1}, {transform_indices = #map}, {transform_indices = #map}, {transform_indices = #map}, {transform_indices = #map2}]} {
    %mul3A = arith.constant 640 : i32
    %mul3A_0 = arith.muli %arg1, %mul3A : i32
    %dma_start3A = arith.constant 0 : i32
    %dma_start3A_1 = arith.constant 0 : i32
    %dma_start3A_2 = arith.constant 0 : i32
    %dma_start3A_3 = arith.constant 0 : i32
    %dma_start3A_4 = arith.constant 0 : i32
    %dma_start3A_5 = tpu.memref_slice %arg8[%dma_start3A_1, %dma_start3A_3, %dma_start3A_4] : memref<8x2x125xi32, #tpu.memory_space<vmem>> -> memref<1x2x125xi32, #tpu.memory_space<vmem>>
    %dma_start3A_6 = tpu.memref_squeeze %dma_start3A_5 : memref<1x2x125xi32, #tpu.memory_space<vmem>> -> memref<2x125xi32, #tpu.memory_space<vmem>>
    %dma_start3A_7 = arith.constant 0 : i32
    %dma_start3A_8 = arith.constant 0 : i32
    %dma_start3A_9 = tpu.memref_slice %arg3[%arg0, %arg1, %dma_start3A, %dma_start3A_7, %dma_start3A_8] : memref<2x16x80x2x125xi32, #tpu.memory_space<hbm>> -> memref<1x1x1x2x125xi32, #tpu.memory_space<hbm>>
    %dma_start3A_10 = tpu.memref_squeeze %dma_start3A_9 : memref<1x1x1x2x125xi32, #tpu.memory_space<hbm>> -> memref<2x125xi32, #tpu.memory_space<hbm>>
    %dma_start3A_11 = tpu.memref_slice %arg12[%dma_start3A_2] : memref<8x!tpu.dma_semaphore, #tpu.memory_space<semaphore_mem>> -> memref<1x!tpu.dma_semaphore, #tpu.memory_space<semaphore_mem>>
    %dma_start3A_12 = tpu.memref_squeeze %dma_start3A_11 : memref<1x!tpu.dma_semaphore, #tpu.memory_space<semaphore_mem>> -> memref<!tpu.dma_semaphore, #tpu.memory_space<semaphore_mem>>
    %dma_start3A_13 = arith.constant 0 : i32
    %dma_start3A_14 = arith.constant 0 : i32
    %dma_start3A_15 = tpu.memref_slice %arg8[%dma_start3A_1, %dma_start3A_13, %dma_start3A_14] : memref<8x2x125xi32, #tpu.memory_space<vmem>> -> memref<1x2x125xi32, #tpu.memory_space<vmem>>
    %dma_start3A_16 = tpu.memref_squeeze %dma_start3A_15 : memref<1x2x125xi32, #tpu.memory_space<vmem>> -> memref<2x125xi32, #tpu.memory_space<vmem>>
    %dma_start3A_17 = arith.constant 0 : i32
    %dma_start3A_18 = arith.constant 0 : i32
    %dma_start3A_19 = tpu.memref_slice %arg3[%arg0, %arg1, %dma_start3A, %dma_start3A_17, %dma_start3A_18] : memref<2x16x80x2x125xi32, #tpu.memory_space<hbm>> -> memref<1x1x1x2x125xi32, #tpu.memory_space<hbm>>
    %dma_start3A_20 = tpu.memref_squeeze %dma_start3A_19 : memref<1x1x1x2x125xi32, #tpu.memory_space<hbm>> -> memref<2x125xi32, #tpu.memory_space<hbm>>
    tpu.enqueue_dma source(%dma_start3A_20 : memref<2x125xi32, #tpu.memory_space<hbm>>) target(%dma_start3A_16 : memref<2x125xi32, #tpu.memory_space<vmem>>) target_semaphore(%dma_start3A_12 : memref<!tpu.dma_semaphore, #tpu.memory_space<semaphore_mem>>)
    %dma_start3A_21 = arith.constant 1 : i32
    %dma_start3A_22 = arith.constant 1 : i32
    %dma_start3A_23 = arith.constant 1 : i32
    %dma_start3A_24 = arith.constant 0 : i32
    %dma_start3A_25 = arith.constant 0 : i32
    %dma_start3A_26 = tpu.memref_slice %arg8[%dma_start3A_22, %dma_start3A_24, %dma_start3A_25] : memref<8x2x125xi32, #tpu.memory_space<vmem>> -> memref<1x2x125xi32, #tpu.memory_space<vmem>>
    %dma_start3A_27 = tpu.memref_squeeze %dma_start3A_26 : memref<1x2x125xi32, #tpu.memory_space<vmem>> -> memref<2x125xi32, #tpu.memory_space<vmem>>
    %dma_start3A_28 = arith.constant 0 : i32
    %dma_start3A_29 = arith.constant 0 : i32
    %dma_start3A_30 = tpu.memref_slice %arg3[%arg0, %arg1, %dma_start3A_21, %dma_start3A_28, %dma_start3A_29] : memref<2x16x80x2x125xi32, #tpu.memory_space<hbm>> -> memref<1x1x1x2x125xi32, #tpu.memory_space<hbm>>
    %dma_start3A_31 = tpu.memref_squeeze %dma_start3A_30 : memref<1x1x1x2x125xi32, #tpu.memory_space<hbm>> -> memref<2x125xi32, #tpu.memory_space<hbm>>
    %dma_start3A_32 = tpu.memref_slice %arg12[%dma_start3A_23] : memref<8x!tpu.dma_semaphore, #tpu.memory_space<semaphore_mem>> -> memref<1x!tpu.dma_semaphore, #tpu.memory_space<semaphore_mem>>
    %dma_start3A_33 = tpu.memref_squeeze %dma_start3A_32 : memref<1x!tpu.dma_semaphore, #tpu.memory_space<semaphore_mem>> -> memref<!tpu.dma_semaphore, #tpu.memory_space<semaphore_mem>>
    %dma_start3A_34 = arith.constant 0 : i32
    %dma_start3A_35 = arith.constant 0 : i32
    %dma_start3A_36 = tpu.memref_slice %arg8[%dma_start3A_22, %dma_start3A_34, %dma_start3A_35] : memref<8x2x125xi32, #tpu.memory_space<vmem>> -> memref<1x2x125xi32, #tpu.memory_space<vmem>>
    %dma_start3A_37 = tpu.memref_squeeze %dma_start3A_36 : memref<1x2x125xi32, #tpu.memory_space<vmem>> -> memref<2x125xi32, #tpu.memory_space<vmem>>
    %dma_start3A_38 = arith.constant 0 : i32
    %dma_start3A_39 = arith.constant 0 : i32
    %dma_start3A_40 = tpu.memref_slice %arg3[%arg0, %arg1, %dma_start3A_21, %dma_start3A_38, %dma_start3A_39] : memref<2x16x80x2x125xi32, #tpu.memory_space<hbm>> -> memref<1x1x1x2x125xi32, #tpu.memory_space<hbm>>
    %dma_start3A_41 = tpu.memref_squeeze %dma_start3A_40 : memref<1x1x1x2x125xi32, #tpu.memory_space<hbm>> -> memref<2x125xi32, #tpu.memory_space<hbm>>
    tpu.enqueue_dma source(%dma_start3A_41 : memref<2x125xi32, #tpu.memory_space<hbm>>) target(%dma_start3A_37 : memref<2x125xi32, #tpu.memory_space<vmem>>) target_semaphore(%dma_start3A_33 : memref<!tpu.dma_semaphore, #tpu.memory_space<semaphore_mem>>)
    %dma_start3A_42 = arith.constant 2 : i32
    %dma_start3A_43 = arith.constant 2 : i32
    %dma_start3A_44 = arith.constant 2 : i32
    %dma_start3A_45 = arith.constant 0 : i32
    %dma_start3A_46 = arith.constant 0 : i32
    %dma_start3A_47 = tpu.memref_slice %arg8[%dma_start3A_43, %dma_start3A_45, %dma_start3A_46] : memref<8x2x125xi32, #tpu.memory_space<vmem>> -> memref<1x2x125xi32, #tpu.memory_space<vmem>>
    %dma_start3A_48 = tpu.memref_squeeze %dma_start3A_47 : memref<1x2x125xi32, #tpu.memory_space<vmem>> -> memref<2x125xi32, #tpu.memory_space<vmem>>
    %dma_start3A_49 = arith.constant 0 : i32
    %dma_start3A_50 = arith.constant 0 : i32
    %dma_start3A_51 = tpu.memref_slice %arg3[%arg0, %arg1, %dma_start3A_42, %dma_start3A_49, %dma_start3A_50] : memref<2x16x80x2x125xi32, #tpu.memory_space<hbm>> -> memref<1x1x1x2x125xi32, #tpu.memory_space<hbm>>
    %dma_start3A_52 = tpu.memref_squeeze %dma_start3A_51 : memref<1x1x1x2x125xi32, #tpu.memory_space<hbm>> -> memref<2x125xi32, #tpu.memory_space<hbm>>
    %dma_start3A_53 = tpu.memref_slice %arg12[%dma_start3A_44] : memref<8x!tpu.dma_semaphore, #tpu.memory_space<semaphore_mem>> -> memref<1x!tpu.dma_semaphore, #tpu.memory_space<semaphore_mem>>
    %dma_start3A_54 = tpu.memref_squeeze %dma_start3A_53 : memref<1x!tpu.dma_semaphore, #tpu.memory_space<semaphore_mem>> -> memref<!tpu.dma_semaphore, #tpu.memory_space<semaphore_mem>>
    %dma_start3A_55 = arith.constant 0 : i32
    %dma_start3A_56 = arith.constant 0 : i32
    %dma_start3A_57 = tpu.memref_slice %arg8[%dma_start3A_43, %dma_start3A_55, %dma_start3A_56] : memref<8x2x125xi32, #tpu.memory_space<vmem>> -> memref<1x2x125xi32, #tpu.memory_space<vmem>>
    %dma_start3A_58 = tpu.memref_squeeze %dma_start3A_57 : memref<1x2x125xi32, #tpu.memory_space<vmem>> -> memref<2x125xi32, #tpu.memory_space<vmem>>
    %dma_start3A_59 = arith.constant 0 : i32
    %dma_start3A_60 = arith.constant 0 : i32
    %dma_start3A_61 = tpu.memref_slice %arg3[%arg0, %arg1, %dma_start3A_42, %dma_start3A_59, %dma_start3A_60] : memref<2x16x80x2x125xi32, #tpu.memory_space<hbm>> -> memref<1x1x1x2x125xi32, #tpu.memory_space<hbm>>
    %dma_start3A_62 = tpu.memref_squeeze %dma_start3A_61 : memref<1x1x1x2x125xi32, #tpu.memory_space<hbm>> -> memref<2x125xi32, #tpu.memory_space<hbm>>
    tpu.enqueue_dma source(%dma_start3A_62 : memref<2x125xi32, #tpu.memory_space<hbm>>) target(%dma_start3A_58 : memref<2x125xi32, #tpu.memory_space<vmem>>) target_semaphore(%dma_start3A_54 : memref<!tpu.dma_semaphore, #tpu.memory_space<semaphore_mem>>)
    %dma_start3A_63 = arith.constant 3 : i32
    %dma_start3A_64 = arith.constant 3 : i32
    %dma_start3A_65 = arith.constant 3 : i32
    %dma_start3A_66 = arith.constant 0 : i32
    %dma_start3A_67 = arith.constant 0 : i32
    %dma_start3A_68 = tpu.memref_slice %arg8[%dma_start3A_64, %dma_start3A_66, %dma_start3A_67] : memref<8x2x125xi32, #tpu.memory_space<vmem>> -> memref<1x2x125xi32, #tpu.memory_space<vmem>>
    %dma_start3A_69 = tpu.memref_squeeze %dma_start3A_68 : memref<1x2x125xi32, #tpu.memory_space<vmem>> -> memref<2x125xi32, #tpu.memory_space<vmem>>
    %dma_start3A_70 = arith.constant 0 : i32
    %dma_start3A_71 = arith.constant 0 : i32
    %dma_start3A_72 = tpu.memref_slice %arg3[%arg0, %arg1, %dma_start3A_63, %dma_start3A_70, %dma_start3A_71] : memref<2x16x80x2x125xi32, #tpu.memory_space<hbm>> -> memref<1x1x1x2x125xi32, #tpu.memory_space<hbm>>
    %dma_start3A_73 = tpu.memref_squeeze %dma_start3A_72 : memref<1x1x1x2x125xi32, #tpu.memory_space<hbm>> -> memref<2x125xi32, #tpu.memory_space<hbm>>
    %dma_start3A_74 = tpu.memref_slice %arg12[%dma_start3A_65] : memref<8x!tpu.dma_semaphore, #tpu.memory_space<semaphore_mem>> -> memref<1x!tpu.dma_semaphore, #tpu.memory_space<semaphore_mem>>
    %dma_start3A_75 = tpu.memref_squeeze %dma_start3A_74 : memref<1x!tpu.dma_semaphore, #tpu.memory_space<semaphore_mem>> -> memref<!tpu.dma_semaphore, #tpu.memory_space<semaphore_mem>>
    %dma_start3A_76 = arith.constant 0 : i32
    %dma_start3A_77 = arith.constant 0 : i32
    %dma_start3A_78 = tpu.memref_slice %arg8[%dma_start3A_64, %dma_start3A_76, %dma_start3A_77] : memref<8x2x125xi32, #tpu.memory_space<vmem>> -> memref<1x2x125xi32, #tpu.memory_space<vmem>>
    %dma_start3A_79 = tpu.memref_squeeze %dma_start3A_78 : memref<1x2x125xi32, #tpu.memory_space<vmem>> -> memref<2x125xi32, #tpu.memory_space<vmem>>
    %dma_start3A_80 = arith.constant 0 : i32
    %dma_start3A_81 = arith.constant 0 : i32
    %dma_start3A_82 = tpu.memref_slice %arg3[%arg0, %arg1, %dma_start3A_63, %dma_start3A_80, %dma_start3A_81] : memref<2x16x80x2x125xi32, #tpu.memory_space<hbm>> -> memref<1x1x1x2x125xi32, #tpu.memory_space<hbm>>
    %dma_start3A_83 = tpu.memref_squeeze %dma_start3A_82 : memref<1x1x1x2x125xi32, #tpu.memory_space<hbm>> -> memref<2x125xi32, #tpu.memory_space<hbm>>
    tpu.enqueue_dma source(%dma_start3A_83 : memref<2x125xi32, #tpu.memory_space<hbm>>) target(%dma_start3A_79 : memref<2x125xi32, #tpu.memory_space<vmem>>) target_semaphore(%dma_start3A_75 : memref<!tpu.dma_semaphore, #tpu.memory_space<semaphore_mem>>)
    %dma_start3A_84 = arith.constant 4 : i32
    %dma_start3A_85 = arith.constant 4 : i32
    %dma_start3A_86 = arith.constant 4 : i32
    %dma_start3A_87 = arith.constant 0 : i32
    %dma_start3A_88 = arith.constant 0 : i32
    %dma_start3A_89 = tpu.memref_slice %arg8[%dma_start3A_85, %dma_start3A_87, %dma_start3A_88] : memref<8x2x125xi32, #tpu.memory_space<vmem>> -> memref<1x2x125xi32, #tpu.memory_space<vmem>>
    %dma_start3A_90 = tpu.memref_squeeze %dma_start3A_89 : memref<1x2x125xi32, #tpu.memory_space<vmem>> -> memref<2x125xi32, #tpu.memory_space<vmem>>
    %dma_start3A_91 = arith.constant 0 : i32
    %dma_start3A_92 = arith.constant 0 : i32
    %dma_start3A_93 = tpu.memref_slice %arg3[%arg0, %arg1, %dma_start3A_84, %dma_start3A_91, %dma_start3A_92] : memref<2x16x80x2x125xi32, #tpu.memory_space<hbm>> -> memref<1x1x1x2x125xi32, #tpu.memory_space<hbm>>
    %dma_start3A_94 = tpu.memref_squeeze %dma_start3A_93 : memref<1x1x1x2x125xi32, #tpu.memory_space<hbm>> -> memref<2x125xi32, #tpu.memory_space<hbm>>
    %dma_start3A_95 = tpu.memref_slice %arg12[%dma_start3A_86] : memref<8x!tpu.dma_semaphore, #tpu.memory_space<semaphore_mem>> -> memref<1x!tpu.dma_semaphore, #tpu.memory_space<semaphore_mem>>
    %dma_start3A_96 = tpu.memref_squeeze %dma_start3A_95 : memref<1x!tpu.dma_semaphore, #tpu.memory_space<semaphore_mem>> -> memref<!tpu.dma_semaphore, #tpu.memory_space<semaphore_mem>>
    %dma_start3A_97 = arith.constant 0 : i32
    %dma_start3A_98 = arith.constant 0 : i32
    %dma_start3A_99 = tpu.memref_slice %arg8[%dma_start3A_85, %dma_start3A_97, %dma_start3A_98] : memref<8x2x125xi32, #tpu.memory_space<vmem>> -> memref<1x2x125xi32, #tpu.memory_space<vmem>>
    %dma_start3A_100 = tpu.memref_squeeze %dma_start3A_99 : memref<1x2x125xi32, #tpu.memory_space<vmem>> -> memref<2x125xi32, #tpu.memory_space<vmem>>
    %dma_start3A_101 = arith.constant 0 : i32
    %dma_start3A_102 = arith.constant 0 : i32
    %dma_start3A_103 = tpu.memref_slice %arg3[%arg0, %arg1, %dma_start3A_84, %dma_start3A_101, %dma_start3A_102] : memref<2x16x80x2x125xi32, #tpu.memory_space<hbm>> -> memref<1x1x1x2x125xi32, #tpu.memory_space<hbm>>
    %dma_start3A_104 = tpu.memref_squeeze %dma_start3A_103 : memref<1x1x1x2x125xi32, #tpu.memory_space<hbm>> -> memref<2x125xi32, #tpu.memory_space<hbm>>
    tpu.enqueue_dma source(%dma_start3A_104 : memref<2x125xi32, #tpu.memory_space<hbm>>) target(%dma_start3A_100 : memref<2x125xi32, #tpu.memory_space<vmem>>) target_semaphore(%dma_start3A_96 : memref<!tpu.dma_semaphore, #tpu.memory_space<semaphore_mem>>)
    %dma_start3A_105 = arith.constant 5 : i32
    %dma_start3A_106 = arith.constant 5 : i32
    %dma_start3A_107 = arith.constant 5 : i32
    %dma_start3A_108 = arith.constant 0 : i32
    %dma_start3A_109 = arith.constant 0 : i32
    %dma_start3A_110 = tpu.memref_slice %arg8[%dma_start3A_106, %dma_start3A_108, %dma_start3A_109] : memref<8x2x125xi32, #tpu.memory_space<vmem>> -> memref<1x2x125xi32, #tpu.memory_space<vmem>>
    %dma_start3A_111 = tpu.memref_squeeze %dma_start3A_110 : memref<1x2x125xi32, #tpu.memory_space<vmem>> -> memref<2x125xi32, #tpu.memory_space<vmem>>
    %dma_start3A_112 = arith.constant 0 : i32
    %dma_start3A_113 = arith.constant 0 : i32
    %dma_start3A_114 = tpu.memref_slice %arg3[%arg0, %arg1, %dma_start3A_105, %dma_start3A_112, %dma_start3A_113] : memref<2x16x80x2x125xi32, #tpu.memory_space<hbm>> -> memref<1x1x1x2x125xi32, #tpu.memory_space<hbm>>
    %dma_start3A_115 = tpu.memref_squeeze %dma_start3A_114 : memref<1x1x1x2x125xi32, #tpu.memory_space<hbm>> -> memref<2x125xi32, #tpu.memory_space<hbm>>
    %dma_start3A_116 = tpu.memref_slice %arg12[%dma_start3A_107] : memref<8x!tpu.dma_semaphore, #tpu.memory_space<semaphore_mem>> -> memref<1x!tpu.dma_semaphore, #tpu.memory_space<semaphore_mem>>
    %dma_start3A_117 = tpu.memref_squeeze %dma_start3A_116 : memref<1x!tpu.dma_semaphore, #tpu.memory_space<semaphore_mem>> -> memref<!tpu.dma_semaphore, #tpu.memory_space<semaphore_mem>>
    %dma_start3A_118 = arith.constant 0 : i32
    %dma_start3A_119 = arith.constant 0 : i32
    %dma_start3A_120 = tpu.memref_slice %arg8[%dma_start3A_106, %dma_start3A_118, %dma_start3A_119] : memref<8x2x125xi32, #tpu.memory_space<vmem>> -> memref<1x2x125xi32, #tpu.memory_space<vmem>>
    %dma_start3A_121 = tpu.memref_squeeze %dma_start3A_120 : memref<1x2x125xi32, #tpu.memory_space<vmem>> -> memref<2x125xi32, #tpu.memory_space<vmem>>
    %dma_start3A_122 = arith.constant 0 : i32
    %dma_start3A_123 = arith.constant 0 : i32
    %dma_start3A_124 = tpu.memref_slice %arg3[%arg0, %arg1, %dma_start3A_105, %dma_start3A_122, %dma_start3A_123] : memref<2x16x80x2x125xi32, #tpu.memory_space<hbm>> -> memref<1x1x1x2x125xi32, #tpu.memory_space<hbm>>
    %dma_start3A_125 = tpu.memref_squeeze %dma_start3A_124 : memref<1x1x1x2x125xi32, #tpu.memory_space<hbm>> -> memref<2x125xi32, #tpu.memory_space<hbm>>
    tpu.enqueue_dma source(%dma_start3A_125 : memref<2x125xi32, #tpu.memory_space<hbm>>) target(%dma_start3A_121 : memref<2x125xi32, #tpu.memory_space<vmem>>) target_semaphore(%dma_start3A_117 : memref<!tpu.dma_semaphore, #tpu.memory_space<semaphore_mem>>)
    %dma_start3A_126 = arith.constant 6 : i32
    %dma_start3A_127 = arith.constant 6 : i32
    %dma_start3A_128 = arith.constant 6 : i32
    %dma_start3A_129 = arith.constant 0 : i32
    %dma_start3A_130 = arith.constant 0 : i32
    %dma_start3A_131 = tpu.memref_slice %arg8[%dma_start3A_127, %dma_start3A_129, %dma_start3A_130] : memref<8x2x125xi32, #tpu.memory_space<vmem>> -> memref<1x2x125xi32, #tpu.memory_space<vmem>>
    %dma_start3A_132 = tpu.memref_squeeze %dma_start3A_131 : memref<1x2x125xi32, #tpu.memory_space<vmem>> -> memref<2x125xi32, #tpu.memory_space<vmem>>
    %dma_start3A_133 = arith.constant 0 : i32
    %dma_start3A_134 = arith.constant 0 : i32
    %dma_start3A_135 = tpu.memref_slice %arg3[%arg0, %arg1, %dma_start3A_126, %dma_start3A_133, %dma_start3A_134] : memref<2x16x80x2x125xi32, #tpu.memory_space<hbm>> -> memref<1x1x1x2x125xi32, #tpu.memory_space<hbm>>
    %dma_start3A_136 = tpu.memref_squeeze %dma_start3A_135 : memref<1x1x1x2x125xi32, #tpu.memory_space<hbm>> -> memref<2x125xi32, #tpu.memory_space<hbm>>
    %dma_start3A_137 = tpu.memref_slice %arg12[%dma_start3A_128] : memref<8x!tpu.dma_semaphore, #tpu.memory_space<semaphore_mem>> -> memref<1x!tpu.dma_semaphore, #tpu.memory_space<semaphore_mem>>
    %dma_start3A_138 = tpu.memref_squeeze %dma_start3A_137 : memref<1x!tpu.dma_semaphore, #tpu.memory_space<semaphore_mem>> -> memref<!tpu.dma_semaphore, #tpu.memory_space<semaphore_mem>>
    %dma_start3A_139 = arith.constant 0 : i32
    %dma_start3A_140 = arith.constant 0 : i32
    %dma_start3A_141 = tpu.memref_slice %arg8[%dma_start3A_127, %dma_start3A_139, %dma_start3A_140] : memref<8x2x125xi32, #tpu.memory_space<vmem>> -> memref<1x2x125xi32, #tpu.memory_space<vmem>>
    %dma_start3A_142 = tpu.memref_squeeze %dma_start3A_141 : memref<1x2x125xi32, #tpu.memory_space<vmem>> -> memref<2x125xi32, #tpu.memory_space<vmem>>
    %dma_start3A_143 = arith.constant 0 : i32
    %dma_start3A_144 = arith.constant 0 : i32
    %dma_start3A_145 = tpu.memref_slice %arg3[%arg0, %arg1, %dma_start3A_126, %dma_start3A_143, %dma_start3A_144] : memref<2x16x80x2x125xi32, #tpu.memory_space<hbm>> -> memref<1x1x1x2x125xi32, #tpu.memory_space<hbm>>
    %dma_start3A_146 = tpu.memref_squeeze %dma_start3A_145 : memref<1x1x1x2x125xi32, #tpu.memory_space<hbm>> -> memref<2x125xi32, #tpu.memory_space<hbm>>
    tpu.enqueue_dma source(%dma_start3A_146 : memref<2x125xi32, #tpu.memory_space<hbm>>) target(%dma_start3A_142 : memref<2x125xi32, #tpu.memory_space<vmem>>) target_semaphore(%dma_start3A_138 : memref<!tpu.dma_semaphore, #tpu.memory_space<semaphore_mem>>)
    %dma_start3A_147 = arith.constant 7 : i32
    %dma_start3A_148 = arith.constant 7 : i32
    %dma_start3A_149 = arith.constant 7 : i32
    %dma_start3A_150 = arith.constant 0 : i32
    %dma_start3A_151 = arith.constant 0 : i32
    %dma_start3A_152 = tpu.memref_slice %arg8[%dma_start3A_148, %dma_start3A_150, %dma_start3A_151] : memref<8x2x125xi32, #tpu.memory_space<vmem>> -> memref<1x2x125xi32, #tpu.memory_space<vmem>>
    %dma_start3A_153 = tpu.memref_squeeze %dma_start3A_152 : memref<1x2x125xi32, #tpu.memory_space<vmem>> -> memref<2x125xi32, #tpu.memory_space<vmem>>
    %dma_start3A_154 = arith.constant 0 : i32
    %dma_start3A_155 = arith.constant 0 : i32
    %dma_start3A_156 = tpu.memref_slice %arg3[%arg0, %arg1, %dma_start3A_147, %dma_start3A_154, %dma_start3A_155] : memref<2x16x80x2x125xi32, #tpu.memory_space<hbm>> -> memref<1x1x1x2x125xi32, #tpu.memory_space<hbm>>
    %dma_start3A_157 = tpu.memref_squeeze %dma_start3A_156 : memref<1x1x1x2x125xi32, #tpu.memory_space<hbm>> -> memref<2x125xi32, #tpu.memory_space<hbm>>
    %dma_start3A_158 = tpu.memref_slice %arg12[%dma_start3A_149] : memref<8x!tpu.dma_semaphore, #tpu.memory_space<semaphore_mem>> -> memref<1x!tpu.dma_semaphore, #tpu.memory_space<semaphore_mem>>
    %dma_start3A_159 = tpu.memref_squeeze %dma_start3A_158 : memref<1x!tpu.dma_semaphore, #tpu.memory_space<semaphore_mem>> -> memref<!tpu.dma_semaphore, #tpu.memory_space<semaphore_mem>>
    %dma_start3A_160 = arith.constant 0 : i32
    %dma_start3A_161 = arith.constant 0 : i32
    %dma_start3A_162 = tpu.memref_slice %arg8[%dma_start3A_148, %dma_start3A_160, %dma_start3A_161] : memref<8x2x125xi32, #tpu.memory_space<vmem>> -> memref<1x2x125xi32, #tpu.memory_space<vmem>>
    %dma_start3A_163 = tpu.memref_squeeze %dma_start3A_162 : memref<1x2x125xi32, #tpu.memory_space<vmem>> -> memref<2x125xi32, #tpu.memory_space<vmem>>
    %dma_start3A_164 = arith.constant 0 : i32
    %dma_start3A_165 = arith.constant 0 : i32
    %dma_start3A_166 = tpu.memref_slice %arg3[%arg0, %arg1, %dma_start3A_147, %dma_start3A_164, %dma_start3A_165] : memref<2x16x80x2x125xi32, #tpu.memory_space<hbm>> -> memref<1x1x1x2x125xi32, #tpu.memory_space<hbm>>
    %dma_start3A_167 = tpu.memref_squeeze %dma_start3A_166 : memref<1x1x1x2x125xi32, #tpu.memory_space<hbm>> -> memref<2x125xi32, #tpu.memory_space<hbm>>
    tpu.enqueue_dma source(%dma_start3A_167 : memref<2x125xi32, #tpu.memory_space<hbm>>) target(%dma_start3A_163 : memref<2x125xi32, #tpu.memory_space<vmem>>) target_semaphore(%dma_start3A_159 : memref<!tpu.dma_semaphore, #tpu.memory_space<semaphore_mem>>)
    %dma_start3A_168 = arith.constant 0 : i32
    %dma_start3A_169 = tpu.memref_slice %arg11[%mul3A_0, %dma_start3A_168] : memref<10240x64xf32, #tpu.memory_space<vmem_shared>> -> memref<640x64xf32, #tpu.memory_space<vmem_shared>>
    tpu.enqueue_dma source(%arg4 : memref<640x64xf32, #tpu.memory_space<hbm>>) target(%dma_start3A_169 : memref<640x64xf32, #tpu.memory_space<vmem_shared>>) target_semaphore(%arg15 : memref<!tpu.dma_semaphore, #tpu.memory_space<semaphore_mem>>)
    %dma_wait3A = arith.constant 0 : i32
    %dma_wait3A_170 = arith.constant 0 : i32
    %dma_wait3A_171 = arith.constant 0 : i32
    %dma_wait3A_172 = arith.constant 0 : i32
    %dma_wait3A_173 = arith.constant 0 : i32
    %dma_wait3A_174 = tpu.memref_slice %arg8[%dma_wait3A_170, %dma_wait3A_172, %dma_wait3A_173] : memref<8x2x125xi32, #tpu.memory_space<vmem>> -> memref<1x2x125xi32, #tpu.memory_space<vmem>>
    %dma_wait3A_175 = tpu.memref_squeeze %dma_wait3A_174 : memref<1x2x125xi32, #tpu.memory_space<vmem>> -> memref<2x125xi32, #tpu.memory_space<vmem>>
    %dma_wait3A_176 = arith.constant 0 : i32
    %dma_wait3A_177 = arith.constant 0 : i32
    %dma_wait3A_178 = tpu.memref_slice %arg3[%arg0, %arg1, %dma_wait3A, %dma_wait3A_176, %dma_wait3A_177] : memref<2x16x80x2x125xi32, #tpu.memory_space<hbm>> -> memref<1x1x1x2x125xi32, #tpu.memory_space<hbm>>
    %dma_wait3A_179 = tpu.memref_squeeze %dma_wait3A_178 : memref<1x1x1x2x125xi32, #tpu.memory_space<hbm>> -> memref<2x125xi32, #tpu.memory_space<hbm>>
    %dma_wait3A_180 = tpu.memref_slice %arg12[%dma_wait3A_171] : memref<8x!tpu.dma_semaphore, #tpu.memory_space<semaphore_mem>> -> memref<1x!tpu.dma_semaphore, #tpu.memory_space<semaphore_mem>>
    %dma_wait3A_181 = tpu.memref_squeeze %dma_wait3A_180 : memref<1x!tpu.dma_semaphore, #tpu.memory_space<semaphore_mem>> -> memref<!tpu.dma_semaphore, #tpu.memory_space<semaphore_mem>>
    %dma_wait3A_182 = arith.constant 0 : i32
    %dma_wait3A_183 = arith.constant 0 : i32
    %dma_wait3A_184 = tpu.memref_slice %arg8[%dma_wait3A_170, %dma_wait3A_182, %dma_wait3A_183] : memref<8x2x125xi32, #tpu.memory_space<vmem>> -> memref<1x2x125xi32, #tpu.memory_space<vmem>>
    %dma_wait3A_185 = tpu.memref_squeeze %dma_wait3A_184 : memref<1x2x125xi32, #tpu.memory_space<vmem>> -> memref<2x125xi32, #tpu.memory_space<vmem>>
    %dma_wait3A_186 = arith.constant 0 : i32
    %dma_wait3A_187 = arith.constant 0 : i32
    %dma_wait3A_188 = tpu.memref_slice %arg3[%arg0, %arg1, %dma_wait3A, %dma_wait3A_186, %dma_wait3A_187] : memref<2x16x80x2x125xi32, #tpu.memory_space<hbm>> -> memref<1x1x1x2x125xi32, #tpu.memory_space<hbm>>
    %dma_wait3A_189 = tpu.memref_squeeze %dma_wait3A_188 : memref<1x1x1x2x125xi32, #tpu.memory_space<hbm>> -> memref<2x125xi32, #tpu.memory_space<hbm>>
    tpu.wait_dma2 semaphore(%dma_wait3A_181 : memref<!tpu.dma_semaphore, #tpu.memory_space<semaphore_mem>>) src(%dma_wait3A_189 : memref<2x125xi32, #tpu.memory_space<hbm>>) dst(%dma_wait3A_185 : memref<2x125xi32, #tpu.memory_space<vmem>>)
    %dma_start3A_190 = arith.constant 0 : i32
    %dma_start3A_191 = arith.constant 0 : i32
    %dma_start3A_192 = arith.constant 0 : i32
    %dma_start3A_193 = arith.constant 0 : i32
    %dma_start3A_194 = arith.constant 0 : i32
    %dma_start3A_195 = arith.constant 0 : i32
    %dma_start3A_196 = tpu.memref_slice %arg9[%dma_start3A_192, %dma_start3A_194, %dma_start3A_195] : memref<6x125x64xf32, #tpu.memory_space<vmem>> -> memref<1x125x64xf32, #tpu.memory_space<vmem>>
    %dma_start3A_197 = tpu.memref_squeeze %dma_start3A_196 : memref<1x125x64xf32, #tpu.memory_space<vmem>> -> memref<125x64xf32, #tpu.memory_space<vmem>>
    %dma_start3A_198 = arith.constant 0 : i32
    %dma_start3A_199 = tpu.memref_slice %arg8[%dma_start3A_190, %dma_start3A_191, %dma_start3A_198] : memref<8x2x125xi32, #tpu.memory_space<vmem>> -> memref<1x1x125xi32, #tpu.memory_space<vmem>>
    %dma_start3A_200 = tpu.memref_squeeze %dma_start3A_199 : memref<1x1x125xi32, #tpu.memory_space<vmem>> -> memref<125xi32, #tpu.memory_space<vmem>>
    %dma_start3A_201 = arith.constant 0 : i32
    %dma_start3A_202 = arith.constant 0 : i32
    %dma_start3A_203 = tpu.memref_slice %arg2[%dma_start3A_201, %dma_start3A_202] : memref<10000x64xf32, #tpu.memory_space<hbm>> -> memref<10000x64xf32, #tpu.memory_space<hbm>>
    %dma_start3A_204 = tpu.memref_slice %arg13[%dma_start3A_193] : memref<6x!tpu.dma_semaphore, #tpu.memory_space<semaphore_mem>> -> memref<1x!tpu.dma_semaphore, #tpu.memory_space<semaphore_mem>>
    %dma_start3A_205 = tpu.memref_squeeze %dma_start3A_204 : memref<1x!tpu.dma_semaphore, #tpu.memory_space<semaphore_mem>> -> memref<!tpu.dma_semaphore, #tpu.memory_space<semaphore_mem>>
    tpu.enqueue_indirect_dma source(%dma_start3A_203 : memref<10000x64xf32, #tpu.memory_space<hbm>>) target(%dma_start3A_197 : memref<125x64xf32, #tpu.memory_space<vmem>>) offsets(%dma_start3A_200 : memref<125xi32, #tpu.memory_space<vmem>>) semaphore(%dma_start3A_205 : memref<!tpu.dma_semaphore, #tpu.memory_space<semaphore_mem>>)
    %dma_wait3A_206 = arith.constant 1 : i32
    %dma_wait3A_207 = arith.constant 1 : i32
    %dma_wait3A_208 = arith.constant 1 : i32
    %dma_wait3A_209 = arith.constant 0 : i32
    %dma_wait3A_210 = arith.constant 0 : i32
    %dma_wait3A_211 = tpu.memref_slice %arg8[%dma_wait3A_207, %dma_wait3A_209, %dma_wait3A_210] : memref<8x2x125xi32, #tpu.memory_space<vmem>> -> memref<1x2x125xi32, #tpu.memory_space<vmem>>
    %dma_wait3A_212 = tpu.memref_squeeze %dma_wait3A_211 : memref<1x2x125xi32, #tpu.memory_space<vmem>> -> memref<2x125xi32, #tpu.memory_space<vmem>>
    %dma_wait3A_213 = arith.constant 0 : i32
    %dma_wait3A_214 = arith.constant 0 : i32
    %dma_wait3A_215 = tpu.memref_slice %arg3[%arg0, %arg1, %dma_wait3A_206, %dma_wait3A_213, %dma_wait3A_214] : memref<2x16x80x2x125xi32, #tpu.memory_space<hbm>> -> memref<1x1x1x2x125xi32, #tpu.memory_space<hbm>>
    %dma_wait3A_216 = tpu.memref_squeeze %dma_wait3A_215 : memref<1x1x1x2x125xi32, #tpu.memory_space<hbm>> -> memref<2x125xi32, #tpu.memory_space<hbm>>
    %dma_wait3A_217 = tpu.memref_slice %arg12[%dma_wait3A_208] : memref<8x!tpu.dma_semaphore, #tpu.memory_space<semaphore_mem>> -> memref<1x!tpu.dma_semaphore, #tpu.memory_space<semaphore_mem>>
    %dma_wait3A_218 = tpu.memref_squeeze %dma_wait3A_217 : memref<1x!tpu.dma_semaphore, #tpu.memory_space<semaphore_mem>> -> memref<!tpu.dma_semaphore, #tpu.memory_space<semaphore_mem>>
    %dma_wait3A_219 = arith.constant 0 : i32
    %dma_wait3A_220 = arith.constant 0 : i32
    %dma_wait3A_221 = tpu.memref_slice %arg8[%dma_wait3A_207, %dma_wait3A_219, %dma_wait3A_220] : memref<8x2x125xi32, #tpu.memory_space<vmem>> -> memref<1x2x125xi32, #tpu.memory_space<vmem>>
    %dma_wait3A_222 = tpu.memref_squeeze %dma_wait3A_221 : memref<1x2x125xi32, #tpu.memory_space<vmem>> -> memref<2x125xi32, #tpu.memory_space<vmem>>
    %dma_wait3A_223 = arith.constant 0 : i32
    %dma_wait3A_224 = arith.constant 0 : i32
    %dma_wait3A_225 = tpu.memref_slice %arg3[%arg0, %arg1, %dma_wait3A_206, %dma_wait3A_223, %dma_wait3A_224] : memref<2x16x80x2x125xi32, #tpu.memory_space<hbm>> -> memref<1x1x1x2x125xi32, #tpu.memory_space<hbm>>
    %dma_wait3A_226 = tpu.memref_squeeze %dma_wait3A_225 : memref<1x1x1x2x125xi32, #tpu.memory_space<hbm>> -> memref<2x125xi32, #tpu.memory_space<hbm>>
    tpu.wait_dma2 semaphore(%dma_wait3A_218 : memref<!tpu.dma_semaphore, #tpu.memory_space<semaphore_mem>>) src(%dma_wait3A_226 : memref<2x125xi32, #tpu.memory_space<hbm>>) dst(%dma_wait3A_222 : memref<2x125xi32, #tpu.memory_space<vmem>>)
    %dma_start3A_227 = arith.constant 1 : i32
    %dma_start3A_228 = arith.constant 0 : i32
    %dma_start3A_229 = arith.constant 1 : i32
    %dma_start3A_230 = arith.constant 1 : i32
    %dma_start3A_231 = arith.constant 0 : i32
    %dma_start3A_232 = arith.constant 0 : i32
    %dma_start3A_233 = tpu.memref_slice %arg9[%dma_start3A_229, %dma_start3A_231, %dma_start3A_232] : memref<6x125x64xf32, #tpu.memory_space<vmem>> -> memref<1x125x64xf32, #tpu.memory_space<vmem>>
    %dma_start3A_234 = tpu.memref_squeeze %dma_start3A_233 : memref<1x125x64xf32, #tpu.memory_space<vmem>> -> memref<125x64xf32, #tpu.memory_space<vmem>>
    %dma_start3A_235 = arith.constant 0 : i32
    %dma_start3A_236 = tpu.memref_slice %arg8[%dma_start3A_227, %dma_start3A_228, %dma_start3A_235] : memref<8x2x125xi32, #tpu.memory_space<vmem>> -> memref<1x1x125xi32, #tpu.memory_space<vmem>>
    %dma_start3A_237 = tpu.memref_squeeze %dma_start3A_236 : memref<1x1x125xi32, #tpu.memory_space<vmem>> -> memref<125xi32, #tpu.memory_space<vmem>>
    %dma_start3A_238 = arith.constant 0 : i32
    %dma_start3A_239 = arith.constant 0 : i32
    %dma_start3A_240 = tpu.memref_slice %arg2[%dma_start3A_238, %dma_start3A_239] : memref<10000x64xf32, #tpu.memory_space<hbm>> -> memref<10000x64xf32, #tpu.memory_space<hbm>>
    %dma_start3A_241 = tpu.memref_slice %arg13[%dma_start3A_230] : memref<6x!tpu.dma_semaphore, #tpu.memory_space<semaphore_mem>> -> memref<1x!tpu.dma_semaphore, #tpu.memory_space<semaphore_mem>>
    %dma_start3A_242 = tpu.memref_squeeze %dma_start3A_241 : memref<1x!tpu.dma_semaphore, #tpu.memory_space<semaphore_mem>> -> memref<!tpu.dma_semaphore, #tpu.memory_space<semaphore_mem>>
    tpu.enqueue_indirect_dma source(%dma_start3A_240 : memref<10000x64xf32, #tpu.memory_space<hbm>>) target(%dma_start3A_234 : memref<125x64xf32, #tpu.memory_space<vmem>>) offsets(%dma_start3A_237 : memref<125xi32, #tpu.memory_space<vmem>>) semaphore(%dma_start3A_242 : memref<!tpu.dma_semaphore, #tpu.memory_space<semaphore_mem>>)
    %dma_wait3A_243 = arith.constant 2 : i32
    %dma_wait3A_244 = arith.constant 2 : i32
    %dma_wait3A_245 = arith.constant 2 : i32
    %dma_wait3A_246 = arith.constant 0 : i32
    %dma_wait3A_247 = arith.constant 0 : i32
    %dma_wait3A_248 = tpu.memref_slice %arg8[%dma_wait3A_244, %dma_wait3A_246, %dma_wait3A_247] : memref<8x2x125xi32, #tpu.memory_space<vmem>> -> memref<1x2x125xi32, #tpu.memory_space<vmem>>
    %dma_wait3A_249 = tpu.memref_squeeze %dma_wait3A_248 : memref<1x2x125xi32, #tpu.memory_space<vmem>> -> memref<2x125xi32, #tpu.memory_space<vmem>>
    %dma_wait3A_250 = arith.constant 0 : i32
    %dma_wait3A_251 = arith.constant 0 : i32
    %dma_wait3A_252 = tpu.memref_slice %arg3[%arg0, %arg1, %dma_wait3A_243, %dma_wait3A_250, %dma_wait3A_251] : memref<2x16x80x2x125xi32, #tpu.memory_space<hbm>> -> memref<1x1x1x2x125xi32, #tpu.memory_space<hbm>>
    %dma_wait3A_253 = tpu.memref_squeeze %dma_wait3A_252 : memref<1x1x1x2x125xi32, #tpu.memory_space<hbm>> -> memref<2x125xi32, #tpu.memory_space<hbm>>
    %dma_wait3A_254 = tpu.memref_slice %arg12[%dma_wait3A_245] : memref<8x!tpu.dma_semaphore, #tpu.memory_space<semaphore_mem>> -> memref<1x!tpu.dma_semaphore, #tpu.memory_space<semaphore_mem>>
    %dma_wait3A_255 = tpu.memref_squeeze %dma_wait3A_254 : memref<1x!tpu.dma_semaphore, #tpu.memory_space<semaphore_mem>> -> memref<!tpu.dma_semaphore, #tpu.memory_space<semaphore_mem>>
    %dma_wait3A_256 = arith.constant 0 : i32
    %dma_wait3A_257 = arith.constant 0 : i32
    %dma_wait3A_258 = tpu.memref_slice %arg8[%dma_wait3A_244, %dma_wait3A_256, %dma_wait3A_257] : memref<8x2x125xi32, #tpu.memory_space<vmem>> -> memref<1x2x125xi32, #tpu.memory_space<vmem>>
    %dma_wait3A_259 = tpu.memref_squeeze %dma_wait3A_258 : memref<1x2x125xi32, #tpu.memory_space<vmem>> -> memref<2x125xi32, #tpu.memory_space<vmem>>
    %dma_wait3A_260 = arith.constant 0 : i32
    %dma_wait3A_261 = arith.constant 0 : i32
    %dma_wait3A_262 = tpu.memref_slice %arg3[%arg0, %arg1, %dma_wait3A_243, %dma_wait3A_260, %dma_wait3A_261] : memref<2x16x80x2x125xi32, #tpu.memory_space<hbm>> -> memref<1x1x1x2x125xi32, #tpu.memory_space<hbm>>
    %dma_wait3A_263 = tpu.memref_squeeze %dma_wait3A_262 : memref<1x1x1x2x125xi32, #tpu.memory_space<hbm>> -> memref<2x125xi32, #tpu.memory_space<hbm>>
    tpu.wait_dma2 semaphore(%dma_wait3A_255 : memref<!tpu.dma_semaphore, #tpu.memory_space<semaphore_mem>>) src(%dma_wait3A_263 : memref<2x125xi32, #tpu.memory_space<hbm>>) dst(%dma_wait3A_259 : memref<2x125xi32, #tpu.memory_space<vmem>>)
    %dma_start3A_264 = arith.constant 2 : i32
    %dma_start3A_265 = arith.constant 0 : i32
    %dma_start3A_266 = arith.constant 2 : i32
    %dma_start3A_267 = arith.constant 2 : i32
    %dma_start3A_268 = arith.constant 0 : i32
    %dma_start3A_269 = arith.constant 0 : i32
    %dma_start3A_270 = tpu.memref_slice %arg9[%dma_start3A_266, %dma_start3A_268, %dma_start3A_269] : memref<6x125x64xf32, #tpu.memory_space<vmem>> -> memref<1x125x64xf32, #tpu.memory_space<vmem>>
    %dma_start3A_271 = tpu.memref_squeeze %dma_start3A_270 : memref<1x125x64xf32, #tpu.memory_space<vmem>> -> memref<125x64xf32, #tpu.memory_space<vmem>>
    %dma_start3A_272 = arith.constant 0 : i32
    %dma_start3A_273 = tpu.memref_slice %arg8[%dma_start3A_264, %dma_start3A_265, %dma_start3A_272] : memref<8x2x125xi32, #tpu.memory_space<vmem>> -> memref<1x1x125xi32, #tpu.memory_space<vmem>>
    %dma_start3A_274 = tpu.memref_squeeze %dma_start3A_273 : memref<1x1x125xi32, #tpu.memory_space<vmem>> -> memref<125xi32, #tpu.memory_space<vmem>>
    %dma_start3A_275 = arith.constant 0 : i32
    %dma_start3A_276 = arith.constant 0 : i32
    %dma_start3A_277 = tpu.memref_slice %arg2[%dma_start3A_275, %dma_start3A_276] : memref<10000x64xf32, #tpu.memory_space<hbm>> -> memref<10000x64xf32, #tpu.memory_space<hbm>>
    %dma_start3A_278 = tpu.memref_slice %arg13[%dma_start3A_267] : memref<6x!tpu.dma_semaphore, #tpu.memory_space<semaphore_mem>> -> memref<1x!tpu.dma_semaphore, #tpu.memory_space<semaphore_mem>>
    %dma_start3A_279 = tpu.memref_squeeze %dma_start3A_278 : memref<1x!tpu.dma_semaphore, #tpu.memory_space<semaphore_mem>> -> memref<!tpu.dma_semaphore, #tpu.memory_space<semaphore_mem>>
    tpu.enqueue_indirect_dma source(%dma_start3A_277 : memref<10000x64xf32, #tpu.memory_space<hbm>>) target(%dma_start3A_271 : memref<125x64xf32, #tpu.memory_space<vmem>>) offsets(%dma_start3A_274 : memref<125xi32, #tpu.memory_space<vmem>>) semaphore(%dma_start3A_279 : memref<!tpu.dma_semaphore, #tpu.memory_space<semaphore_mem>>)
    %dma_wait3A_280 = arith.constant 3 : i32
    %dma_wait3A_281 = arith.constant 3 : i32
    %dma_wait3A_282 = arith.constant 3 : i32
    %dma_wait3A_283 = arith.constant 0 : i32
    %dma_wait3A_284 = arith.constant 0 : i32
    %dma_wait3A_285 = tpu.memref_slice %arg8[%dma_wait3A_281, %dma_wait3A_283, %dma_wait3A_284] : memref<8x2x125xi32, #tpu.memory_space<vmem>> -> memref<1x2x125xi32, #tpu.memory_space<vmem>>
    %dma_wait3A_286 = tpu.memref_squeeze %dma_wait3A_285 : memref<1x2x125xi32, #tpu.memory_space<vmem>> -> memref<2x125xi32, #tpu.memory_space<vmem>>
    %dma_wait3A_287 = arith.constant 0 : i32
    %dma_wait3A_288 = arith.constant 0 : i32
    %dma_wait3A_289 = tpu.memref_slice %arg3[%arg0, %arg1, %dma_wait3A_280, %dma_wait3A_287, %dma_wait3A_288] : memref<2x16x80x2x125xi32, #tpu.memory_space<hbm>> -> memref<1x1x1x2x125xi32, #tpu.memory_space<hbm>>
    %dma_wait3A_290 = tpu.memref_squeeze %dma_wait3A_289 : memref<1x1x1x2x125xi32, #tpu.memory_space<hbm>> -> memref<2x125xi32, #tpu.memory_space<hbm>>
    %dma_wait3A_291 = tpu.memref_slice %arg12[%dma_wait3A_282] : memref<8x!tpu.dma_semaphore, #tpu.memory_space<semaphore_mem>> -> memref<1x!tpu.dma_semaphore, #tpu.memory_space<semaphore_mem>>
    %dma_wait3A_292 = tpu.memref_squeeze %dma_wait3A_291 : memref<1x!tpu.dma_semaphore, #tpu.memory_space<semaphore_mem>> -> memref<!tpu.dma_semaphore, #tpu.memory_space<semaphore_mem>>
    %dma_wait3A_293 = arith.constant 0 : i32
    %dma_wait3A_294 = arith.constant 0 : i32
    %dma_wait3A_295 = tpu.memref_slice %arg8[%dma_wait3A_281, %dma_wait3A_293, %dma_wait3A_294] : memref<8x2x125xi32, #tpu.memory_space<vmem>> -> memref<1x2x125xi32, #tpu.memory_space<vmem>>
    %dma_wait3A_296 = tpu.memref_squeeze %dma_wait3A_295 : memref<1x2x125xi32, #tpu.memory_space<vmem>> -> memref<2x125xi32, #tpu.memory_space<vmem>>
    %dma_wait3A_297 = arith.constant 0 : i32
    %dma_wait3A_298 = arith.constant 0 : i32
    %dma_wait3A_299 = tpu.memref_slice %arg3[%arg0, %arg1, %dma_wait3A_280, %dma_wait3A_297, %dma_wait3A_298] : memref<2x16x80x2x125xi32, #tpu.memory_space<hbm>> -> memref<1x1x1x2x125xi32, #tpu.memory_space<hbm>>
    %dma_wait3A_300 = tpu.memref_squeeze %dma_wait3A_299 : memref<1x1x1x2x125xi32, #tpu.memory_space<hbm>> -> memref<2x125xi32, #tpu.memory_space<hbm>>
    tpu.wait_dma2 semaphore(%dma_wait3A_292 : memref<!tpu.dma_semaphore, #tpu.memory_space<semaphore_mem>>) src(%dma_wait3A_300 : memref<2x125xi32, #tpu.memory_space<hbm>>) dst(%dma_wait3A_296 : memref<2x125xi32, #tpu.memory_space<vmem>>)
    %dma_start3A_301 = arith.constant 3 : i32
    %dma_start3A_302 = arith.constant 0 : i32
    %dma_start3A_303 = arith.constant 3 : i32
    %dma_start3A_304 = arith.constant 3 : i32
    %dma_start3A_305 = arith.constant 0 : i32
    %dma_start3A_306 = arith.constant 0 : i32
    %dma_start3A_307 = tpu.memref_slice %arg9[%dma_start3A_303, %dma_start3A_305, %dma_start3A_306] : memref<6x125x64xf32, #tpu.memory_space<vmem>> -> memref<1x125x64xf32, #tpu.memory_space<vmem>>
    %dma_start3A_308 = tpu.memref_squeeze %dma_start3A_307 : memref<1x125x64xf32, #tpu.memory_space<vmem>> -> memref<125x64xf32, #tpu.memory_space<vmem>>
    %dma_start3A_309 = arith.constant 0 : i32
    %dma_start3A_310 = tpu.memref_slice %arg8[%dma_start3A_301, %dma_start3A_302, %dma_start3A_309] : memref<8x2x125xi32, #tpu.memory_space<vmem>> -> memref<1x1x125xi32, #tpu.memory_space<vmem>>
    %dma_start3A_311 = tpu.memref_squeeze %dma_start3A_310 : memref<1x1x125xi32, #tpu.memory_space<vmem>> -> memref<125xi32, #tpu.memory_space<vmem>>
    %dma_start3A_312 = arith.constant 0 : i32
    %dma_start3A_313 = arith.constant 0 : i32
    %dma_start3A_314 = tpu.memref_slice %arg2[%dma_start3A_312, %dma_start3A_313] : memref<10000x64xf32, #tpu.memory_space<hbm>> -> memref<10000x64xf32, #tpu.memory_space<hbm>>
    %dma_start3A_315 = tpu.memref_slice %arg13[%dma_start3A_304] : memref<6x!tpu.dma_semaphore, #tpu.memory_space<semaphore_mem>> -> memref<1x!tpu.dma_semaphore, #tpu.memory_space<semaphore_mem>>
    %dma_start3A_316 = tpu.memref_squeeze %dma_start3A_315 : memref<1x!tpu.dma_semaphore, #tpu.memory_space<semaphore_mem>> -> memref<!tpu.dma_semaphore, #tpu.memory_space<semaphore_mem>>
    tpu.enqueue_indirect_dma source(%dma_start3A_314 : memref<10000x64xf32, #tpu.memory_space<hbm>>) target(%dma_start3A_308 : memref<125x64xf32, #tpu.memory_space<vmem>>) offsets(%dma_start3A_311 : memref<125xi32, #tpu.memory_space<vmem>>) semaphore(%dma_start3A_316 : memref<!tpu.dma_semaphore, #tpu.memory_space<semaphore_mem>>)
    %dma_wait3A_317 = arith.constant 4 : i32
    %dma_wait3A_318 = arith.constant 4 : i32
    %dma_wait3A_319 = arith.constant 4 : i32
    %dma_wait3A_320 = arith.constant 0 : i32
    %dma_wait3A_321 = arith.constant 0 : i32
    %dma_wait3A_322 = tpu.memref_slice %arg8[%dma_wait3A_318, %dma_wait3A_320, %dma_wait3A_321] : memref<8x2x125xi32, #tpu.memory_space<vmem>> -> memref<1x2x125xi32, #tpu.memory_space<vmem>>
    %dma_wait3A_323 = tpu.memref_squeeze %dma_wait3A_322 : memref<1x2x125xi32, #tpu.memory_space<vmem>> -> memref<2x125xi32, #tpu.memory_space<vmem>>
    %dma_wait3A_324 = arith.constant 0 : i32
    %dma_wait3A_325 = arith.constant 0 : i32
    %dma_wait3A_326 = tpu.memref_slice %arg3[%arg0, %arg1, %dma_wait3A_317, %dma_wait3A_324, %dma_wait3A_325] : memref<2x16x80x2x125xi32, #tpu.memory_space<hbm>> -> memref<1x1x1x2x125xi32, #tpu.memory_space<hbm>>
    %dma_wait3A_327 = tpu.memref_squeeze %dma_wait3A_326 : memref<1x1x1x2x125xi32, #tpu.memory_space<hbm>> -> memref<2x125xi32, #tpu.memory_space<hbm>>
    %dma_wait3A_328 = tpu.memref_slice %arg12[%dma_wait3A_319] : memref<8x!tpu.dma_semaphore, #tpu.memory_space<semaphore_mem>> -> memref<1x!tpu.dma_semaphore, #tpu.memory_space<semaphore_mem>>
    %dma_wait3A_329 = tpu.memref_squeeze %dma_wait3A_328 : memref<1x!tpu.dma_semaphore, #tpu.memory_space<semaphore_mem>> -> memref<!tpu.dma_semaphore, #tpu.memory_space<semaphore_mem>>
    %dma_wait3A_330 = arith.constant 0 : i32
    %dma_wait3A_331 = arith.constant 0 : i32
    %dma_wait3A_332 = tpu.memref_slice %arg8[%dma_wait3A_318, %dma_wait3A_330, %dma_wait3A_331] : memref<8x2x125xi32, #tpu.memory_space<vmem>> -> memref<1x2x125xi32, #tpu.memory_space<vmem>>
    %dma_wait3A_333 = tpu.memref_squeeze %dma_wait3A_332 : memref<1x2x125xi32, #tpu.memory_space<vmem>> -> memref<2x125xi32, #tpu.memory_space<vmem>>
    %dma_wait3A_334 = arith.constant 0 : i32
    %dma_wait3A_335 = arith.constant 0 : i32
    %dma_wait3A_336 = tpu.memref_slice %arg3[%arg0, %arg1, %dma_wait3A_317, %dma_wait3A_334, %dma_wait3A_335] : memref<2x16x80x2x125xi32, #tpu.memory_space<hbm>> -> memref<1x1x1x2x125xi32, #tpu.memory_space<hbm>>
    %dma_wait3A_337 = tpu.memref_squeeze %dma_wait3A_336 : memref<1x1x1x2x125xi32, #tpu.memory_space<hbm>> -> memref<2x125xi32, #tpu.memory_space<hbm>>
    tpu.wait_dma2 semaphore(%dma_wait3A_329 : memref<!tpu.dma_semaphore, #tpu.memory_space<semaphore_mem>>) src(%dma_wait3A_337 : memref<2x125xi32, #tpu.memory_space<hbm>>) dst(%dma_wait3A_333 : memref<2x125xi32, #tpu.memory_space<vmem>>)
    %dma_start3A_338 = arith.constant 4 : i32
    %dma_start3A_339 = arith.constant 0 : i32
    %dma_start3A_340 = arith.constant 4 : i32
    %dma_start3A_341 = arith.constant 4 : i32
    %dma_start3A_342 = arith.constant 0 : i32
    %dma_start3A_343 = arith.constant 0 : i32
    %dma_start3A_344 = tpu.memref_slice %arg9[%dma_start3A_340, %dma_start3A_342, %dma_start3A_343] : memref<6x125x64xf32, #tpu.memory_space<vmem>> -> memref<1x125x64xf32, #tpu.memory_space<vmem>>
    %dma_start3A_345 = tpu.memref_squeeze %dma_start3A_344 : memref<1x125x64xf32, #tpu.memory_space<vmem>> -> memref<125x64xf32, #tpu.memory_space<vmem>>
    %dma_start3A_346 = arith.constant 0 : i32
    %dma_start3A_347 = tpu.memref_slice %arg8[%dma_start3A_338, %dma_start3A_339, %dma_start3A_346] : memref<8x2x125xi32, #tpu.memory_space<vmem>> -> memref<1x1x125xi32, #tpu.memory_space<vmem>>
    %dma_start3A_348 = tpu.memref_squeeze %dma_start3A_347 : memref<1x1x125xi32, #tpu.memory_space<vmem>> -> memref<125xi32, #tpu.memory_space<vmem>>
    %dma_start3A_349 = arith.constant 0 : i32
    %dma_start3A_350 = arith.constant 0 : i32
    %dma_start3A_351 = tpu.memref_slice %arg2[%dma_start3A_349, %dma_start3A_350] : memref<10000x64xf32, #tpu.memory_space<hbm>> -> memref<10000x64xf32, #tpu.memory_space<hbm>>
    %dma_start3A_352 = tpu.memref_slice %arg13[%dma_start3A_341] : memref<6x!tpu.dma_semaphore, #tpu.memory_space<semaphore_mem>> -> memref<1x!tpu.dma_semaphore, #tpu.memory_space<semaphore_mem>>
    %dma_start3A_353 = tpu.memref_squeeze %dma_start3A_352 : memref<1x!tpu.dma_semaphore, #tpu.memory_space<semaphore_mem>> -> memref<!tpu.dma_semaphore, #tpu.memory_space<semaphore_mem>>
    tpu.enqueue_indirect_dma source(%dma_start3A_351 : memref<10000x64xf32, #tpu.memory_space<hbm>>) target(%dma_start3A_345 : memref<125x64xf32, #tpu.memory_space<vmem>>) offsets(%dma_start3A_348 : memref<125xi32, #tpu.memory_space<vmem>>) semaphore(%dma_start3A_353 : memref<!tpu.dma_semaphore, #tpu.memory_space<semaphore_mem>>)
    %dma_wait3A_354 = arith.constant 0 : i32
    %dma_wait3A_355 = tpu.memref_slice %arg11[%mul3A_0, %dma_wait3A_354] : memref<10240x64xf32, #tpu.memory_space<vmem_shared>> -> memref<640x64xf32, #tpu.memory_space<vmem_shared>>
    tpu.wait_dma2 semaphore(%arg15 : memref<!tpu.dma_semaphore, #tpu.memory_space<semaphore_mem>>) src(%arg4 : memref<640x64xf32, #tpu.memory_space<hbm>>) dst(%dma_wait3A_355 : memref<640x64xf32, #tpu.memory_space<vmem_shared>>)
    %barrier3A = arith.constant 0 : index
    tpu.barrier barrier_id(%barrier3A)
    %scan3A = arith.constant 0 : i32
    %scan3A_356 = arith.constant 0 : i32
    %scan3A_357 = arith.constant 80 : i32
    %scan3A_358 = arith.addi %scan3A_356, %scan3A_357 : i32
    %scan3A_359 = arith.constant 1 : i32
    scf.for %scan3A_468 = %scan3A_356 to %scan3A_358 step %scan3A_359  : i32 {
      %rem3A = arith.constant 6 : i32
      %rem3A_469 = arith.remsi %scan3A_468, %rem3A : i32
      %rem3A_470 = arith.constant 8 : i32
      %rem3A_471 = arith.remsi %scan3A_468, %rem3A_470 : i32
      %dma_wait3A_472 = arith.constant 0 : i32
      %dma_wait3A_473 = arith.constant 0 : i32
      %dma_wait3A_474 = arith.constant 0 : i32
      %dma_wait3A_475 = tpu.memref_slice %arg9[%rem3A_469, %dma_wait3A_473, %dma_wait3A_474] : memref<6x125x64xf32, #tpu.memory_space<vmem>> -> memref<1x125x64xf32, #tpu.memory_space<vmem>>
      %dma_wait3A_476 = tpu.memref_squeeze %dma_wait3A_475 : memref<1x125x64xf32, #tpu.memory_space<vmem>> -> memref<125x64xf32, #tpu.memory_space<vmem>>
      %dma_wait3A_477 = arith.constant 0 : i32
      %dma_wait3A_478 = tpu.memref_slice %arg8[%rem3A_471, %dma_wait3A_472, %dma_wait3A_477] : memref<8x2x125xi32, #tpu.memory_space<vmem>> -> memref<1x1x125xi32, #tpu.memory_space<vmem>>
      %dma_wait3A_479 = tpu.memref_squeeze %dma_wait3A_478 : memref<1x1x125xi32, #tpu.memory_space<vmem>> -> memref<125xi32, #tpu.memory_space<vmem>>
      %dma_wait3A_480 = arith.constant 0 : i32
      %dma_wait3A_481 = arith.constant 0 : i32
      %dma_wait3A_482 = tpu.memref_slice %arg2[%dma_wait3A_480, %dma_wait3A_481] : memref<10000x64xf32, #tpu.memory_space<hbm>> -> memref<10000x64xf32, #tpu.memory_space<hbm>>
      %dma_wait3A_483 = tpu.memref_slice %arg13[%rem3A_469] : memref<6x!tpu.dma_semaphore, #tpu.memory_space<semaphore_mem>> -> memref<1x!tpu.dma_semaphore, #tpu.memory_space<semaphore_mem>>
      %dma_wait3A_484 = tpu.memref_squeeze %dma_wait3A_483 : memref<1x!tpu.dma_semaphore, #tpu.memory_space<semaphore_mem>> -> memref<!tpu.dma_semaphore, #tpu.memory_space<semaphore_mem>>
      tpu.wait_indirect_dma semaphore(%dma_wait3A_484 : memref<!tpu.dma_semaphore, #tpu.memory_space<semaphore_mem>>) src(%dma_wait3A_482 : memref<10000x64xf32, #tpu.memory_space<hbm>>) dst(%dma_wait3A_476 : memref<125x64xf32, #tpu.memory_space<vmem>>)
      %dma_start3A_485 = arith.constant 1 : i32
      %dma_start3A_486 = arith.constant 0 : i32
      %dma_start3A_487 = arith.constant 0 : i32
      %dma_start3A_488 = tpu.memref_slice %arg9[%rem3A_469, %dma_start3A_486, %dma_start3A_487] : memref<6x125x64xf32, #tpu.memory_space<vmem>> -> memref<1x125x64xf32, #tpu.memory_space<vmem>>
      %dma_start3A_489 = tpu.memref_squeeze %dma_start3A_488 : memref<1x125x64xf32, #tpu.memory_space<vmem>> -> memref<125x64xf32, #tpu.memory_space<vmem>>
      %dma_start3A_490 = arith.constant 0 : i32
      %dma_start3A_491 = tpu.memref_slice %arg8[%rem3A_471, %dma_start3A_485, %dma_start3A_490] : memref<8x2x125xi32, #tpu.memory_space<vmem>> -> memref<1x1x125xi32, #tpu.memory_space<vmem>>
      %dma_start3A_492 = tpu.memref_squeeze %dma_start3A_491 : memref<1x1x125xi32, #tpu.memory_space<vmem>> -> memref<125xi32, #tpu.memory_space<vmem>>
      %dma_start3A_493 = arith.constant 0 : i32
      %dma_start3A_494 = arith.constant 0 : i32
      %dma_start3A_495 = tpu.memref_slice %arg11[%dma_start3A_493, %dma_start3A_494] : memref<10240x64xf32, #tpu.memory_space<vmem_shared>> -> memref<10240x64xf32, #tpu.memory_space<vmem_shared>>
      %dma_start3A_496 = tpu.memref_slice %arg14[%rem3A_469] : memref<6x!tpu.dma_semaphore, #tpu.memory_space<semaphore_mem>> -> memref<1x!tpu.dma_semaphore, #tpu.memory_space<semaphore_mem>>
      %dma_start3A_497 = tpu.memref_squeeze %dma_start3A_496 : memref<1x!tpu.dma_semaphore, #tpu.memory_space<semaphore_mem>> -> memref<!tpu.dma_semaphore, #tpu.memory_space<semaphore_mem>>
      tpu.enqueue_indirect_dma source(%dma_start3A_489 : memref<125x64xf32, #tpu.memory_space<vmem>>) target(%dma_start3A_495 : memref<10240x64xf32, #tpu.memory_space<vmem_shared>>) offsets(%dma_start3A_492 : memref<125xi32, #tpu.memory_space<vmem>>) semaphore(%dma_start3A_497 : memref<!tpu.dma_semaphore, #tpu.memory_space<semaphore_mem>>) {add = true}
      %add3A = arith.constant 6 : i32
      %add3A_498 = arith.addi %scan3A_468, %add3A : i32
      %sub3A = arith.constant 1 : i32
      %sub3A_499 = arith.subi %add3A_498, %sub3A : i32
      %lt3A = arith.constant 80 : i32
      %lt3A_500 = arith.cmpi slt, %sub3A_499, %lt3A : i32
      %convert_element_type3A = arith.extui %lt3A_500 : i1 to i32
      %cond3A = arith.constant 0 : i32
      %cond3A_501 = arith.cmpi ne, %convert_element_type3A, %cond3A : i32
      scf.if %cond3A_501 {
        %add3A_502 = arith.constant 6 : i32
        %add3A_503 = arith.addi %scan3A_468, %add3A_502 : i32
        %sub3A_504 = arith.constant 1 : i32
        %sub3A_505 = arith.subi %add3A_503, %sub3A_504 : i32
        %rem3A_506 = arith.constant 6 : i32
        %rem3A_507 = arith.remsi %sub3A_505, %rem3A_506 : i32
        %add3A_508 = arith.constant 8 : i32
        %add3A_509 = arith.addi %scan3A_468, %add3A_508 : i32
        %sub3A_510 = arith.constant 1 : i32
        %sub3A_511 = arith.subi %add3A_509, %sub3A_510 : i32
        %rem3A_512 = arith.constant 8 : i32
        %rem3A_513 = arith.remsi %sub3A_511, %rem3A_512 : i32
        %ge3A = arith.constant 1 : i32
        %ge3A_514 = arith.cmpi sge, %scan3A_468, %ge3A : i32
        %convert_element_type3A_515 = arith.extui %ge3A_514 : i1 to i32
        %cond3A_516 = arith.constant 0 : i32
        %cond3A_517 = arith.cmpi ne, %convert_element_type3A_515, %cond3A_516 : i32
        scf.if %cond3A_517 {
          %dma_wait3A_559 = arith.constant 1 : i32
          %dma_wait3A_560 = arith.constant 0 : i32
          %dma_wait3A_561 = arith.constant 0 : i32
          %dma_wait3A_562 = tpu.memref_slice %arg9[%rem3A_507, %dma_wait3A_560, %dma_wait3A_561] : memref<6x125x64xf32, #tpu.memory_space<vmem>> -> memref<1x125x64xf32, #tpu.memory_space<vmem>>
          %dma_wait3A_563 = tpu.memref_squeeze %dma_wait3A_562 : memref<1x125x64xf32, #tpu.memory_space<vmem>> -> memref<125x64xf32, #tpu.memory_space<vmem>>
          %dma_wait3A_564 = arith.constant 0 : i32
          %dma_wait3A_565 = tpu.memref_slice %arg8[%rem3A_513, %dma_wait3A_559, %dma_wait3A_564] : memref<8x2x125xi32, #tpu.memory_space<vmem>> -> memref<1x1x125xi32, #tpu.memory_space<vmem>>
          %dma_wait3A_566 = tpu.memref_squeeze %dma_wait3A_565 : memref<1x1x125xi32, #tpu.memory_space<vmem>> -> memref<125xi32, #tpu.memory_space<vmem>>
          %dma_wait3A_567 = arith.constant 0 : i32
          %dma_wait3A_568 = arith.constant 0 : i32
          %dma_wait3A_569 = tpu.memref_slice %arg11[%dma_wait3A_567, %dma_wait3A_568] : memref<10240x64xf32, #tpu.memory_space<vmem_shared>> -> memref<10240x64xf32, #tpu.memory_space<vmem_shared>>
          %dma_wait3A_570 = tpu.memref_slice %arg14[%rem3A_507] : memref<6x!tpu.dma_semaphore, #tpu.memory_space<semaphore_mem>> -> memref<1x!tpu.dma_semaphore, #tpu.memory_space<semaphore_mem>>
          %dma_wait3A_571 = tpu.memref_squeeze %dma_wait3A_570 : memref<1x!tpu.dma_semaphore, #tpu.memory_space<semaphore_mem>> -> memref<!tpu.dma_semaphore, #tpu.memory_space<semaphore_mem>>
          tpu.wait_indirect_dma semaphore(%dma_wait3A_571 : memref<!tpu.dma_semaphore, #tpu.memory_space<semaphore_mem>>) src(%dma_wait3A_563 : memref<125x64xf32, #tpu.memory_space<vmem>>) dst(%dma_wait3A_569 : memref<10240x64xf32, #tpu.memory_space<vmem_shared>>)
          %sub3A_572 = arith.constant 1 : i32
          %sub3A_573 = arith.subi %scan3A_468, %sub3A_572 : i32
          %add3A_574 = arith.constant 8 : i32
          %add3A_575 = arith.addi %sub3A_573, %add3A_574 : i32
          %lt3A_576 = arith.constant 80 : i32
          %lt3A_577 = arith.cmpi slt, %add3A_575, %lt3A_576 : i32
          %convert_element_type3A_578 = arith.extui %lt3A_577 : i1 to i32
          %cond3A_579 = arith.constant 0 : i32
          %cond3A_580 = arith.cmpi ne, %convert_element_type3A_578, %cond3A_579 : i32
          scf.if %cond3A_580 {
            %sub3A_581 = arith.constant 1 : i32
            %sub3A_582 = arith.subi %scan3A_468, %sub3A_581 : i32
            %add3A_583 = arith.constant 8 : i32
            %add3A_584 = arith.addi %sub3A_582, %add3A_583 : i32
            %dma_start3A_585 = arith.constant 0 : i32
            %dma_start3A_586 = arith.constant 0 : i32
            %dma_start3A_587 = tpu.memref_slice %arg8[%rem3A_513, %dma_start3A_585, %dma_start3A_586] : memref<8x2x125xi32, #tpu.memory_space<vmem>> -> memref<1x2x125xi32, #tpu.memory_space<vmem>>
            %dma_start3A_588 = tpu.memref_squeeze %dma_start3A_587 : memref<1x2x125xi32, #tpu.memory_space<vmem>> -> memref<2x125xi32, #tpu.memory_space<vmem>>
            %dma_start3A_589 = arith.constant 0 : i32
            %dma_start3A_590 = arith.constant 0 : i32
            %dma_start3A_591 = tpu.memref_slice %arg3[%arg0, %arg1, %add3A_584, %dma_start3A_589, %dma_start3A_590] : memref<2x16x80x2x125xi32, #tpu.memory_space<hbm>> -> memref<1x1x1x2x125xi32, #tpu.memory_space<hbm>>
            %dma_start3A_592 = tpu.memref_squeeze %dma_start3A_591 : memref<1x1x1x2x125xi32, #tpu.memory_space<hbm>> -> memref<2x125xi32, #tpu.memory_space<hbm>>
            %dma_start3A_593 = tpu.memref_slice %arg12[%rem3A_513] : memref<8x!tpu.dma_semaphore, #tpu.memory_space<semaphore_mem>> -> memref<1x!tpu.dma_semaphore, #tpu.memory_space<semaphore_mem>>
            %dma_start3A_594 = tpu.memref_squeeze %dma_start3A_593 : memref<1x!tpu.dma_semaphore, #tpu.memory_space<semaphore_mem>> -> memref<!tpu.dma_semaphore, #tpu.memory_space<semaphore_mem>>
            %dma_start3A_595 = arith.constant 0 : i32
            %dma_start3A_596 = arith.constant 0 : i32
            %dma_start3A_597 = tpu.memref_slice %arg8[%rem3A_513, %dma_start3A_595, %dma_start3A_596] : memref<8x2x125xi32, #tpu.memory_space<vmem>> -> memref<1x2x125xi32, #tpu.memory_space<vmem>>
            %dma_start3A_598 = tpu.memref_squeeze %dma_start3A_597 : memref<1x2x125xi32, #tpu.memory_space<vmem>> -> memref<2x125xi32, #tpu.memory_space<vmem>>
            %dma_start3A_599 = arith.constant 0 : i32
            %dma_start3A_600 = arith.constant 0 : i32
            %dma_start3A_601 = tpu.memref_slice %arg3[%arg0, %arg1, %add3A_584, %dma_start3A_599, %dma_start3A_600] : memref<2x16x80x2x125xi32, #tpu.memory_space<hbm>> -> memref<1x1x1x2x125xi32, #tpu.memory_space<hbm>>
            %dma_start3A_602 = tpu.memref_squeeze %dma_start3A_601 : memref<1x1x1x2x125xi32, #tpu.memory_space<hbm>> -> memref<2x125xi32, #tpu.memory_space<hbm>>
            tpu.enqueue_dma source(%dma_start3A_602 : memref<2x125xi32, #tpu.memory_space<hbm>>) target(%dma_start3A_598 : memref<2x125xi32, #tpu.memory_space<vmem>>) target_semaphore(%dma_start3A_594 : memref<!tpu.dma_semaphore, #tpu.memory_space<semaphore_mem>>)
          } else {
          }
        } else {
        }
        %add3A_518 = arith.constant 6 : i32
        %add3A_519 = arith.addi %scan3A_468, %add3A_518 : i32
        %sub3A_520 = arith.constant 1 : i32
        %sub3A_521 = arith.subi %add3A_519, %sub3A_520 : i32
        %rem3A_522 = arith.constant 8 : i32
        %rem3A_523 = arith.remsi %sub3A_521, %rem3A_522 : i32
        %add3A_524 = arith.constant 6 : i32
        %add3A_525 = arith.addi %scan3A_468, %add3A_524 : i32
        %sub3A_526 = arith.constant 1 : i32
        %sub3A_527 = arith.subi %add3A_525, %sub3A_526 : i32
        %dma_wait3A_528 = arith.constant 0 : i32
        %dma_wait3A_529 = arith.constant 0 : i32
        %dma_wait3A_530 = tpu.memref_slice %arg8[%rem3A_523, %dma_wait3A_528, %dma_wait3A_529] : memref<8x2x125xi32, #tpu.memory_space<vmem>> -> memref<1x2x125xi32, #tpu.memory_space<vmem>>
        %dma_wait3A_531 = tpu.memref_squeeze %dma_wait3A_530 : memref<1x2x125xi32, #tpu.memory_space<vmem>> -> memref<2x125xi32, #tpu.memory_space<vmem>>
        %dma_wait3A_532 = arith.constant 0 : i32
        %dma_wait3A_533 = arith.constant 0 : i32
        %dma_wait3A_534 = tpu.memref_slice %arg3[%arg0, %arg1, %sub3A_527, %dma_wait3A_532, %dma_wait3A_533] : memref<2x16x80x2x125xi32, #tpu.memory_space<hbm>> -> memref<1x1x1x2x125xi32, #tpu.memory_space<hbm>>
        %dma_wait3A_535 = tpu.memref_squeeze %dma_wait3A_534 : memref<1x1x1x2x125xi32, #tpu.memory_space<hbm>> -> memref<2x125xi32, #tpu.memory_space<hbm>>
        %dma_wait3A_536 = tpu.memref_slice %arg12[%rem3A_523] : memref<8x!tpu.dma_semaphore, #tpu.memory_space<semaphore_mem>> -> memref<1x!tpu.dma_semaphore, #tpu.memory_space<semaphore_mem>>
        %dma_wait3A_537 = tpu.memref_squeeze %dma_wait3A_536 : memref<1x!tpu.dma_semaphore, #tpu.memory_space<semaphore_mem>> -> memref<!tpu.dma_semaphore, #tpu.memory_space<semaphore_mem>>
        %dma_wait3A_538 = arith.constant 0 : i32
        %dma_wait3A_539 = arith.constant 0 : i32
        %dma_wait3A_540 = tpu.memref_slice %arg8[%rem3A_523, %dma_wait3A_538, %dma_wait3A_539] : memref<8x2x125xi32, #tpu.memory_space<vmem>> -> memref<1x2x125xi32, #tpu.memory_space<vmem>>
        %dma_wait3A_541 = tpu.memref_squeeze %dma_wait3A_540 : memref<1x2x125xi32, #tpu.memory_space<vmem>> -> memref<2x125xi32, #tpu.memory_space<vmem>>
        %dma_wait3A_542 = arith.constant 0 : i32
        %dma_wait3A_543 = arith.constant 0 : i32
        %dma_wait3A_544 = tpu.memref_slice %arg3[%arg0, %arg1, %sub3A_527, %dma_wait3A_542, %dma_wait3A_543] : memref<2x16x80x2x125xi32, #tpu.memory_space<hbm>> -> memref<1x1x1x2x125xi32, #tpu.memory_space<hbm>>
        %dma_wait3A_545 = tpu.memref_squeeze %dma_wait3A_544 : memref<1x1x1x2x125xi32, #tpu.memory_space<hbm>> -> memref<2x125xi32, #tpu.memory_space<hbm>>
        tpu.wait_dma2 semaphore(%dma_wait3A_537 : memref<!tpu.dma_semaphore, #tpu.memory_space<semaphore_mem>>) src(%dma_wait3A_545 : memref<2x125xi32, #tpu.memory_space<hbm>>) dst(%dma_wait3A_541 : memref<2x125xi32, #tpu.memory_space<vmem>>)
        %dma_start3A_546 = arith.constant 0 : i32
        %dma_start3A_547 = arith.constant 0 : i32
        %dma_start3A_548 = arith.constant 0 : i32
        %dma_start3A_549 = tpu.memref_slice %arg9[%rem3A_507, %dma_start3A_547, %dma_start3A_548] : memref<6x125x64xf32, #tpu.memory_space<vmem>> -> memref<1x125x64xf32, #tpu.memory_space<vmem>>
        %dma_start3A_550 = tpu.memref_squeeze %dma_start3A_549 : memref<1x125x64xf32, #tpu.memory_space<vmem>> -> memref<125x64xf32, #tpu.memory_space<vmem>>
        %dma_start3A_551 = arith.constant 0 : i32
        %dma_start3A_552 = tpu.memref_slice %arg8[%rem3A_523, %dma_start3A_546, %dma_start3A_551] : memref<8x2x125xi32, #tpu.memory_space<vmem>> -> memref<1x1x125xi32, #tpu.memory_space<vmem>>
        %dma_start3A_553 = tpu.memref_squeeze %dma_start3A_552 : memref<1x1x125xi32, #tpu.memory_space<vmem>> -> memref<125xi32, #tpu.memory_space<vmem>>
        %dma_start3A_554 = arith.constant 0 : i32
        %dma_start3A_555 = arith.constant 0 : i32
        %dma_start3A_556 = tpu.memref_slice %arg2[%dma_start3A_554, %dma_start3A_555] : memref<10000x64xf32, #tpu.memory_space<hbm>> -> memref<10000x64xf32, #tpu.memory_space<hbm>>
        %dma_start3A_557 = tpu.memref_slice %arg13[%rem3A_507] : memref<6x!tpu.dma_semaphore, #tpu.memory_space<semaphore_mem>> -> memref<1x!tpu.dma_semaphore, #tpu.memory_space<semaphore_mem>>
        %dma_start3A_558 = tpu.memref_squeeze %dma_start3A_557 : memref<1x!tpu.dma_semaphore, #tpu.memory_space<semaphore_mem>> -> memref<!tpu.dma_semaphore, #tpu.memory_space<semaphore_mem>>
        tpu.enqueue_indirect_dma source(%dma_start3A_556 : memref<10000x64xf32, #tpu.memory_space<hbm>>) target(%dma_start3A_550 : memref<125x64xf32, #tpu.memory_space<vmem>>) offsets(%dma_start3A_553 : memref<125xi32, #tpu.memory_space<vmem>>) semaphore(%dma_start3A_558 : memref<!tpu.dma_semaphore, #tpu.memory_space<semaphore_mem>>)
      } else {
      }
    }
    %scan3A_360 = arith.constant 80 : i32
    %dma_wait3A_361 = arith.constant 2 : i32
    %dma_wait3A_362 = arith.constant 2 : i32
    %dma_wait3A_363 = arith.constant 1 : i32
    %dma_wait3A_364 = arith.constant 2 : i32
    %dma_wait3A_365 = arith.constant 0 : i32
    %dma_wait3A_366 = arith.constant 0 : i32
    %dma_wait3A_367 = tpu.memref_slice %arg9[%dma_wait3A_361, %dma_wait3A_365, %dma_wait3A_366] : memref<6x125x64xf32, #tpu.memory_space<vmem>> -> memref<1x125x64xf32, #tpu.memory_space<vmem>>
    %dma_wait3A_368 = tpu.memref_squeeze %dma_wait3A_367 : memref<1x125x64xf32, #tpu.memory_space<vmem>> -> memref<125x64xf32, #tpu.memory_space<vmem>>
    %dma_wait3A_369 = arith.constant 0 : i32
    %dma_wait3A_370 = tpu.memref_slice %arg8[%dma_wait3A_362, %dma_wait3A_363, %dma_wait3A_369] : memref<8x2x125xi32, #tpu.memory_space<vmem>> -> memref<1x1x125xi32, #tpu.memory_space<vmem>>
    %dma_wait3A_371 = tpu.memref_squeeze %dma_wait3A_370 : memref<1x1x125xi32, #tpu.memory_space<vmem>> -> memref<125xi32, #tpu.memory_space<vmem>>
    %dma_wait3A_372 = arith.constant 0 : i32
    %dma_wait3A_373 = arith.constant 0 : i32
    %dma_wait3A_374 = tpu.memref_slice %arg11[%dma_wait3A_372, %dma_wait3A_373] : memref<10240x64xf32, #tpu.memory_space<vmem_shared>> -> memref<10240x64xf32, #tpu.memory_space<vmem_shared>>
    %dma_wait3A_375 = tpu.memref_slice %arg14[%dma_wait3A_364] : memref<6x!tpu.dma_semaphore, #tpu.memory_space<semaphore_mem>> -> memref<1x!tpu.dma_semaphore, #tpu.memory_space<semaphore_mem>>
    %dma_wait3A_376 = tpu.memref_squeeze %dma_wait3A_375 : memref<1x!tpu.dma_semaphore, #tpu.memory_space<semaphore_mem>> -> memref<!tpu.dma_semaphore, #tpu.memory_space<semaphore_mem>>
    tpu.wait_indirect_dma semaphore(%dma_wait3A_376 : memref<!tpu.dma_semaphore, #tpu.memory_space<semaphore_mem>>) src(%dma_wait3A_368 : memref<125x64xf32, #tpu.memory_space<vmem>>) dst(%dma_wait3A_374 : memref<10240x64xf32, #tpu.memory_space<vmem_shared>>)
    %dma_wait3A_377 = arith.constant 3 : i32
    %dma_wait3A_378 = arith.constant 3 : i32
    %dma_wait3A_379 = arith.constant 1 : i32
    %dma_wait3A_380 = arith.constant 3 : i32
    %dma_wait3A_381 = arith.constant 0 : i32
    %dma_wait3A_382 = arith.constant 0 : i32
    %dma_wait3A_383 = tpu.memref_slice %arg9[%dma_wait3A_377, %dma_wait3A_381, %dma_wait3A_382] : memref<6x125x64xf32, #tpu.memory_space<vmem>> -> memref<1x125x64xf32, #tpu.memory_space<vmem>>
    %dma_wait3A_384 = tpu.memref_squeeze %dma_wait3A_383 : memref<1x125x64xf32, #tpu.memory_space<vmem>> -> memref<125x64xf32, #tpu.memory_space<vmem>>
    %dma_wait3A_385 = arith.constant 0 : i32
    %dma_wait3A_386 = tpu.memref_slice %arg8[%dma_wait3A_378, %dma_wait3A_379, %dma_wait3A_385] : memref<8x2x125xi32, #tpu.memory_space<vmem>> -> memref<1x1x125xi32, #tpu.memory_space<vmem>>
    %dma_wait3A_387 = tpu.memref_squeeze %dma_wait3A_386 : memref<1x1x125xi32, #tpu.memory_space<vmem>> -> memref<125xi32, #tpu.memory_space<vmem>>
    %dma_wait3A_388 = arith.constant 0 : i32
    %dma_wait3A_389 = arith.constant 0 : i32
    %dma_wait3A_390 = tpu.memref_slice %arg11[%dma_wait3A_388, %dma_wait3A_389] : memref<10240x64xf32, #tpu.memory_space<vmem_shared>> -> memref<10240x64xf32, #tpu.memory_space<vmem_shared>>
    %dma_wait3A_391 = tpu.memref_slice %arg14[%dma_wait3A_380] : memref<6x!tpu.dma_semaphore, #tpu.memory_space<semaphore_mem>> -> memref<1x!tpu.dma_semaphore, #tpu.memory_space<semaphore_mem>>
    %dma_wait3A_392 = tpu.memref_squeeze %dma_wait3A_391 : memref<1x!tpu.dma_semaphore, #tpu.memory_space<semaphore_mem>> -> memref<!tpu.dma_semaphore, #tpu.memory_space<semaphore_mem>>
    tpu.wait_indirect_dma semaphore(%dma_wait3A_392 : memref<!tpu.dma_semaphore, #tpu.memory_space<semaphore_mem>>) src(%dma_wait3A_384 : memref<125x64xf32, #tpu.memory_space<vmem>>) dst(%dma_wait3A_390 : memref<10240x64xf32, #tpu.memory_space<vmem_shared>>)
    %dma_wait3A_393 = arith.constant 4 : i32
    %dma_wait3A_394 = arith.constant 4 : i32
    %dma_wait3A_395 = arith.constant 1 : i32
    %dma_wait3A_396 = arith.constant 4 : i32
    %dma_wait3A_397 = arith.constant 0 : i32
    %dma_wait3A_398 = arith.constant 0 : i32
    %dma_wait3A_399 = tpu.memref_slice %arg9[%dma_wait3A_393, %dma_wait3A_397, %dma_wait3A_398] : memref<6x125x64xf32, #tpu.memory_space<vmem>> -> memref<1x125x64xf32, #tpu.memory_space<vmem>>
    %dma_wait3A_400 = tpu.memref_squeeze %dma_wait3A_399 : memref<1x125x64xf32, #tpu.memory_space<vmem>> -> memref<125x64xf32, #tpu.memory_space<vmem>>
    %dma_wait3A_401 = arith.constant 0 : i32
    %dma_wait3A_402 = tpu.memref_slice %arg8[%dma_wait3A_394, %dma_wait3A_395, %dma_wait3A_401] : memref<8x2x125xi32, #tpu.memory_space<vmem>> -> memref<1x1x125xi32, #tpu.memory_space<vmem>>
    %dma_wait3A_403 = tpu.memref_squeeze %dma_wait3A_402 : memref<1x1x125xi32, #tpu.memory_space<vmem>> -> memref<125xi32, #tpu.memory_space<vmem>>
    %dma_wait3A_404 = arith.constant 0 : i32
    %dma_wait3A_405 = arith.constant 0 : i32
    %dma_wait3A_406 = tpu.memref_slice %arg11[%dma_wait3A_404, %dma_wait3A_405] : memref<10240x64xf32, #tpu.memory_space<vmem_shared>> -> memref<10240x64xf32, #tpu.memory_space<vmem_shared>>
    %dma_wait3A_407 = tpu.memref_slice %arg14[%dma_wait3A_396] : memref<6x!tpu.dma_semaphore, #tpu.memory_space<semaphore_mem>> -> memref<1x!tpu.dma_semaphore, #tpu.memory_space<semaphore_mem>>
    %dma_wait3A_408 = tpu.memref_squeeze %dma_wait3A_407 : memref<1x!tpu.dma_semaphore, #tpu.memory_space<semaphore_mem>> -> memref<!tpu.dma_semaphore, #tpu.memory_space<semaphore_mem>>
    tpu.wait_indirect_dma semaphore(%dma_wait3A_408 : memref<!tpu.dma_semaphore, #tpu.memory_space<semaphore_mem>>) src(%dma_wait3A_400 : memref<125x64xf32, #tpu.memory_space<vmem>>) dst(%dma_wait3A_406 : memref<10240x64xf32, #tpu.memory_space<vmem_shared>>)
    %dma_wait3A_409 = arith.constant 5 : i32
    %dma_wait3A_410 = arith.constant 5 : i32
    %dma_wait3A_411 = arith.constant 1 : i32
    %dma_wait3A_412 = arith.constant 5 : i32
    %dma_wait3A_413 = arith.constant 0 : i32
    %dma_wait3A_414 = arith.constant 0 : i32
    %dma_wait3A_415 = tpu.memref_slice %arg9[%dma_wait3A_409, %dma_wait3A_413, %dma_wait3A_414] : memref<6x125x64xf32, #tpu.memory_space<vmem>> -> memref<1x125x64xf32, #tpu.memory_space<vmem>>
    %dma_wait3A_416 = tpu.memref_squeeze %dma_wait3A_415 : memref<1x125x64xf32, #tpu.memory_space<vmem>> -> memref<125x64xf32, #tpu.memory_space<vmem>>
    %dma_wait3A_417 = arith.constant 0 : i32
    %dma_wait3A_418 = tpu.memref_slice %arg8[%dma_wait3A_410, %dma_wait3A_411, %dma_wait3A_417] : memref<8x2x125xi32, #tpu.memory_space<vmem>> -> memref<1x1x125xi32, #tpu.memory_space<vmem>>
    %dma_wait3A_419 = tpu.memref_squeeze %dma_wait3A_418 : memref<1x1x125xi32, #tpu.memory_space<vmem>> -> memref<125xi32, #tpu.memory_space<vmem>>
    %dma_wait3A_420 = arith.constant 0 : i32
    %dma_wait3A_421 = arith.constant 0 : i32
    %dma_wait3A_422 = tpu.memref_slice %arg11[%dma_wait3A_420, %dma_wait3A_421] : memref<10240x64xf32, #tpu.memory_space<vmem_shared>> -> memref<10240x64xf32, #tpu.memory_space<vmem_shared>>
    %dma_wait3A_423 = tpu.memref_slice %arg14[%dma_wait3A_412] : memref<6x!tpu.dma_semaphore, #tpu.memory_space<semaphore_mem>> -> memref<1x!tpu.dma_semaphore, #tpu.memory_space<semaphore_mem>>
    %dma_wait3A_424 = tpu.memref_squeeze %dma_wait3A_423 : memref<1x!tpu.dma_semaphore, #tpu.memory_space<semaphore_mem>> -> memref<!tpu.dma_semaphore, #tpu.memory_space<semaphore_mem>>
    tpu.wait_indirect_dma semaphore(%dma_wait3A_424 : memref<!tpu.dma_semaphore, #tpu.memory_space<semaphore_mem>>) src(%dma_wait3A_416 : memref<125x64xf32, #tpu.memory_space<vmem>>) dst(%dma_wait3A_422 : memref<10240x64xf32, #tpu.memory_space<vmem_shared>>)
    %dma_wait3A_425 = arith.constant 0 : i32
    %dma_wait3A_426 = arith.constant 6 : i32
    %dma_wait3A_427 = arith.constant 1 : i32
    %dma_wait3A_428 = arith.constant 0 : i32
    %dma_wait3A_429 = arith.constant 0 : i32
    %dma_wait3A_430 = arith.constant 0 : i32
    %dma_wait3A_431 = tpu.memref_slice %arg9[%dma_wait3A_425, %dma_wait3A_429, %dma_wait3A_430] : memref<6x125x64xf32, #tpu.memory_space<vmem>> -> memref<1x125x64xf32, #tpu.memory_space<vmem>>
    %dma_wait3A_432 = tpu.memref_squeeze %dma_wait3A_431 : memref<1x125x64xf32, #tpu.memory_space<vmem>> -> memref<125x64xf32, #tpu.memory_space<vmem>>
    %dma_wait3A_433 = arith.constant 0 : i32
    %dma_wait3A_434 = tpu.memref_slice %arg8[%dma_wait3A_426, %dma_wait3A_427, %dma_wait3A_433] : memref<8x2x125xi32, #tpu.memory_space<vmem>> -> memref<1x1x125xi32, #tpu.memory_space<vmem>>
    %dma_wait3A_435 = tpu.memref_squeeze %dma_wait3A_434 : memref<1x1x125xi32, #tpu.memory_space<vmem>> -> memref<125xi32, #tpu.memory_space<vmem>>
    %dma_wait3A_436 = arith.constant 0 : i32
    %dma_wait3A_437 = arith.constant 0 : i32
    %dma_wait3A_438 = tpu.memref_slice %arg11[%dma_wait3A_436, %dma_wait3A_437] : memref<10240x64xf32, #tpu.memory_space<vmem_shared>> -> memref<10240x64xf32, #tpu.memory_space<vmem_shared>>
    %dma_wait3A_439 = tpu.memref_slice %arg14[%dma_wait3A_428] : memref<6x!tpu.dma_semaphore, #tpu.memory_space<semaphore_mem>> -> memref<1x!tpu.dma_semaphore, #tpu.memory_space<semaphore_mem>>
    %dma_wait3A_440 = tpu.memref_squeeze %dma_wait3A_439 : memref<1x!tpu.dma_semaphore, #tpu.memory_space<semaphore_mem>> -> memref<!tpu.dma_semaphore, #tpu.memory_space<semaphore_mem>>
    tpu.wait_indirect_dma semaphore(%dma_wait3A_440 : memref<!tpu.dma_semaphore, #tpu.memory_space<semaphore_mem>>) src(%dma_wait3A_432 : memref<125x64xf32, #tpu.memory_space<vmem>>) dst(%dma_wait3A_438 : memref<10240x64xf32, #tpu.memory_space<vmem_shared>>)
    %dma_wait3A_441 = arith.constant 1 : i32
    %dma_wait3A_442 = arith.constant 7 : i32
    %dma_wait3A_443 = arith.constant 1 : i32
    %dma_wait3A_444 = arith.constant 1 : i32
    %dma_wait3A_445 = arith.constant 0 : i32
    %dma_wait3A_446 = arith.constant 0 : i32
    %dma_wait3A_447 = tpu.memref_slice %arg9[%dma_wait3A_441, %dma_wait3A_445, %dma_wait3A_446] : memref<6x125x64xf32, #tpu.memory_space<vmem>> -> memref<1x125x64xf32, #tpu.memory_space<vmem>>
    %dma_wait3A_448 = tpu.memref_squeeze %dma_wait3A_447 : memref<1x125x64xf32, #tpu.memory_space<vmem>> -> memref<125x64xf32, #tpu.memory_space<vmem>>
    %dma_wait3A_449 = arith.constant 0 : i32
    %dma_wait3A_450 = tpu.memref_slice %arg8[%dma_wait3A_442, %dma_wait3A_443, %dma_wait3A_449] : memref<8x2x125xi32, #tpu.memory_space<vmem>> -> memref<1x1x125xi32, #tpu.memory_space<vmem>>
    %dma_wait3A_451 = tpu.memref_squeeze %dma_wait3A_450 : memref<1x1x125xi32, #tpu.memory_space<vmem>> -> memref<125xi32, #tpu.memory_space<vmem>>
    %dma_wait3A_452 = arith.constant 0 : i32
    %dma_wait3A_453 = arith.constant 0 : i32
    %dma_wait3A_454 = tpu.memref_slice %arg11[%dma_wait3A_452, %dma_wait3A_453] : memref<10240x64xf32, #tpu.memory_space<vmem_shared>> -> memref<10240x64xf32, #tpu.memory_space<vmem_shared>>
    %dma_wait3A_455 = tpu.memref_slice %arg14[%dma_wait3A_444] : memref<6x!tpu.dma_semaphore, #tpu.memory_space<semaphore_mem>> -> memref<1x!tpu.dma_semaphore, #tpu.memory_space<semaphore_mem>>
    %dma_wait3A_456 = tpu.memref_squeeze %dma_wait3A_455 : memref<1x!tpu.dma_semaphore, #tpu.memory_space<semaphore_mem>> -> memref<!tpu.dma_semaphore, #tpu.memory_space<semaphore_mem>>
    tpu.wait_indirect_dma semaphore(%dma_wait3A_456 : memref<!tpu.dma_semaphore, #tpu.memory_space<semaphore_mem>>) src(%dma_wait3A_448 : memref<125x64xf32, #tpu.memory_space<vmem>>) dst(%dma_wait3A_454 : memref<10240x64xf32, #tpu.memory_space<vmem_shared>>)
    %barrier3A_457 = arith.constant 0 : index
    tpu.barrier barrier_id(%barrier3A_457)
    %dma_start3A_458 = arith.constant 0 : i32
    %dma_start3A_459 = tpu.memref_slice %arg7[%arg0, %mul3A_0, %dma_start3A_458] : memref<2x10240x64xf32, #tpu.memory_space<hbm>> -> memref<1x640x64xf32, #tpu.memory_space<hbm>>
    %dma_start3A_460 = tpu.memref_squeeze %dma_start3A_459 : memref<1x640x64xf32, #tpu.memory_space<hbm>> -> memref<640x64xf32, #tpu.memory_space<hbm>>
    %dma_start3A_461 = arith.constant 0 : i32
    %dma_start3A_462 = tpu.memref_slice %arg11[%mul3A_0, %dma_start3A_461] : memref<10240x64xf32, #tpu.memory_space<vmem_shared>> -> memref<640x64xf32, #tpu.memory_space<vmem_shared>>
    tpu.enqueue_dma source(%dma_start3A_462 : memref<640x64xf32, #tpu.memory_space<vmem_shared>>) target(%dma_start3A_460 : memref<640x64xf32, #tpu.memory_space<hbm>>) target_semaphore(%arg15 : memref<!tpu.dma_semaphore, #tpu.memory_space<semaphore_mem>>)
    %dma_wait3A_463 = arith.constant 0 : i32
    %dma_wait3A_464 = tpu.memref_slice %arg7[%arg0, %mul3A_0, %dma_wait3A_463] : memref<2x10240x64xf32, #tpu.memory_space<hbm>> -> memref<1x640x64xf32, #tpu.memory_space<hbm>>
    %dma_wait3A_465 = tpu.memref_squeeze %dma_wait3A_464 : memref<1x640x64xf32, #tpu.memory_space<hbm>> -> memref<640x64xf32, #tpu.memory_space<hbm>>
    %dma_wait3A_466 = arith.constant 0 : i32
    %dma_wait3A_467 = tpu.memref_slice %arg11[%mul3A_0, %dma_wait3A_466] : memref<10240x64xf32, #tpu.memory_space<vmem_shared>> -> memref<640x64xf32, #tpu.memory_space<vmem_shared>>
    tpu.wait_dma2 semaphore(%arg15 : memref<!tpu.dma_semaphore, #tpu.memory_space<semaphore_mem>>) src(%dma_wait3A_467 : memref<640x64xf32, #tpu.memory_space<vmem_shared>>) dst(%dma_wait3A_465 : memref<640x64xf32, #tpu.memory_space<hbm>>)
    return
  }
}

module attributes {stable_mosaic.version = 14 : i64} {
  func.func @_tc0_body(%arg0: i32, %arg1: memref<400x128xf32, #tpu.memory_space<vmem>>, %arg2: memref<128x128xf32, #tpu.memory_space<vmem>>, %arg3: memref<1x128xf32, #tpu.memory_space<vmem>>, %arg4: memref<400x128xf32, #tpu.memory_space<vmem>>) attributes {dimension_semantics = [#tpu.dimension_semantics<arbitrary>], iteration_bounds = array<i64: 25>, scalar_prefetch = 0 : i64, scratch_operands = 0 : i64, tpu.core_type = #tpu.core_type<tc>, window_params = [{transform_indices = @transform_0, window_bounds = array<i64: 400, 128>}, {pipeline_mode = #tpu.pipeline_mode<synchronous>, transform_indices = @transform_1, window_bounds = array<i64: 128, 128>}, {pipeline_mode = #tpu.pipeline_mode<synchronous>, transform_indices = @transform_2, window_bounds = array<i64: 1, 128>}, {transform_indices = @transform_3, window_bounds = array<i64: 400, 128>}]} {
    %get3A = arith.constant 0 : index
    %get3A_0 = arith.constant 0 : index
    %get3A_1 = vector.load %arg1[%get3A, %get3A_0] : memref<400x128xf32, #tpu.memory_space<vmem>>, vector<400x128xf32>
    %get3A_2 = arith.constant 0 : index
    %get3A_3 = arith.constant 0 : index
    %get3A_4 = vector.load %arg2[%get3A_2, %get3A_3] : memref<128x128xf32, #tpu.memory_space<vmem>>, vector<128x128xf32>
    %dot_general3A = arith.constant dense<0.000000e+00> : vector<400x128xf32>
    %dot_general3A_5 = tpu.matmul %get3A_1, %get3A_4, %dot_general3A {dimension_numbers = #tpu.dot_dimension_numbers<[1], [0], [0], [1], [0, 0, 1, 1], [], []>, transpose_lhs_hint = false} : vector<400x128xf32>, vector<128x128xf32>, vector<400x128xf32> -> vector<400x128xf32>
    %get3A_6 = arith.constant 0 : index
    %get3A_7 = arith.constant 0 : index
    %get3A_8 = vector.load %arg3[%get3A_6, %get3A_7] : memref<1x128xf32, #tpu.memory_space<vmem>>, vector<1x128xf32>
    %add3A = vector.broadcast %get3A_8 : vector<1x128xf32> to vector<400x128xf32>
    %add3A_9 = arith.addf %dot_general3A_5, %add3A : vector<400x128xf32>
    %swap3A = arith.constant 0 : index
    %swap3A_10 = arith.constant 0 : index
    %swap3A_11 = vector.load %arg4[%swap3A, %swap3A_10] : memref<400x128xf32, #tpu.memory_space<vmem>>, vector<400x128xf32>
    tpu.vector_store %arg4[%swap3A, %swap3A_10], %add3A_9 {strides = array<i32>} : memref<400x128xf32, #tpu.memory_space<vmem>>, vector<400x128xf32>,
    return
  }
  func.func @transform_0(%arg0: i32) -> (i32, i32) {
    %c0_i32 = arith.constant 0 : i32
    %c0_i32_0 = arith.constant 0 : i32
    return %arg0, %c0_i32 : i32, i32
  }
  func.func @transform_1(%arg0: i32) -> (i32, i32) {
    %c0_i32 = arith.constant 0 : i32
    %c0_i32_0 = arith.constant 0 : i32
    %c0_i32_1 = arith.constant 0 : i32
    return %c0_i32, %c0_i32_0 : i32, i32
  }
  func.func @transform_2(%arg0: i32) -> (i32, i32) {
    %c0_i32 = arith.constant 0 : i32
    %c0_i32_0 = arith.constant 0 : i32
    %c0_i32_1 = arith.constant 0 : i32
    return %c0_i32, %c0_i32_0 : i32, i32
  }
  func.func @transform_3(%arg0: i32) -> (i32, i32) {
    %c0_i32 = arith.constant 0 : i32
    %c0_i32_0 = arith.constant 0 : i32
    return %arg0, %c0_i32 : i32, i32
  }
}

module attributes {stable_mosaic.version = 14 : i64} {
  func.func @_tc1_body(%arg0: i32, %arg1: memref<1x400x128xf32, #tpu.memory_space<vmem>>, %arg2: memref<1x400x128xf32, #tpu.memory_space<vmem>>, %arg3: memref<1x400x8xf32, #tpu.memory_space<vmem>>, %arg4: memref<1x400x8xf32, #tpu.memory_space<vmem>>, %arg5: memref<400x128xf32, #tpu.memory_space<vmem>>, %arg6: memref<128x128xf32, #tpu.memory_space<vmem>>, %arg7: memref<128x64xf32, #tpu.memory_space<vmem>>, %arg8: memref<400x128xf32, #tpu.memory_space<vmem>>, %arg9: memref<400x64xf32, #tpu.memory_space<vmem>>) attributes {dimension_semantics = [#tpu.dimension_semantics<arbitrary>], iteration_bounds = array<i64: 25>, scalar_prefetch = 0 : i64, scratch_operands = 0 : i64, tpu.core_type = #tpu.core_type<tc>, window_params = [{transform_indices = @transform_0, window_bounds = array<i64: 1, 400, 128>}, {transform_indices = @transform_1, window_bounds = array<i64: 1, 400, 128>}, {transform_indices = @transform_2, window_bounds = array<i64: 1, 400, 8>}, {transform_indices = @transform_3, window_bounds = array<i64: 1, 400, 8>}, {transform_indices = @transform_4, window_bounds = array<i64: 400, 128>}, {pipeline_mode = #tpu.pipeline_mode<synchronous>, transform_indices = @transform_5, window_bounds = array<i64: 128, 128>}, {pipeline_mode = #tpu.pipeline_mode<synchronous>, transform_indices = @transform_6, window_bounds = array<i64: 128, 64>}, {transform_indices = @transform_7, window_bounds = array<i64: 400, 128>}, {transform_indices = @transform_8, window_bounds = array<i64: 400, 64>}]} {
    %get3A = arith.constant 0 : index
    %get3A_0 = arith.constant 0 : index
    %get3A_1 = arith.constant 0 : index
    %get3A_2 = vector.load %arg3[%get3A, %get3A_0, %get3A_1] : memref<1x400x8xf32, #tpu.memory_space<vmem>>, vector<1x400x8xf32>
    %get3A_3 = vector.shape_cast %get3A_2 : vector<1x400x8xf32> to vector<400x8xf32>
    %slice3A = vector.extract_strided_slice %get3A_3 {offsets = [0, 0], sizes = [400, 1], strides = [1, 1]} : vector<400x8xf32> to vector<400x1xf32>
    %get3A_4 = arith.constant 0 : index
    %get3A_5 = arith.constant 0 : index
    %get3A_6 = arith.constant 0 : index
    %get3A_7 = vector.load %arg4[%get3A_4, %get3A_5, %get3A_6] : memref<1x400x8xf32, #tpu.memory_space<vmem>>, vector<1x400x8xf32>
    %get3A_8 = vector.shape_cast %get3A_7 : vector<1x400x8xf32> to vector<400x8xf32>
    %slice3A_9 = vector.extract_strided_slice %get3A_8 {offsets = [0, 0], sizes = [400, 1], strides = [1, 1]} : vector<400x8xf32> to vector<400x1xf32>
    %add3A = arith.addf %slice3A, %slice3A_9 : vector<400x1xf32>
    %get3A_10 = arith.constant 0 : index
    %get3A_11 = arith.constant 0 : index
    %get3A_12 = arith.constant 0 : index
    %get3A_13 = vector.load %arg1[%get3A_10, %get3A_11, %get3A_12] : memref<1x400x128xf32, #tpu.memory_space<vmem>>, vector<1x400x128xf32>
    %get3A_14 = vector.shape_cast %get3A_13 : vector<1x400x128xf32> to vector<400x128xf32>
    %get3A_15 = arith.constant 0 : index
    %get3A_16 = arith.constant 0 : index
    %get3A_17 = arith.constant 0 : index
    %get3A_18 = vector.load %arg2[%get3A_15, %get3A_16, %get3A_17] : memref<1x400x128xf32, #tpu.memory_space<vmem>>, vector<1x400x128xf32>
    %get3A_19 = vector.shape_cast %get3A_18 : vector<1x400x128xf32> to vector<400x128xf32>
    %add3A_20 = arith.addf %get3A_14, %get3A_19 : vector<400x128xf32>
    %max3A = arith.constant 1.000000e+00 : f32
    %max3A_21 = vector.broadcast %max3A : f32 to vector<400x1xf32>
    %max3A_22 = arith.maximumf %add3A, %max3A_21 : vector<400x1xf32>
    %div3A = vector.broadcast %max3A_22 : vector<400x1xf32> to vector<400x128xf32>
    %div3A_23 = arith.divf %add3A_20, %div3A : vector<400x128xf32>
    %get3A_24 = arith.constant 0 : index
    %get3A_25 = arith.constant 0 : index
    %get3A_26 = vector.load %arg6[%get3A_24, %get3A_25] : memref<128x128xf32, #tpu.memory_space<vmem>>, vector<128x128xf32>
    %dot_general3A = arith.constant dense<0.000000e+00> : vector<400x128xf32>
    %dot_general3A_27 = tpu.matmul %div3A_23, %get3A_26, %dot_general3A {dimension_numbers = #tpu.dot_dimension_numbers<[1], [0], [0], [1], [0, 0, 1, 1], [], []>, transpose_lhs_hint = false} : vector<400x128xf32>, vector<128x128xf32>, vector<400x128xf32> -> vector<400x128xf32>
    %get3A_28 = arith.constant 0 : index
    %get3A_29 = arith.constant 0 : index
    %get3A_30 = vector.load %arg5[%get3A_28, %get3A_29] : memref<400x128xf32, #tpu.memory_space<vmem>>, vector<400x128xf32>
    %add3A_31 = arith.addf %dot_general3A_27, %get3A_30 : vector<400x128xf32>
    %max3A_32 = arith.constant 0.000000e+00 : f32
    %max3A_33 = vector.broadcast %max3A_32 : f32 to vector<400x128xf32>
    %max3A_34 = arith.maximumf %add3A_31, %max3A_33 : vector<400x128xf32>
    %swap3A = arith.constant 0 : index
    %swap3A_35 = arith.constant 0 : index
    %swap3A_36 = vector.load %arg8[%swap3A, %swap3A_35] : memref<400x128xf32, #tpu.memory_space<vmem>>, vector<400x128xf32>
    tpu.vector_store %arg8[%swap3A, %swap3A_35], %add3A_31 {strides = array<i32>} : memref<400x128xf32, #tpu.memory_space<vmem>>, vector<400x128xf32>,
    %get3A_37 = arith.constant 0 : index
    %get3A_38 = arith.constant 0 : index
    %get3A_39 = vector.load %arg7[%get3A_37, %get3A_38] : memref<128x64xf32, #tpu.memory_space<vmem>>, vector<128x64xf32>
    %dot_general3A_40 = arith.constant dense<0.000000e+00> : vector<400x64xf32>
    %dot_general3A_41 = tpu.matmul %max3A_34, %get3A_39, %dot_general3A_40 {dimension_numbers = #tpu.dot_dimension_numbers<[1], [0], [0], [1], [0, 0, 1, 1], [], []>, transpose_lhs_hint = false} : vector<400x128xf32>, vector<128x64xf32>, vector<400x64xf32> -> vector<400x64xf32>
    %swap3A_42 = arith.constant 0 : index
    %swap3A_43 = arith.constant 0 : index
    %swap3A_44 = vector.load %arg9[%swap3A_42, %swap3A_43] : memref<400x64xf32, #tpu.memory_space<vmem>>, vector<400x64xf32>
    tpu.vector_store %arg9[%swap3A_42, %swap3A_43], %dot_general3A_41 {strides = array<i32>} : memref<400x64xf32, #tpu.memory_space<vmem>>, vector<400x64xf32>,
    return
  }
  func.func @transform_0(%arg0: i32) -> (i32, i32, i32) {
    %c0_i32 = arith.constant 0 : i32
    %c0_i32_0 = arith.constant 0 : i32
    %c0_i32_1 = arith.constant 0 : i32
    return %c0_i32, %arg0, %c0_i32_0 : i32, i32, i32
  }
  func.func @transform_1(%arg0: i32) -> (i32, i32, i32) {
    %c1_i32 = arith.constant 1 : i32
    %c0_i32 = arith.constant 0 : i32
    %c0_i32_0 = arith.constant 0 : i32
    return %c1_i32, %arg0, %c0_i32 : i32, i32, i32
  }
  func.func @transform_2(%arg0: i32) -> (i32, i32, i32) {
    %c0_i32 = arith.constant 0 : i32
    %c0_i32_0 = arith.constant 0 : i32
    %c0_i32_1 = arith.constant 0 : i32
    return %c0_i32, %arg0, %c0_i32_0 : i32, i32, i32
  }
  func.func @transform_3(%arg0: i32) -> (i32, i32, i32) {
    %c1_i32 = arith.constant 1 : i32
    %c0_i32 = arith.constant 0 : i32
    %c0_i32_0 = arith.constant 0 : i32
    return %c1_i32, %arg0, %c0_i32 : i32, i32, i32
  }
  func.func @transform_4(%arg0: i32) -> (i32, i32) {
    %c0_i32 = arith.constant 0 : i32
    %c0_i32_0 = arith.constant 0 : i32
    return %arg0, %c0_i32 : i32, i32
  }
  func.func @transform_5(%arg0: i32) -> (i32, i32) {
    %c0_i32 = arith.constant 0 : i32
    %c0_i32_0 = arith.constant 0 : i32
    %c0_i32_1 = arith.constant 0 : i32
    return %c0_i32, %c0_i32_0 : i32, i32
  }
  func.func @transform_6(%arg0: i32) -> (i32, i32) {
    %c0_i32 = arith.constant 0 : i32
    %c0_i32_0 = arith.constant 0 : i32
    %c0_i32_1 = arith.constant 0 : i32
    return %c0_i32, %c0_i32_0 : i32, i32
  }
  func.func @transform_7(%arg0: i32) -> (i32, i32) {
    %c0_i32 = arith.constant 0 : i32
    %c0_i32_0 = arith.constant 0 : i32
    return %arg0, %c0_i32 : i32, i32
  }
  func.func @transform_8(%arg0: i32) -> (i32, i32) {
    %c0_i32 = arith.constant 0 : i32
    %c0_i32_0 = arith.constant 0 : i32
    return %arg0, %c0_i32 : i32, i32
  }
}

module attributes {stable_mosaic.version = 14 : i64} {
  func.func @_tc1b_body(%arg0: i32, %arg1: memref<400x128xf32, #tpu.memory_space<vmem>>, %arg2: memref<128x64xf32, #tpu.memory_space<vmem>>, %arg3: memref<1x64xf32, #tpu.memory_space<vmem>>, %arg4: memref<400x64xf32, #tpu.memory_space<vmem>>) attributes {dimension_semantics = [#tpu.dimension_semantics<arbitrary>], iteration_bounds = array<i64: 25>, scalar_prefetch = 0 : i64, scratch_operands = 0 : i64, tpu.core_type = #tpu.core_type<tc>, window_params = [{transform_indices = @transform_0, window_bounds = array<i64: 400, 128>}, {pipeline_mode = #tpu.pipeline_mode<synchronous>, transform_indices = @transform_1, window_bounds = array<i64: 128, 64>}, {pipeline_mode = #tpu.pipeline_mode<synchronous>, transform_indices = @transform_2, window_bounds = array<i64: 1, 64>}, {transform_indices = @transform_3, window_bounds = array<i64: 400, 64>}]} {
    %get3A = arith.constant 0 : index
    %get3A_0 = arith.constant 0 : index
    %get3A_1 = vector.load %arg1[%get3A, %get3A_0] : memref<400x128xf32, #tpu.memory_space<vmem>>, vector<400x128xf32>
    %max3A = arith.constant 0.000000e+00 : f32
    %max3A_2 = vector.broadcast %max3A : f32 to vector<400x128xf32>
    %max3A_3 = arith.maximumf %get3A_1, %max3A_2 : vector<400x128xf32>
    %get3A_4 = arith.constant 0 : index
    %get3A_5 = arith.constant 0 : index
    %get3A_6 = vector.load %arg2[%get3A_4, %get3A_5] : memref<128x64xf32, #tpu.memory_space<vmem>>, vector<128x64xf32>
    %dot_general3A = arith.constant dense<0.000000e+00> : vector<400x64xf32>
    %dot_general3A_7 = tpu.matmul %max3A_3, %get3A_6, %dot_general3A {dimension_numbers = #tpu.dot_dimension_numbers<[1], [0], [0], [1], [0, 0, 1, 1], [], []>, transpose_lhs_hint = false} : vector<400x128xf32>, vector<128x64xf32>, vector<400x64xf32> -> vector<400x64xf32>
    %get3A_8 = arith.constant 0 : index
    %get3A_9 = arith.constant 0 : index
    %get3A_10 = vector.load %arg3[%get3A_8, %get3A_9] : memref<1x64xf32, #tpu.memory_space<vmem>>, vector<1x64xf32>
    %add3A = vector.broadcast %get3A_10 : vector<1x64xf32> to vector<400x64xf32>
    %add3A_11 = arith.addf %dot_general3A_7, %add3A : vector<400x64xf32>
    %swap3A = arith.constant 0 : index
    %swap3A_12 = arith.constant 0 : index
    %swap3A_13 = vector.load %arg4[%swap3A, %swap3A_12] : memref<400x64xf32, #tpu.memory_space<vmem>>, vector<400x64xf32>
    tpu.vector_store %arg4[%swap3A, %swap3A_12], %add3A_11 {strides = array<i32>} : memref<400x64xf32, #tpu.memory_space<vmem>>, vector<400x64xf32>,
    return
  }
  func.func @transform_0(%arg0: i32) -> (i32, i32) {
    %c0_i32 = arith.constant 0 : i32
    %c0_i32_0 = arith.constant 0 : i32
    return %arg0, %c0_i32 : i32, i32
  }
  func.func @transform_1(%arg0: i32) -> (i32, i32) {
    %c0_i32 = arith.constant 0 : i32
    %c0_i32_0 = arith.constant 0 : i32
    %c0_i32_1 = arith.constant 0 : i32
    return %c0_i32, %c0_i32_0 : i32, i32
  }
  func.func @transform_2(%arg0: i32) -> (i32, i32) {
    %c0_i32 = arith.constant 0 : i32
    %c0_i32_0 = arith.constant 0 : i32
    %c0_i32_1 = arith.constant 0 : i32
    return %c0_i32, %c0_i32_0 : i32, i32
  }
  func.func @transform_3(%arg0: i32) -> (i32, i32) {
    %c0_i32 = arith.constant 0 : i32
    %c0_i32_0 = arith.constant 0 : i32
    return %arg0, %c0_i32 : i32, i32
  }
}

module attributes {stable_mosaic.version = 14 : i64} {
  func.func @_tc2_body(%arg0: i32, %arg1: memref<1x400x64xf32, #tpu.memory_space<vmem>>, %arg2: memref<1x400x64xf32, #tpu.memory_space<vmem>>, %arg3: memref<1x400x8xf32, #tpu.memory_space<vmem>>, %arg4: memref<1x400x8xf32, #tpu.memory_space<vmem>>, %arg5: memref<400x64xf32, #tpu.memory_space<vmem>>, %arg6: memref<400x64xf32, #tpu.memory_space<vmem>>) attributes {dimension_semantics = [#tpu.dimension_semantics<arbitrary>], iteration_bounds = array<i64: 25>, scalar_prefetch = 0 : i64, scratch_operands = 0 : i64, tpu.core_type = #tpu.core_type<tc>, window_params = [{transform_indices = @transform_0, window_bounds = array<i64: 1, 400, 64>}, {transform_indices = @transform_1, window_bounds = array<i64: 1, 400, 64>}, {transform_indices = @transform_2, window_bounds = array<i64: 1, 400, 8>}, {transform_indices = @transform_3, window_bounds = array<i64: 1, 400, 8>}, {transform_indices = @transform_4, window_bounds = array<i64: 400, 64>}, {transform_indices = @transform_5, window_bounds = array<i64: 400, 64>}]} {
    %get3A = arith.constant 0 : index
    %get3A_0 = arith.constant 0 : index
    %get3A_1 = arith.constant 0 : index
    %get3A_2 = vector.load %arg3[%get3A, %get3A_0, %get3A_1] : memref<1x400x8xf32, #tpu.memory_space<vmem>>, vector<1x400x8xf32>
    %get3A_3 = vector.shape_cast %get3A_2 : vector<1x400x8xf32> to vector<400x8xf32>
    %slice3A = vector.extract_strided_slice %get3A_3 {offsets = [0, 0], sizes = [400, 1], strides = [1, 1]} : vector<400x8xf32> to vector<400x1xf32>
    %get3A_4 = arith.constant 0 : index
    %get3A_5 = arith.constant 0 : index
    %get3A_6 = arith.constant 0 : index
    %get3A_7 = vector.load %arg4[%get3A_4, %get3A_5, %get3A_6] : memref<1x400x8xf32, #tpu.memory_space<vmem>>, vector<1x400x8xf32>
    %get3A_8 = vector.shape_cast %get3A_7 : vector<1x400x8xf32> to vector<400x8xf32>
    %slice3A_9 = vector.extract_strided_slice %get3A_8 {offsets = [0, 0], sizes = [400, 1], strides = [1, 1]} : vector<400x8xf32> to vector<400x1xf32>
    %add3A = arith.addf %slice3A, %slice3A_9 : vector<400x1xf32>
    %get3A_10 = arith.constant 0 : index
    %get3A_11 = arith.constant 0 : index
    %get3A_12 = arith.constant 0 : index
    %get3A_13 = vector.load %arg1[%get3A_10, %get3A_11, %get3A_12] : memref<1x400x64xf32, #tpu.memory_space<vmem>>, vector<1x400x64xf32>
    %get3A_14 = vector.shape_cast %get3A_13 : vector<1x400x64xf32> to vector<400x64xf32>
    %get3A_15 = arith.constant 0 : index
    %get3A_16 = arith.constant 0 : index
    %get3A_17 = arith.constant 0 : index
    %get3A_18 = vector.load %arg2[%get3A_15, %get3A_16, %get3A_17] : memref<1x400x64xf32, #tpu.memory_space<vmem>>, vector<1x400x64xf32>
    %get3A_19 = vector.shape_cast %get3A_18 : vector<1x400x64xf32> to vector<400x64xf32>
    %add3A_20 = arith.addf %get3A_14, %get3A_19 : vector<400x64xf32>
    %max3A = arith.constant 1.000000e+00 : f32
    %max3A_21 = vector.broadcast %max3A : f32 to vector<400x1xf32>
    %max3A_22 = arith.maximumf %add3A, %max3A_21 : vector<400x1xf32>
    %div3A = vector.broadcast %max3A_22 : vector<400x1xf32> to vector<400x64xf32>
    %div3A_23 = arith.divf %add3A_20, %div3A : vector<400x64xf32>
    %get3A_24 = arith.constant 0 : index
    %get3A_25 = arith.constant 0 : index
    %get3A_26 = vector.load %arg5[%get3A_24, %get3A_25] : memref<400x64xf32, #tpu.memory_space<vmem>>, vector<400x64xf32>
    %add3A_27 = arith.addf %div3A_23, %get3A_26 : vector<400x64xf32>
    %swap3A = arith.constant 0 : index
    %swap3A_28 = arith.constant 0 : index
    %swap3A_29 = vector.load %arg6[%swap3A, %swap3A_28] : memref<400x64xf32, #tpu.memory_space<vmem>>, vector<400x64xf32>
    tpu.vector_store %arg6[%swap3A, %swap3A_28], %add3A_27 {strides = array<i32>} : memref<400x64xf32, #tpu.memory_space<vmem>>, vector<400x64xf32>,
    return
  }
  func.func @transform_0(%arg0: i32) -> (i32, i32, i32) {
    %c0_i32 = arith.constant 0 : i32
    %c0_i32_0 = arith.constant 0 : i32
    %c0_i32_1 = arith.constant 0 : i32
    return %c0_i32, %arg0, %c0_i32_0 : i32, i32, i32
  }
  func.func @transform_1(%arg0: i32) -> (i32, i32, i32) {
    %c1_i32 = arith.constant 1 : i32
    %c0_i32 = arith.constant 0 : i32
    %c0_i32_0 = arith.constant 0 : i32
    return %c1_i32, %arg0, %c0_i32 : i32, i32, i32
  }
  func.func @transform_2(%arg0: i32) -> (i32, i32, i32) {
    %c0_i32 = arith.constant 0 : i32
    %c0_i32_0 = arith.constant 0 : i32
    %c0_i32_1 = arith.constant 0 : i32
    return %c0_i32, %arg0, %c0_i32_0 : i32, i32, i32
  }
  func.func @transform_3(%arg0: i32) -> (i32, i32, i32) {
    %c1_i32 = arith.constant 1 : i32
    %c0_i32 = arith.constant 0 : i32
    %c0_i32_0 = arith.constant 0 : i32
    return %c1_i32, %arg0, %c0_i32 : i32, i32, i32
  }
  func.func @transform_4(%arg0: i32) -> (i32, i32) {
    %c0_i32 = arith.constant 0 : i32
    %c0_i32_0 = arith.constant 0 : i32
    return %arg0, %c0_i32 : i32, i32
  }
  func.func @transform_5(%arg0: i32) -> (i32, i32) {
    %c0_i32 = arith.constant 0 : i32
    %c0_i32_0 = arith.constant 0 : i32
    return %arg0, %c0_i32 : i32, i32
  }
}

</mosaic_0001>

<sc_bundles>
// kernel: sage_seg_128.3.cloned.1.call-start
scs
__scs_entry_jumppad:
0x0: {  	(pc) =	sbr.rel $0x88, $3  }
0x1: {  	(tag) =	ssettag $0x0;
	lr =	simm.s32 $0x1  }
0x2: {  	[smem:$0x3F99] =	sst lr;
	_ =	strace $0xD0000000  }
0x3: {  	_ = 	snop  }
0x4: {  	_ = 	snop  }
0x5: {  	_ = 	snop  }
0x6: {  	_ = 	snop  }
0x7: {  	_ = 	snop  }
__scs_overlays_trampoline_lowered:
0x8: {  	[smem:$0x3FA8] =	sst s0  }
0x9: {  	[smem:$0x3FA9] =	sst s1  }
0xa: {  	[smem:$0x3FAA] =	sst s2  }
0xb: {  	[smem:$0x3FAB] =	sst s3  }
0xc: {  	[smem:$0x3FAC] =	sst s4  }
0xd: {  	[smem:$0x3FAD] =	sst s5  }
0xe: {  	[smem:$0x3FAE] =	sst s6  }
0xf: {  	[smem:$0x3FAF] =	sst s7  }
0x10: {  	[smem:$0x3FB0] =	sst s8  }
0x11: {  	[smem:$0x3FB1] =	sst s9;
	s0 =	simm.s32 @!p0 $0x0  }
0x12: {  	s1 =	sld [smem:$0x3F97];
	s0 =	simm.s32 @p0 $0x1  }
0x13: {  	[smem:$0x3FB2] =	sst s0;
	s0 =	simm.s32 @!p1 $0x0  }
0x14: {  	s2 =	sld [smem:$0x3F96];
	s0 =	simm.s32 @p1 $0x1  }
0x15: {  	[smem:$0x3FB3] =	sst s0;
	s0 =	simm.s32 @!p2 $0x0  }
0x16: {  	s3 =	sld [smem:$0x3FDB];
	s0 =	simm.s32 @p2 $0x1  }
0x17: {  	s4 =	simm.s32 $0x1BF5;
	[smem:$0x3FB5] =	sst s0  }
0x18: {  	s0 =	sld [smem:$0x3F98];
	_ =	swait.ge [sflag:s4], $0x0  }
0x19: {  	s7 =	sld [smem:$0x3F99]  }
0x1a: {  	s8 =	sadd.s32 $0xFFFFE003, lr  }
0x1b: {  	s9 =	sadd.s32 $0xFFFFFEF7, lr;
	s5 =	simm.s32 $0xFFFFFFFF;
	p2 =	slt.u32 s8, $0xFFFFF086  }
0x1c: {  	p1 =	slt.u32 s9, $0xF7A;
	s5 =	simm.s32 @!p2 $0x0  }
0x1d: {  	s5 =	simm.s32 @p1 $0x1;
	p0 =	seq.s32 s7, s2  }
0x1e: {  	s7 =	smul.u32 @!p0 $0xF7A, s2;
	p2 =	seq.s32 @!p0 s5, $0x0  }
0x1f: {  	s9 =	smul.u32 $0xF7A, s1;
	s8 =	simm.s32 @!p0 $0x1BF5;
	p2 =	por !p2, p0  }
0x20: {  	[sflag:s8] =	ssyncset.s32 @!p0 $0xFFFFF086;
	s6 =	sadd.s32 @!p0 s3, s7;
	s7 =	simm.s32 @!p0 $0x108  }
0x21: {  	s3 =	sadd.s32 s3, s9;
	s6 =	sadd.s32 @!p0 $0x88, s6;
	s7 =	simm.s32 @p2 $0x1082  }
0x22: {  	[simem:s7], [sflag:s8] =	dma.local @!p0 [hbm:s6], $0xF7A  }
0x23: {  	s9 =	sor.u32 $0xD0000000, s2;
	s6 =	simm.s32 $0x108;
	_ =	swait.ge @!p0 [sflag:s8], $0x0  }
0x24: {  	s3 =	sadd.s32 $0x88, s3;
	s6 =	simm.s32 @!p1 $0x1082;
	[sflag:s4] =	ssyncset.s32 $0xFFFFF086  }
0x25: {  	[simem:s6], [sflag:s4] =	dma.local [hbm:s3], $0xF7A  }
0x26: {  	[smem:$0x3F99] =	sst s1;
	(tag) =	ssettag s2;
	_ =	strace s9  }
0x27: {  	s1 =	sld [smem:$0x3FA9]  }
0x28: {  	s2 =	sld [smem:$0x3FAA]  }
0x29: {  	s4 =	sld [smem:$0x3FAC]  }
0x2a: {  	p0 =	seq.s32 s5, $0x0;
	s5 =	sld [smem:$0x3FAD]  }
0x2b: {  	s6 =	sld [smem:$0x3FAE]  }
0x2c: {  	s7 =	sld [smem:$0x3FAF]  }
0x2d: {  	s3 =	simm.s32 $0x108;
	s8 =	sld [smem:$0x3FB0]  }
0x2e: {  	s3 =	simm.s32 @!p0 $0x1082;
	s9 =	sld [smem:$0x3FB1]  }
0x2f: {  	lr =	sadd.s32 s0, s3;
	s0 =	sld [smem:$0x3FA8]  }
0x30: {  	s3 =	sld [smem:$0x3FAB]  }
0x31: {  	[smem:$0x3FB4] =	sst s10  }
0x32: {  	s10 =	sld [smem:$0x3FB2];
	_ =	sdelay $0x3  }
0x33: {  	p0 =	seq.s32 s10, $0x1;
	s10 =	sld [smem:$0x3FB4];
	_ =	sdelay $0x3  }
0x34: {  	[smem:$0x3FB4] =	sst s10  }
0x35: {  	s10 =	sld [smem:$0x3FB3];
	_ =	sdelay $0x3  }
0x36: {  	p1 =	seq.s32 s10, $0x1;
	s10 =	sld [smem:$0x3FB4];
	_ =	sdelay $0x3  }
0x37: {  	[smem:$0x3FB4] =	sst s10  }
0x38: {  	s10 =	sld [smem:$0x3FB5]  }
0x39: {  	_ = 	snop;
	(pc) =	sbr.ind lr, $3  }
0x3a: {  	_ = 	snop  }
0x3b: {  	_ = 	snop  }
0x3c: {  	p2 =	seq.s32 s10, $0x1;
	s10 =	sld [smem:$0x3FB4]  }
0x3d: {  	_ =	shalt  }
0x3e: {  	_ =	shalt  }
0x3f: {  	_ =	shalt  }
0x40: {  	_ =	shalt  }
0x41: {  	_ =	shalt  }
0x42: {  	_ =	shalt  }
0x43: {  	_ =	shalt  }
0x44: {  	_ =	shalt  }
0x45: {  	_ =	shalt  }
0x46: {  	_ =	shalt  }
0x47: {  	_ =	shalt  }
0x48: {  	_ =	shalt  }
0x49: {  	_ =	shalt  }
0x4a: {  	_ =	shalt  }
0x4b: {  	_ =	shalt  }
0x4c: {  	_ =	shalt  }
0x4d: {  	_ =	shalt  }
0x4e: {  	_ =	shalt  }
0x4f: {  	_ =	shalt  }
0x50: {  	_ =	shalt  }
0x51: {  	_ =	shalt  }
0x52: {  	_ =	shalt  }
0x53: {  	_ =	shalt  }
0x54: {  	_ =	shalt  }
0x55: {  	_ =	shalt  }
0x56: {  	_ =	shalt  }
0x57: {  	_ =	shalt  }
0x58: {  	_ =	shalt  }
0x59: {  	_ =	shalt  }
0x5a: {  	_ =	shalt  }
0x5b: {  	_ =	shalt  }
0x5c: {  	_ =	shalt  }
0x5d: {  	_ =	shalt  }
0x5e: {  	_ =	shalt  }
0x5f: {  	_ =	shalt  }
0x60: {  	_ =	shalt  }
0x61: {  	_ =	shalt  }
0x62: {  	_ =	shalt  }
0x63: {  	_ =	shalt  }
0x64: {  	_ =	shalt  }
0x65: {  	_ =	shalt  }
0x66: {  	_ =	shalt  }
0x67: {  	_ =	shalt  }
0x68: {  	_ =	shalt  }
0x69: {  	_ =	shalt  }
0x6a: {  	_ =	shalt  }
0x6b: {  	_ =	shalt  }
0x6c: {  	_ =	shalt  }
0x6d: {  	_ =	shalt  }
0x6e: {  	_ =	shalt  }
0x6f: {  	_ =	shalt  }
0x70: {  	_ =	shalt  }
0x71: {  	_ =	shalt  }
0x72: {  	_ =	shalt  }
0x73: {  	_ =	shalt  }
0x74: {  	_ =	shalt  }
0x75: {  	_ =	shalt  }
0x76: {  	_ =	shalt  }
0x77: {  	_ =	shalt  }
0x78: {  	_ =	shalt  }
0x79: {  	_ =	shalt  }
0x7a: {  	_ =	shalt  }
0x7b: {  	_ =	shalt  }
0x7c: {  	_ =	shalt  }
0x7d: {  	_ =	shalt  }
0x7e: {  	_ =	shalt  }
0x7f: {  	_ =	shalt  }
0x80: {  	_ =	shalt  }
0x81: {  	_ =	shalt  }
0x82: {  	_ =	shalt  }
0x83: {  	_ =	shalt  }
0x84: {  	_ =	shalt  }
0x85: {  	_ =	shalt  }
0x86: {  	_ =	shalt  }
0x87: {  	_ =	shalt  }
.Lfunc_end0:
.L_simem_size_0:
called_computation_lowered:
.L_overlay_start_0:
0x88: {  	s2 =	sld [smem:$0x3FD9]  }
0x89: {  	s3 =	sld [smem:$0x3FFE];
	_ =	sdelay $0x1  }
0x8a: {  	s1 =	srdreg.scid  }
0x8b: {  	s0 =	sand.u32 $0x1, s1  }
0x8c: {  	s14 =	sshll.u32 s0, $0xA;
	s2 =	sadd.s32 s3, s2  }
0x8d: {  	s2 =	sadd.s32 s2, s14  }
0x8e: {  	[smem:$0x3FC0] =	sst s2  }
0x8f: {  	_ = 	snop  }
0x90: {  	s2 =	sld [smem:$0x3FD0];
	_ =	sdelay $0x2  }
0x91: {  	s4 =	simm.s32 $0xA;
	s5 =	simm.s32 $0x10;
	s15 =	sld [smem:$0x3FC9]  }
0x92: {  	[smem:s5], [sflag:s4] =	dma.local [hbm:s2], $0x1  }
0x93: {  	_ =	swait.eq [sflag:s4], $0x1  }
0x94: {  	[sflag:s4] =	ssyncset.done $0x0  }
0x95: {  	s16 =	sld [smem:$0x10];
	[sflag:s4] =	ssyncadd.s32 $0xFFFFFFFF  }
0x96: {  	s17 =	sld [smem:$0x11];
	(tm) =	ssettm $0x1  }
0x97: {  	s18 =	sld [smem:$0x3FFB];
	_ =	sdelay $0x3  }
0x98: {  	_ =	strace s18  }
0x99: {  	s5 =	sld [smem:$0x3FFC];
	_ =	sdelay $0x3  }
0x9a: {  	_ =	strace s5  }
0x9b: {  	s5 =	sld [smem:$0x3FFD];
	_ =	sdelay $0x3  }
0x9c: {  	_ =	strace s5  }
0x9d: {  	_ =	strace $0x8FFFFFFF  }
0x9e: {  	s19 =	sld [smem:$0x3FDB];
	_ =	sdelay $0x1  }
0x9f: {  	s6 =	simm.s32 $_scs_section_size  }
0xa0: {  	s7 =	simm.s32 $_size__tile_overlayer_lowered;
	s8 =	simm.s32 $_tile_overlayer_lowered  }
0xa1: {  	s22 =	simm.s32 $0x1BFF;
	s21 =	sshll.u32 s8, $0x1;
	s5 =	sadd.s32 s6, s19  }
0xa2: {  	s9 =	simm.s32 $0x0;
	s20 =	sshll.u32 s7, $0x1;
	s7 =	sadd.s32 s21, s5  }
0xa3: {  	[timem:s9], [sflag:s22] =	dma.local [hbm:s7], s20  }
0xa4: {  	_ =	swait.ge [sflag:s22], s20  }
0xa5: {  	s6 =	ssub.s32 $0x0, s20;
	[sflag:s22] =	ssyncset.done $0x0  }
0xa6: {  	[sflag:s22] =	ssyncadd.s32 s6;
	_ =	sdelay $0x1  }
0xa7: {  	s23 =	simm.s32 $0x1B8B  }
0xa8: {  	_ =	swait.ge [sflag:s23], $0x1  }
0xa9: {  	[sflag:s23] =	ssyncset.done $0x0  }
0xaa: {  	s25 =	simm.s32 $0x1B8E;
	s24 =	sld [smem:$0x3FFE];
	[sflag:s23] =	ssyncadd.s32 $0xFFFFFFFF  }
0xab: {  	s26 =	simm.s32 $execute0_lowered;
	[smem:$0x3FD2] =	sst s25  }
0xac: {  	s7 =	sshll.u32 s26, $0x1;
	_ =	strace $0x80000046;
	[dreg:$0x1] =	wrdreg $0xFFFFFFFF  }
0xad: {  	s28 =	simm.s32 $_size_execute0_lowered;
	s5 =	sadd.s32 s5, s7;
	[dreg:$0x0] =	wrdreg $0x0  }
0xae: {  	s7 =	sshll.u32 s28, $0x1;
	[dreg:$0x2] =	wrdreg s5  }
0xaf: {  	[dreg:$0x3] =	wrdreg s7  }
0xb0: {  	[dreg:$0x4] =	wrdreg $0xC0  }
0xb1: {  	_ =	task [dreg:s9], $0x5FFFF  }
0xb2: {  	[dreg:$0x1] =	wrdreg $0xFFFFFFFF  }
0xb3: {  	[dreg:$0x0] =	wrdreg $0x60  }
0xb4: {  	[dreg:$0x2] =	wrdreg s15  }
0xb5: {  	[dreg:$0x3] =	wrdreg s16  }
0xb6: {  	[dreg:$0x4] =	wrdreg s24  }
0xb7: {  	[dreg:$0x5] =	wrdreg s17  }
0xb8: {  	[dreg:$0x6] =	wrdreg $0xA6400  }
0xb9: {  	[dreg:$0x7] =	wrdreg $0x1E6400  }
0xba: {  	[dreg:$0x8] =	wrdreg $0x9  }
0xbb: {  	_ =	task.clear_ibuf [dreg:s9], $0x9FFFF;
	_ =	strace $0x90000046  }
0xbc: {  	s29 =	simm.s32 $0x9;
	_ =	strace $0x80000048  }
0xbd: {  	_ =	swait.ge [sflag:s29], $0x1  }
0xbe: {  	[sflag:s29] =	ssyncadd.s32 $0xFFFFFFFF  }
0xbf: {  	_ =	strace $0x90000048  }
0xc0: {  	_ =	sfence  }
0xc1: {  	s30 =	sld [smem:$0x0];
	_ =	sdelay $0x2  }
0xc2: {  	s31 =	sshll.u32 s1, $0xD;
	s1 =	sshrl.u32 s1, $0x2  }
0xc3: {  	s3 =	sand.u32 $0x4000, s31;
	s1 =	sadd.s32 s1, s30  }
0xc4: {  	s0 =	sor.u32 s3, s0;
	s1 =	sshll.u32 s1, $0x11  }
0xc5: {  	s0 =	sor.u32 s1, s0  }
0xc6: {  	s0 =	sadd.s32 $0x8F2B, s0  }
0xc7: {  	[sflag:s0] =	ssyncadd.remote.s32 $0x1  }
0xc8: {  	_ =	sfence.sel $0xFFFF  }
0xc9: {  	[dreg:$0x0] =	wrdreg $0xFFFFFFFF;
	(pc) =	sbr.abs _section_cstart, $3  }
0xca: {  	[dreg:$0x1] =	wrdreg $0xFFFFFFFF  }
0xcb: {  	_ =	task.clear_ibuf [dreg:s9], $0x2FFFF;
	_ =	strace $0x9FFFFFFF  }
0xcc: {  	(tm) =	ssettm $0x7FFFFFFF  }
0xcd: {  	_ =	shalt  }
tec
execute0_lowered:
.L_overlay_start_1:
0x0: {  	(tag) =	ssettag $0x1  }
0x1: {  	s0 =	rddreg [dreg:$0x0]  }
0x2: {  	s1 =	rddreg [dreg:$0x1]  }
0x3: {  	s2 =	rddreg [dreg:$0x2]  }
0x4: {  	s6 =	rddreg [dreg:$0x3];
	s4 =	srdreg.scid  }
0x5: {  	s13 =	stileid.u32;
	s3 =	rddreg [dreg:$0x4];
	s5 =	simm.s32 $0x0  }
0x6: {  	s7 =	sand.u32 $0x1, s4;
	s8 =	smul.u32 $0x14000, s13;
	s4 =	rddreg [dreg:$0x5]  }
0x7: {  	s29 =	simm.s32 $0x50;
	[smem:$0x7FF] =	sst s5;
	s11 =	smul.u32 $0x4E20, s13  }
0x8: {  	s12 =	sadd.s32 $0x2A00, s2;
	s18 =	sadd.s32 $0x2400, s2;
	s19 =	sadd.s32 $0x2800, s2  }
0x9: {  	s24 =	smul.u32 $0x1400, s13;
	_ =	strace $0x80000047;
	[dreg:$0x7] =	wrdreg s12  }
0xa: {  	s26 =	sshll.u32 s13, $0x6;
	s9 =	smul.u32 $0x140000, s7;
	[dreg:$0x8] =	wrdreg s18  }
0xb: {  	s10 =	smul.u32 $0x4E200, s7;
	[dreg:$0x9] =	wrdreg s19;
	s20 =	ssub.s32 $0x2, s7  }
0xc: {  	s7 =	smul.u32 $0x14000, s7;
	s16 =	sor.u32 $0x1C13, s26;
	s26 =	simm.s32 $0xA3C0  }
0xd: {  	s22 =	sshrl.u32 s20, $0x1;
	s30 =	sadd.s32 s24, s4;
	s9 =	sadd.s32 s8, s9  }
0xe: {  	s10 =	sadd.s32 s11, s10;
	s7 =	sadd.s32 s24, s7;
	s8 =	sadd.s32 s8, s3  }
0xf: {  	[dreg:$0x10] =	wrdreg s30;
	s24 =	simm.s32 $0x13;
	s11 =	simm.s32 $0x0  }
0x10: {  	s9 =	sshrl.u32 s9, $0x3;
	s21 =	sshrl.u32 s10, $0x3;
	s10 =	sadd.s32 $0x320, s10  }
0x11: {  	[dreg:$0xf] =	wrdreg s8;
	s28 =	sshrl.u32 s7, $0x3;
	s12 =	sadd.s32 s1, s21  }
0x12: {  	s7 =	simm.s32 $0x12;
	s23 =	sadd.s32 $0x14, s12;
	[dreg:$0xa] =	wrdreg s12  }
0x13: {  	s8 =	simm.s32 $0xB;
	s14 =	sadd.s32 $0x28, s12;
	[dreg:$0xb] =	wrdreg s23  }
0x14: {  	s2 =	sadd.s32 s9, s2;
	s25 =	sadd.s32 $0x3C, s12;
	[dreg:$0xc] =	wrdreg s14  }
0x15: {  	s9 =	ssub.s32 s20, s22;
	s12 =	sadd.s32 $0x50, s12;
	[dreg:$0xd] =	wrdreg s25  }
0x16: {  	s10 =	sshrl.u32 s10, $0x3;
	s2 =	sadd.s32 $0x5200, s2;
	[dreg:$0xe] =	wrdreg s12  }
0x17: {  	s22 =	sadd.s32 s1, s10;
	s1 =	sadd.s32 s6, s28;
	[dreg:$0x11] =	wrdreg s2  }
0x18: {  	s31 =	smax.u32 s9, $0x1;
	s6 =	simm.s32 $0xE;
	[dreg:$0x12] =	wrdreg s1  }
0x19: {  	s10 =	simm.s32 $0xF;
	[dreg:$0x13] =	wrdreg s31;
	s23 =	simm.s32 $0x11  }
.LBB2_1:
0x1a: {  	s1 =	rddreg [dreg:$0xa]  }
0x1b: {  	s18 =	rddreg [dreg:$0xb]  }
0x1c: {  	[tilespmem:s5], [sflag:$0x1] =	stream.linear.gather [hbm4b:s1+s5], $0xA0, $0x38;
	[tilespmem:$0x1FA40] =	vst v63  }
0x1d: {  	s2 =	simm.s32 $0xA0;
	s19 =	rddreg [dreg:$0xc]  }
0x1e: {  	[tilespmem:s2], [sflag:$0x2] =	stream.linear.gather [hbm4b:s18+s5], $0xA0, $0x38;
	[tilespmem:$0x1FA40] =	vst v63  }
0x1f: {  	s9 =	simm.s32 $0x140;
	s20 =	rddreg [dreg:$0xd]  }
0x20: {  	[tilespmem:s9], [sflag:$0x3] =	stream.linear.gather [hbm4b:s19+s5], $0xA0, $0x38;
	[tilespmem:$0x1FA40] =	vst v63  }
0x21: {  	s12 =	simm.s32 $0x1E0;
	s21 =	rddreg [dreg:$0xe]  }
0x22: {  	[tilespmem:s12], [sflag:$0x4] =	stream.linear.gather [hbm4b:s20+s5], $0xA0, $0x38;
	[tilespmem:$0x1FA40] =	vst v63  }
0x23: {  	s25 =	simm.s32 $0x280;
	s12 =	rddreg [dreg:$0xf]  }
0x24: {  	[tilespmem:s25], [sflag:$0x5] =	stream.linear.gather [hbm4b:s21+s5], $0xA0, $0x38;
	[tilespmem:$0x1FA40] =	vst v63  }
0x25: {  	s30 =	simm.s32 $0x320;
	s13 =	rddreg [dreg:$0x7];
	s12 =	sshrl.u32 s12, $0x3  }
0x26: {  	[tilespmem:s30], [sflag:$0x6] =	stream.linear.gather [hbm4b:s22+s5], $0xA0, $0x38;
	[tilespmem:$0x1FA40] =	vst v63  }
0x27: {  	[spmem:s12], [sflag:s16] =	dma.local [hbm:s13], $0x2800  }
0x28: {  	s1 =	rddreg [dreg:$0x10]  }
0x29: {  	s14 =	rddreg [dreg:$0x8];
	s13 =	sshrl.u32 s1, $0x3  }
0x2a: {  	[spmem:s13], [sflag:s16] =	dma.local [hbm:s14], $0x280  }
0x2b: {  	s15 =	simm.s32 $0x1;
	s1 =	rddreg [dreg:$0x9]  }
0x2c: {  	[tilespmem:s26], [sflag:$0x13] =	stream.linear.gather [hbm4b:s1+s5], $0x280, $0x38;
	[tilespmem:$0x1FA40] =	vst v63  }
0x2d: {  	_ =	swait.ge [sflag:s15], $0xA0  }
0x2e: {  	[sflag:s15] =	ssyncset.done $0x0  }
0x2f: {  	s17 =	simm.s32 $0x3C0;
	s18 =	simm.s32 $0x2;
	[sflag:s15] =	ssyncadd.s32 $0xFFFFFF60  }
0x30: {  	[tilespmem:s17], [sflag:$0x7] =	stream.indirect.gather [hbm4b:s0+s29], $0x80, s5, s29, $0xb8;
	[tilespmem:$0x1FA40] =	vst v63  }
0x31: {  	_ =	swait.ge [sflag:s18], $0xA0  }
0x32: {  	[sflag:s18] =	ssyncset.done $0x0  }
0x33: {  	s19 =	simm.s32 $0x2BC0;
	s20 =	simm.s32 $0x3;
	[sflag:s18] =	ssyncadd.s32 $0xFFFFFF60  }
0x34: {  	[tilespmem:s19], [sflag:$0x8] =	stream.indirect.gather [hbm4b:s0+s29], $0x80, s2, s29, $0xb8;
	[tilespmem:$0x1FA40] =	vst v63  }
0x35: {  	p0 =	por $0x0, $0x0;
	_ =	swait.ge [sflag:s20], $0xA0  }
0x36: {  	p2 =	por @!p0 $0x1, $0x1;
	[sflag:s20] =	ssyncset.done $0x0  }
0x37: {  	s21 =	simm.s32 $0x53C0;
	s25 =	smul.u32 $0xAB, s5;
	[sflag:s20] =	ssyncadd.s32 $0xFFFFFF60  }
0x38: {  	[tilespmem:s21], [sflag:$0x9] =	stream.indirect.gather [hbm4b:s0+s29], $0x80, s9, s29, $0xb8;
	[tilespmem:$0x1FA40] =	vst v63  }
0x39: {  	p1 =	por p2, p0;
	_ =	swait.ge [sflag:s24], $0x2800  }
0x3a: {  	p3 =	por @!p1 $0x0, $0x0;
	s1 =	sshrl.u32 s25, $0xA;
	[sflag:s24] =	ssyncset.done $0x0  }
0x3b: {  	p2 =	por @!p0 p3, p2;
	s1 =	sand.u32 $0x3F, s1;
	[sflag:s24] =	ssyncadd.s32 $0xFFFFD800  }
0x3c: {  	p3 =	por p2, p0;
	s1 =	smul.u32 $0x6, s1;
	_ =	swait.ge [sflag:s24], $0x280  }
0x3d: {  	s30 =	sand.u32 $0x3, s5;
	s14 =	simm.s32 $0x3;
	[sflag:s24] =	ssyncset.done $0x0  }
0x3e: {  	s25 =	sand.u32 @!p0 $0x3, s14;
	s1 =	ssub.s32 $0x0, s1;
	[sflag:s24] =	ssyncadd.s32 $0xFFFFFD80  }
0x3f: {  	s14 =	smul.u32 @!p0 $0xAB, s14;
	s1 =	sand.u32 $0xFF, s1;
	_ =	swait.ge [sflag:s24], $0x280  }
0x40: {  	s31 =	sadd.s32 @!p1 $0xB, s25;
	s1 =	smul.u32 $0x280, s1;
	[sflag:s24] =	ssyncset.done $0x0  }
0x41: {  	s14 =	sshrl.u32 @!p0 s14, $0xA;
	s18 =	smul.u32 $0xA000, s30;
	[sflag:s24] =	ssyncadd.s32 $0xFFFFFD80  }
0x42: {  	s17 =	sadd.s32 $0x7, s30;
	s1 =	sshrl.u32 s1, $0x2;
	[bflag:$0x0] =	sbarrier.arrive $0xFFFF  }
0x43: {  	s19 =	simm.s32 @!p0 $0x5;
	s18 =	sshrl.u32 s18, $0x2;
	_ =	swait.ge [sflag:s17], $0x2800  }
0x44: {  	s1 =	sadd.s32 $0x50, s1;
	s18 =	sor.u32 $0x3C0, s18;
	[sflag:s17] =	ssyncset.done $0x0  }
0x45: {  	s9 =	sadd.s32 $0xB, s30;
	[sflag:s17] =	ssyncadd.s32 $0xFFFFD800;
	s17 =	smul.u32 @!p0 $0xAB, s19  }
0x46: {  	[spmem:s3] =	stream.indirect.scatter.add.f32 [tilespmem:s18], [sflag:s9], $0x80, s1, s29, $0xb8;
	[tilespmem:$0x1FA40] =	vst v63  }
0x47: {  	s15 =	simm.s32 $0x1;
	s14 =	sand.u32 @!p0 $0x3F, s14;
	s9 =	sshrl.u32 @!p0 s17, $0xA  }
0x48: {  	s14 =	smul.u32 @!p0 $0x6, s14;
	s20 =	sadd.s32 $0xF, s30;
	s9 =	sand.u32 @!p0 $0x3F, s9  }
0x49: {  	[spmem:s4] =	stream.indirect.scatter.add.f32 [tilespmem:s26], [sflag:s20], $0x8, s1, s29, $0xb8;
	[tilespmem:$0x1FA40] =	vst v63  }
0x4a: {  	s21 =	simm.s32 @!p0 $0x50;
	s9 =	smul.u32 @!p0 $0x6, s9;
	_ =	swait.ge @!p1 [sflag:s31], $0x2800  }
0x4b: {  	s19 =	sadd.s32 @!p1 $0xF, s25;
	s18 =	sadd.s32 @!p0 $0x7, s25;
	[sflag:s31] =	ssyncset.done @!p1 $0x0  }
0x4c: {  	s17 =	sadd.s32 $0x14, s22;
	s9 =	ssub.s32 @!p0 $0x5, s9;
	[sflag:s31] =	ssyncadd.s32 @!p1 $0xFFFFD800  }
0x4d: {  	s20 =	simm.s32 @!p3 $0x0;
	s1 =	sand.u32 @!p0 $0xFF, s9;
	_ =	swait.ge @!p1 [sflag:s19], $0x280  }
0x4e: {  	s28 =	smul.u32 @!p3 $0x280, s1;
	s9 =	sadd.s32 @!p3 $0x1, s1;
	s1 =	ssub.s32 @!p0 $0x3, s14  }
0x4f: {  	s14 =	smov.u32 s22;
	s31 =	sand.u32 @!p0 $0xFF, s1;
	s1 =	smul.u32 @!p0 $0xA000, s25  }
.LBB2_2:
0x50: {  	[sflag:s19] =	ssyncset.done @!p1 $0x0  }
0x51: {  	s25 =	sshrl.u32 @!p3 s28, $0x2;
	s28 =	smov.u32 s15;
	s15 =	sadd.s32 $0x1, s15  }
0x52: {  	s30 =	sadd.s32 @!p0 $0x1, s31;
	s31 =	smul.u32 @!p0 $0x280, s31;
	s1 =	sshrl.u32 @!p0 s1, $0x2  }
0x53: {  	s2 =	smul.u32 $0xAB, s28;
	[sflag:s19] =	ssyncadd.s32 @!p1 $0xFFFFFD80;
	s1 =	sor.u32 @!p0 $0x3C0, s1  }
0x54: {  	[tilespmem:s25], [sflag:s9] =	stream.linear.gather @!p3 [hbm4b:s14+s20], $0xA0, $0x38;
	[tilespmem:$0x1FA40] =	vst v63  }
0x55: {  	s2 =	sshrl.u32 s2, $0xA;
	s9 =	sshrl.u32 @!p0 s31, $0x2;
	_ =	swait.ge @!p0 [sflag:s30], $0xA0  }
0x56: {  	p2 =	sne.s32 s15, $0x7D;
	s14 =	smov.u32 s17;
	[sflag:s30] =	ssyncset.done @!p0 $0x0  }
0x57: {  	s2 =	sand.u32 $0x3F, s2;
	[sflag:s30] =	ssyncadd.s32 @!p0 $0xFFFFFF60  }
0x58: {  	s2 =	smul.u32 $0x6, s2  }
0x59: {  	[tilespmem:s1], [sflag:s18] =	stream.indirect.gather @!p0 [hbm4b:s0+s21], $0x80, s9, s21, $0xb8;
	[tilespmem:$0x1FA40] =	vst v63  }
0x5a: {  	s1 =	ssub.s32 s28, s2  }
0x5b: {  	s25 =	sadd.s32 $0x3, s28;
	s2 =	sand.u32 $0x3, s28;
	s1 =	sand.u32 $0xFF, s1  }
0x5c: {  	p0 =	sgt.u32 s28, $0x79;
	s9 =	sadd.s32 $0x7, s2;
	s1 =	smul.u32 $0x280, s1  }
0x5d: {  	s18 =	smul.u32 $0xA000, s2;
	s21 =	simm.s32 @!p0 $0x50;
	_ =	swait.ge [sflag:s9], $0x2800  }
0x5e: {  	s20 =	sadd.s32 @!p0 $0x5, s28;
	s1 =	sshrl.u32 s1, $0x2;
	[sflag:s9] =	ssyncset.done $0x0  }
0x5f: {  	p3 =	seq.s32 @!p0 s28, $0x0;
	s18 =	sshrl.u32 s18, $0x2;
	s1 =	sadd.s32 $0x50, s1  }
0x60: {  	s18 =	sor.u32 $0x3C0, s18;
	[sflag:s9] =	ssyncadd.s32 $0xFFFFD800;
	s9 =	sadd.s32 $0xF, s2  }
0x61: {  	s19 =	smul.u32 @!p0 $0xAB, s20;
	p1 =	por p3, p0;
	s2 =	sadd.s32 $0xB, s2  }
0x62: {  	[spmem:s3] =	stream.indirect.scatter.add.f32 [tilespmem:s18], [sflag:s2], $0x80, s1, s29, $0xb8;
	[tilespmem:$0x1FA40] =	vst v63  }
0x63: {  	p4 =	sgt.u32 @!p1 s28, $0x77;
	s2 =	sand.u32 @!p0 $0x3, s25;
	s18 =	sshrl.u32 @!p0 s19, $0xA  }
0x64: {  	s28 =	smul.u32 @!p0 $0xAB, s25;
	s18 =	sand.u32 @!p0 $0x3F, s18;
	s30 =	sadd.s32 @!p1 $0xB, s2  }
0x65: {  	p3 =	por @!p0 p4, p3;
	s31 =	smul.u32 @!p0 $0x6, s18;
	s18 =	sadd.s32 @!p0 $0x7, s2  }
0x66: {  	s17 =	sadd.s32 $0x14, s17;
	s28 =	sshrl.u32 @!p0 s28, $0xA;
	s19 =	sadd.s32 @!p1 $0xF, s2  }
0x67: {  	p3 =	por p3, p0;
	s28 =	sand.u32 @!p0 $0x3F, s28;
	s20 =	ssub.s32 @!p0 s20, s31  }
0x68: {  	[spmem:s4] =	stream.indirect.scatter.add.f32 [tilespmem:s26], [sflag:s9], $0x8, s1, s29, $0xb8;
	[tilespmem:$0x1FA40] =	vst v63  }
.Ltmp0:
0x69: {  	_ = 	snop;
	(pc) =	sbr.rel @p2 .LBB2_2-.Ltmp0, $4  }
0x6a: {  	s31 =	smul.u32 @!p0 $0x6, s28;
	s1 =	sand.u32 @!p0 $0xFF, s20;
	_ =	swait.ge @!p1 [sflag:s30], $0x2800  }
0x6b: {  	s20 =	simm.s32 @!p3 $0x0;
	s28 =	smul.u32 @!p3 $0x280, s1;
	[sflag:s30] =	ssyncset.done @!p1 $0x0  }
0x6c: {  	s9 =	sadd.s32 @!p3 $0x1, s1;
	s1 =	ssub.s32 @!p0 s25, s31;
	[sflag:s30] =	ssyncadd.s32 @!p1 $0xFFFFD800  }
0x6d: {  	s31 =	sand.u32 @!p0 $0xFF, s1;
	s1 =	smul.u32 @!p0 $0xA000, s2;
	_ =	swait.ge @!p1 [sflag:s19], $0x280  }
0x6e: {  	[sflag:s19] =	ssyncset.done @!p1 $0x0  }
0x6f: {  	s2 =	sshrl.u32 @!p3 s28, $0x2;
	[sflag:s19] =	ssyncadd.s32 @!p1 $0xFFFFFD80  }
0x70: {  	[tilespmem:s2], [sflag:s9] =	stream.linear.gather @!p3 [hbm4b:s14+s20], $0xA0, $0x38;
	[tilespmem:$0x1FA40] =	vst v63  }
0x71: {  	s2 =	sadd.s32 @!p0 $0x1, s31  }
0x72: {  	s9 =	smul.u32 @!p0 $0x280, s31;
	_ =	swait.ge @!p0 [sflag:s2], $0xA0  }
0x73: {  	s1 =	sshrl.u32 @!p0 s1, $0x2;
	[sflag:s2] =	ssyncset.done @!p0 $0x0  }
0x74: {  	s1 =	sor.u32 @!p0 $0x3C0, s1;
	[sflag:s2] =	ssyncadd.s32 @!p0 $0xFFFFFF60;
	s2 =	sshrl.u32 @!p0 s9, $0x2  }
0x75: {  	[tilespmem:s1], [sflag:s18] =	stream.indirect.gather @!p0 [hbm4b:s0+s21], $0x80, s2, s21, $0xb8;
	[tilespmem:$0x1FA40] =	vst v63  }
0x76: {  	s21 =	simm.s32 $0xC  }
0x77: {  	_ =	swait.ge [sflag:s21], $0x2800  }
0x78: {  	[sflag:s21] =	ssyncset.done $0x0  }
0x79: {  	s25 =	simm.s32 $0x10;
	[sflag:s21] =	ssyncadd.s32 $0xFFFFD800  }
0x7a: {  	_ =	swait.ge [sflag:s25], $0x280  }
0x7b: {  	[sflag:s25] =	ssyncset.done $0x0  }
0x7c: {  	s28 =	simm.s32 $0xD;
	[sflag:s25] =	ssyncadd.s32 $0xFFFFFD80  }
0x7d: {  	_ =	swait.ge [sflag:s28], $0x2800  }
0x7e: {  	[sflag:s28] =	ssyncset.done $0x0  }
0x7f: {  	[sflag:s28] =	ssyncadd.s32 $0xFFFFD800  }
0x80: {  	_ =	swait.ge [sflag:s23], $0x280  }
0x81: {  	[sflag:s23] =	ssyncset.done $0x0  }
0x82: {  	[sflag:s23] =	ssyncadd.s32 $0xFFFFFD80  }
0x83: {  	_ =	swait.ge [sflag:s6], $0x2800  }
0x84: {  	[sflag:s6] =	ssyncset.done $0x0  }
0x85: {  	[sflag:s6] =	ssyncadd.s32 $0xFFFFD800  }
0x86: {  	_ =	swait.ge [sflag:s7], $0x280  }
0x87: {  	[sflag:s7] =	ssyncset.done $0x0  }
0x88: {  	[sflag:s7] =	ssyncadd.s32 $0xFFFFFD80  }
0x89: {  	_ =	swait.ge [sflag:s8], $0x2800  }
0x8a: {  	[sflag:s8] =	ssyncset.done $0x0  }
0x8b: {  	[sflag:s8] =	ssyncadd.s32 $0xFFFFD800  }
0x8c: {  	_ =	swait.ge [sflag:s10], $0x280  }
0x8d: {  	[sflag:s10] =	ssyncset.done $0x0  }
0x8e: {  	[sflag:s10] =	ssyncadd.s32 $0xFFFFFD80  }
0x8f: {  	[bflag:$0x0] =	sbarrier.arrive $0xFFFF  }
0x90: {  	s30 =	rddreg [dreg:$0x11]  }
0x91: {  	[hbm:s30], [sflag:s16] =	dma.local [spmem:s12], $0x2800  }
0x92: {  	s1 =	rddreg [dreg:$0x12]  }
0x93: {  	[hbm:s1], [sflag:s16] =	dma.local [spmem:s13], $0x280  }
0x94: {  	_ =	swait.ge [sflag:s24], $0x280  }
0x95: {  	[sflag:s24] =	ssyncset.done $0x0  }
0x96: {  	[sflag:s24] =	ssyncadd.s32 $0xFFFFFD80  }
0x97: {  	_ =	swait.ge [sflag:s24], $0x2800  }
0x98: {  	s11 =	sadd.s32 $0x1, s11;
	s31 =	rddreg [dreg:$0x13]  }
0x99: {  	p0 =	sne.s32 s11, s31  }
.Ltmp1:
0x9a: {  	_ = 	snop;
	(pc) =	sbr.rel @p0 .LBB2_1-.Ltmp1, $3  }
0x9b: {  	_ =	sdelay $0x1  }
0x9c: {  	[sflag:s24] =	ssyncset.done $0x0  }
0x9d: {  	[sflag:s24] =	ssyncadd.s32 $0xFFFFD800  }
0x9e: {  	_ =	sfence.sel $0x180000  }
0x9f: {  	[bflag:$0x0] =	sbarrier.arrive $0xFFFF  }
0xa0: {  	_ =	strace $0x90000047  }
0xa1: {  	s0 =	stileid.u32;
	[bflag:$0x2] =	sbarrier.arrive $0xFFFF  }
0xa2: {  	p0 =	sne.s32 s0, $0x0;
	s0 =	rddreg [dreg:$0x6]  }
0xa3: {  	s0 =	sadd.s32 @!p0 $0x100000, s0  }
0xa4: {  	[sflag:s0] =	ssyncadd.tile.s32 @!p0 $0x1;
	_ =	shalt  }
.Lfunc_end2:
_tile_overlayer_lowered:
.L_overlay_start_2:
0xa5: {  	(tag) =	ssettag $0x2  }
0xa6: {  	s0 =	rddreg [dreg:$0x0];
	s2 =	stileid.u32  }
0xa7: {  	s1 =	rddreg [dreg:$0x1];
	p0 =	sne.s32 s2, $0x0  }
0xa8: {  	s3 =	rddreg [dreg:$0x2];
	[bflag:$0x3] =	sbarrier.arrive $0xFFFF;
	s2 =	simm.s32 @!p0 $0x1C14  }
0xa9: {  	[timem:s3], [sflag:s2] =	dma.local @!p0 [hbm:s0], s1  }
0xaa: {  	s0 =	simm.s32 @!p0 $0x14  }
0xab: {  	_ =	swait.ge @!p0 [sflag:s0], s1  }
0xac: {  	s1 =	ssub.s32 @!p0 $0x0, s1;
	[sflag:s0] =	ssyncset.done @!p0 $0x0  }
0xad: {  	[sflag:s0] =	ssyncadd.s32 @!p0 s1  }
0xae: {  	[bflag:$0x3] =	sbarrier.arrive $0xFFFF  }
0xaf: {  	_ =	shalt  }

// kernel: sage_seg_64.3.cloned.1.call-start
scs
__scs_entry_jumppad:
0x0: {  	(pc) =	sbr.rel $0x88, $3  }
0x1: {  	(tag) =	ssettag $0x0;
	lr =	simm.s32 $0x1  }
0x2: {  	[smem:$0x3F99] =	sst lr;
	_ =	strace $0xD0000000  }
0x3: {  	_ = 	snop  }
0x4: {  	_ = 	snop  }
0x5: {  	_ = 	snop  }
0x6: {  	_ = 	snop  }
0x7: {  	_ = 	snop  }
__scs_overlays_trampoline_lowered:
0x8: {  	[smem:$0x3FA8] =	sst s0  }
0x9: {  	[smem:$0x3FA9] =	sst s1  }
0xa: {  	[smem:$0x3FAA] =	sst s2  }
0xb: {  	[smem:$0x3FAB] =	sst s3  }
0xc: {  	[smem:$0x3FAC] =	sst s4  }
0xd: {  	[smem:$0x3FAD] =	sst s5  }
0xe: {  	[smem:$0x3FAE] =	sst s6  }
0xf: {  	[smem:$0x3FAF] =	sst s7  }
0x10: {  	[smem:$0x3FB0] =	sst s8  }
0x11: {  	[smem:$0x3FB1] =	sst s9;
	s0 =	simm.s32 @!p0 $0x0  }
0x12: {  	s1 =	sld [smem:$0x3F97];
	s0 =	simm.s32 @p0 $0x1  }
0x13: {  	[smem:$0x3FB2] =	sst s0;
	s0 =	simm.s32 @!p1 $0x0  }
0x14: {  	s2 =	sld [smem:$0x3F96];
	s0 =	simm.s32 @p1 $0x1  }
0x15: {  	[smem:$0x3FB3] =	sst s0;
	s0 =	simm.s32 @!p2 $0x0  }
0x16: {  	s3 =	sld [smem:$0x3FDB];
	s0 =	simm.s32 @p2 $0x1  }
0x17: {  	s4 =	simm.s32 $0x1BF5;
	[smem:$0x3FB5] =	sst s0  }
0x18: {  	s0 =	sld [smem:$0x3F98];
	_ =	swait.ge [sflag:s4], $0x0  }
0x19: {  	s7 =	sld [smem:$0x3F99]  }
0x1a: {  	s8 =	sadd.s32 $0xFFFFE003, lr  }
0x1b: {  	s9 =	sadd.s32 $0xFFFFFEF7, lr;
	s5 =	simm.s32 $0xFFFFFFFF;
	p2 =	slt.u32 s8, $0xFFFFF086  }
0x1c: {  	p1 =	slt.u32 s9, $0xF7A;
	s5 =	simm.s32 @!p2 $0x0  }
0x1d: {  	s5 =	simm.s32 @p1 $0x1;
	p0 =	seq.s32 s7, s2  }
0x1e: {  	s7 =	smul.u32 @!p0 $0xF7A, s2;
	p2 =	seq.s32 @!p0 s5, $0x0  }
0x1f: {  	s9 =	smul.u32 $0xF7A, s1;
	s8 =	simm.s32 @!p0 $0x1BF5;
	p2 =	por !p2, p0  }
0x20: {  	[sflag:s8] =	ssyncset.s32 @!p0 $0xFFFFF086;
	s6 =	sadd.s32 @!p0 s3, s7;
	s7 =	simm.s32 @!p0 $0x108  }
0x21: {  	s3 =	sadd.s32 s3, s9;
	s6 =	sadd.s32 @!p0 $0x88, s6;
	s7 =	simm.s32 @p2 $0x1082  }
0x22: {  	[simem:s7], [sflag:s8] =	dma.local @!p0 [hbm:s6], $0xF7A  }
0x23: {  	s9 =	sor.u32 $0xD0000000, s2;
	s6 =	simm.s32 $0x108;
	_ =	swait.ge @!p0 [sflag:s8], $0x0  }
0x24: {  	s3 =	sadd.s32 $0x88, s3;
	s6 =	simm.s32 @!p1 $0x1082;
	[sflag:s4] =	ssyncset.s32 $0xFFFFF086  }
0x25: {  	[simem:s6], [sflag:s4] =	dma.local [hbm:s3], $0xF7A  }
0x26: {  	[smem:$0x3F99] =	sst s1;
	(tag) =	ssettag s2;
	_ =	strace s9  }
0x27: {  	s1 =	sld [smem:$0x3FA9]  }
0x28: {  	s2 =	sld [smem:$0x3FAA]  }
0x29: {  	s4 =	sld [smem:$0x3FAC]  }
0x2a: {  	p0 =	seq.s32 s5, $0x0;
	s5 =	sld [smem:$0x3FAD]  }
0x2b: {  	s6 =	sld [smem:$0x3FAE]  }
0x2c: {  	s7 =	sld [smem:$0x3FAF]  }
0x2d: {  	s3 =	simm.s32 $0x108;
	s8 =	sld [smem:$0x3FB0]  }
0x2e: {  	s3 =	simm.s32 @!p0 $0x1082;
	s9 =	sld [smem:$0x3FB1]  }
0x2f: {  	lr =	sadd.s32 s0, s3;
	s0 =	sld [smem:$0x3FA8]  }
0x30: {  	s3 =	sld [smem:$0x3FAB]  }
0x31: {  	[smem:$0x3FB4] =	sst s10  }
0x32: {  	s10 =	sld [smem:$0x3FB2];
	_ =	sdelay $0x3  }
0x33: {  	p0 =	seq.s32 s10, $0x1;
	s10 =	sld [smem:$0x3FB4];
	_ =	sdelay $0x3  }
0x34: {  	[smem:$0x3FB4] =	sst s10  }
0x35: {  	s10 =	sld [smem:$0x3FB3];
	_ =	sdelay $0x3  }
0x36: {  	p1 =	seq.s32 s10, $0x1;
	s10 =	sld [smem:$0x3FB4];
	_ =	sdelay $0x3  }
0x37: {  	[smem:$0x3FB4] =	sst s10  }
0x38: {  	s10 =	sld [smem:$0x3FB5]  }
0x39: {  	_ = 	snop;
	(pc) =	sbr.ind lr, $3  }
0x3a: {  	_ = 	snop  }
0x3b: {  	_ = 	snop  }
0x3c: {  	p2 =	seq.s32 s10, $0x1;
	s10 =	sld [smem:$0x3FB4]  }
0x3d: {  	_ =	shalt  }
0x3e: {  	_ =	shalt  }
0x3f: {  	_ =	shalt  }
0x40: {  	_ =	shalt  }
0x41: {  	_ =	shalt  }
0x42: {  	_ =	shalt  }
0x43: {  	_ =	shalt  }
0x44: {  	_ =	shalt  }
0x45: {  	_ =	shalt  }
0x46: {  	_ =	shalt  }
0x47: {  	_ =	shalt  }
0x48: {  	_ =	shalt  }
0x49: {  	_ =	shalt  }
0x4a: {  	_ =	shalt  }
0x4b: {  	_ =	shalt  }
0x4c: {  	_ =	shalt  }
0x4d: {  	_ =	shalt  }
0x4e: {  	_ =	shalt  }
0x4f: {  	_ =	shalt  }
0x50: {  	_ =	shalt  }
0x51: {  	_ =	shalt  }
0x52: {  	_ =	shalt  }
0x53: {  	_ =	shalt  }
0x54: {  	_ =	shalt  }
0x55: {  	_ =	shalt  }
0x56: {  	_ =	shalt  }
0x57: {  	_ =	shalt  }
0x58: {  	_ =	shalt  }
0x59: {  	_ =	shalt  }
0x5a: {  	_ =	shalt  }
0x5b: {  	_ =	shalt  }
0x5c: {  	_ =	shalt  }
0x5d: {  	_ =	shalt  }
0x5e: {  	_ =	shalt  }
0x5f: {  	_ =	shalt  }
0x60: {  	_ =	shalt  }
0x61: {  	_ =	shalt  }
0x62: {  	_ =	shalt  }
0x63: {  	_ =	shalt  }
0x64: {  	_ =	shalt  }
0x65: {  	_ =	shalt  }
0x66: {  	_ =	shalt  }
0x67: {  	_ =	shalt  }
0x68: {  	_ =	shalt  }
0x69: {  	_ =	shalt  }
0x6a: {  	_ =	shalt  }
0x6b: {  	_ =	shalt  }
0x6c: {  	_ =	shalt  }
0x6d: {  	_ =	shalt  }
0x6e: {  	_ =	shalt  }
0x6f: {  	_ =	shalt  }
0x70: {  	_ =	shalt  }
0x71: {  	_ =	shalt  }
0x72: {  	_ =	shalt  }
0x73: {  	_ =	shalt  }
0x74: {  	_ =	shalt  }
0x75: {  	_ =	shalt  }
0x76: {  	_ =	shalt  }
0x77: {  	_ =	shalt  }
0x78: {  	_ =	shalt  }
0x79: {  	_ =	shalt  }
0x7a: {  	_ =	shalt  }
0x7b: {  	_ =	shalt  }
0x7c: {  	_ =	shalt  }
0x7d: {  	_ =	shalt  }
0x7e: {  	_ =	shalt  }
0x7f: {  	_ =	shalt  }
0x80: {  	_ =	shalt  }
0x81: {  	_ =	shalt  }
0x82: {  	_ =	shalt  }
0x83: {  	_ =	shalt  }
0x84: {  	_ =	shalt  }
0x85: {  	_ =	shalt  }
0x86: {  	_ =	shalt  }
0x87: {  	_ =	shalt  }
.Lfunc_end0:
.L_simem_size_0:
called_computation.1_lowered:
.L_overlay_start_0:
0x88: {  	s2 =	sld [smem:$0x3FD9]  }
0x89: {  	s3 =	sld [smem:$0x3FFE];
	_ =	sdelay $0x1  }
0x8a: {  	s1 =	srdreg.scid  }
0x8b: {  	s0 =	sand.u32 $0x1, s1  }
0x8c: {  	s14 =	sshll.u32 s0, $0xA;
	s2 =	sadd.s32 s3, s2  }
0x8d: {  	s2 =	sadd.s32 s2, s14  }
0x8e: {  	[smem:$0x3FC0] =	sst s2  }
0x8f: {  	_ = 	snop  }
0x90: {  	s2 =	sld [smem:$0x3FD0];
	_ =	sdelay $0x2  }
0x91: {  	s15 =	simm.s32 $0xA;
	s4 =	simm.s32 $0x10  }
0x92: {  	[smem:s4], [sflag:s15] =	dma.local [hbm:s2], $0x1  }
0x93: {  	_ =	swait.eq [sflag:s15], $0x1  }
0x94: {  	[sflag:s15] =	ssyncset.done $0x0  }
0x95: {  	[sflag:s15] =	ssyncadd.s32 $0xFFFFFFFF  }
0x96: {  	s16 =	sld [smem:$0x10];
	(tm) =	ssettm $0x1  }
0x97: {  	s17 =	sld [smem:$0x3FFB];
	_ =	sdelay $0x3  }
0x98: {  	_ =	strace s17  }
0x99: {  	s3 =	sld [smem:$0x3FFC];
	_ =	sdelay $0x3  }
0x9a: {  	_ =	strace s3  }
0x9b: {  	s3 =	sld [smem:$0x3FFD];
	_ =	sdelay $0x3  }
0x9c: {  	_ =	strace s3  }
0x9d: {  	_ =	strace $0x8FFFFFFF  }
0x9e: {  	s18 =	sld [smem:$0x3FDB];
	_ =	sdelay $0x1  }
0x9f: {  	s19 =	simm.s32 $_scs_section_size  }
0xa0: {  	s5 =	simm.s32 $_size__tile_overlayer_lowered;
	s6 =	simm.s32 $_tile_overlayer_lowered  }
0xa1: {  	s22 =	simm.s32 $0x1BFF;
	s21 =	sshll.u32 s6, $0x1;
	s3 =	sadd.s32 s19, s18  }
0xa2: {  	s7 =	simm.s32 $0x0;
	s20 =	sshll.u32 s5, $0x1;
	s5 =	sadd.s32 s21, s3  }
0xa3: {  	[timem:s7], [sflag:s22] =	dma.local [hbm:s5], s20  }
0xa4: {  	_ =	swait.ge [sflag:s22], s20  }
0xa5: {  	s4 =	ssub.s32 $0x0, s20;
	[sflag:s22] =	ssyncset.done $0x0  }
0xa6: {  	[sflag:s22] =	ssyncadd.s32 s4;
	_ =	sdelay $0x1  }
0xa7: {  	s23 =	simm.s32 $0x1B8B  }
0xa8: {  	_ =	swait.ge [sflag:s23], $0x1  }
0xa9: {  	[sflag:s23] =	ssyncset.done $0x0  }
0xaa: {  	s25 =	simm.s32 $0x1B8E;
	s24 =	sld [smem:$0x3FFE];
	[sflag:s23] =	ssyncadd.s32 $0xFFFFFFFF  }
0xab: {  	s26 =	simm.s32 $execute0_lowered;
	[smem:$0x3FD2] =	sst s25  }
0xac: {  	s5 =	sshll.u32 s26, $0x1;
	_ =	strace $0x80000049;
	[dreg:$0x1] =	wrdreg $0xFFFFFFFF  }
0xad: {  	s28 =	simm.s32 $_size_execute0_lowered;
	s3 =	sadd.s32 s3, s5;
	[dreg:$0x0] =	wrdreg $0x0  }
0xae: {  	s5 =	sshll.u32 s28, $0x1;
	[dreg:$0x2] =	wrdreg s3  }
0xaf: {  	[dreg:$0x3] =	wrdreg s5  }
0xb0: {  	[dreg:$0x4] =	wrdreg $0xC0  }
0xb1: {  	_ =	task [dreg:s7], $0x5FFFF  }
0xb2: {  	[dreg:$0x1] =	wrdreg $0xFFFFFFFF  }
0xb3: {  	[dreg:$0x0] =	wrdreg $0x60  }
0xb4: {  	[dreg:$0x2] =	wrdreg s16  }
0xb5: {  	[dreg:$0x3] =	wrdreg s24  }
0xb6: {  	[dreg:$0x4] =	wrdreg $0xC3800  }
0xb7: {  	[dreg:$0x5] =	wrdreg $0x9  }
0xb8: {  	_ =	task.clear_ibuf [dreg:s7], $0x6FFFF;
	_ =	strace $0x90000049  }
0xb9: {  	s29 =	simm.s32 $0x9;
	_ =	strace $0x8000004B  }
0xba: {  	_ =	swait.ge [sflag:s29], $0x1  }
0xbb: {  	[sflag:s29] =	ssyncadd.s32 $0xFFFFFFFF  }
0xbc: {  	_ =	strace $0x9000004B  }
0xbd: {  	_ =	sfence  }
0xbe: {  	s30 =	sld [smem:$0x0];
	_ =	sdelay $0x2  }
0xbf: {  	s31 =	sshll.u32 s1, $0xD;
	s1 =	sshrl.u32 s1, $0x2  }
0xc0: {  	s3 =	sand.u32 $0x4000, s31;
	s1 =	sadd.s32 s1, s30  }
0xc1: {  	s0 =	sor.u32 s3, s0;
	s1 =	sshll.u32 s1, $0x11  }
0xc2: {  	s0 =	sor.u32 s1, s0  }
0xc3: {  	s0 =	sadd.s32 $0x8F2B, s0  }
0xc4: {  	[sflag:s0] =	ssyncadd.remote.s32 $0x1  }
0xc5: {  	_ =	sfence.sel $0xFFFF  }
0xc6: {  	[dreg:$0x0] =	wrdreg $0xFFFFFFFF;
	(pc) =	sbr.abs _section_cstart, $3  }
0xc7: {  	[dreg:$0x1] =	wrdreg $0xFFFFFFFF  }
0xc8: {  	_ =	task.clear_ibuf [dreg:s7], $0x2FFFF;
	_ =	strace $0x9FFFFFFF  }
0xc9: {  	(tm) =	ssettm $0x7FFFFFFF  }
tec
execute0_lowered:
.L_overlay_start_1:
0x0: {  	(tag) =	ssettag $0x1  }
0x1: {  	s1 =	rddreg [dreg:$0x0];
	s0 =	srdreg.scid  }
0x2: {  	s11 =	stileid.u32;
	s2 =	rddreg [dreg:$0x1]  }
0x3: {  	s3 =	rddreg [dreg:$0x2];
	s4 =	simm.s32 $0x0;
	s28 =	simm.s32 $0x7D  }
0x4: {  	s31 =	simm.s32 $0x15;
	s29 =	simm.s32 $0x13;
	s5 =	smul.u32 $0xA000, s11  }
0x5: {  	s0 =	sand.u32 $0x1, s0;
	[smem:$0x7FF] =	sst s4;
	s8 =	smul.u32 $0x5000, s11  }
0x6: {  	s9 =	sadd.s32 $0x55200, s2;
	s10 =	sadd.s32 $0x2A00, s2;
	s6 =	smul.u32 $0xA0000, s0  }
0x7: {  	s25 =	sshll.u32 s11, $0x6;
	s7 =	smul.u32 $0x50000, s0;
	_ =	strace $0x8000004A  }
0x8: {  	[dreg:$0x4] =	wrdreg s10;
	s0 =	ssub.s32 $0x2, s0;
	s15 =	sor.u32 $0x1C15, s25  }
0x9: {  	s25 =	simm.s32 $0x5;
	s18 =	sshrl.u32 s0, $0x1;
	s6 =	sadd.s32 s5, s6  }
0xa: {  	s7 =	sadd.s32 s8, s7;
	s0 =	ssub.s32 s0, s18;
	s5 =	sadd.s32 s5, s3  }
0xb: {  	s8 =	sshrl.u32 s7, $0x3;
	[dreg:$0xd] =	wrdreg s5;
	s0 =	smax.u32 s0, $0x1  }
0xc: {  	s6 =	sshrl.u32 s6, $0x3;
	s19 =	sadd.s32 s9, s8;
	[dreg:$0xf] =	wrdreg s0  }
0xd: {  	s26 =	sor.u32 $0x700, s7;
	s8 =	sadd.s32 $0x20, s19;
	[dreg:$0x5] =	wrdreg s19  }
0xe: {  	s5 =	simm.s32 $0x14;
	s20 =	sadd.s32 $0x40, s19;
	[dreg:$0x6] =	wrdreg s8  }
0xf: {  	s7 =	simm.s32 $0xF;
	s21 =	sadd.s32 $0x60, s19;
	[dreg:$0x7] =	wrdreg s20  }
0x10: {  	s2 =	sadd.s32 s6, s2;
	s22 =	sadd.s32 $0x80, s19;
	[dreg:$0x8] =	wrdreg s21  }
0x11: {  	s30 =	sshrl.u32 s26, $0x3;
	s23 =	sadd.s32 $0xA0, s19;
	[dreg:$0x9] =	wrdreg s22  }
0x12: {  	s0 =	simm.s32 $0x11;
	s24 =	sadd.s32 $0xC0, s19;
	[dreg:$0xa] =	wrdreg s23  }
0x13: {  	s6 =	sadd.s32 $0xE0, s19;
	s2 =	sadd.s32 $0x3E00, s2;
	[dreg:$0xb] =	wrdreg s24  }
0x14: {  	s18 =	sadd.s32 s30, s9;
	s9 =	simm.s32 $0x0;
	[dreg:$0xc] =	wrdreg s6  }
0x15: {  	[dreg:$0xe] =	wrdreg s2;
	s24 =	simm.s32 $0x12;
	s8 =	simm.s32 $0x10  }
.LBB2_1:
0x16: {  	s2 =	rddreg [dreg:$0x5]  }
0x17: {  	s11 =	rddreg [dreg:$0x6]  }
0x18: {  	s12 =	rddreg [dreg:$0x7]  }
0x19: {  	[tilespmem:s4], [sflag:$0x1] =	stream.linear.gather [hbm4b:s2+s4], $0x100, $0x38;
	[tilespmem:$0x16380] =	vst v63  }
0x1a: {  	s6 =	simm.s32 $0x100;
	s13 =	rddreg [dreg:$0x8]  }
0x1b: {  	[tilespmem:s6], [sflag:$0x2] =	stream.linear.gather [hbm4b:s11+s4], $0x100, $0x38;
	[tilespmem:$0x16380] =	vst v63  }
0x1c: {  	s14 =	rddreg [dreg:$0x9];
	s11 =	simm.s32 $0x200  }
0x1d: {  	[tilespmem:s11], [sflag:$0x3] =	stream.linear.gather [hbm4b:s12+s4], $0x100, $0x38;
	[tilespmem:$0x16380] =	vst v63  }
0x1e: {  	s16 =	rddreg [dreg:$0xa];
	s12 =	simm.s32 $0x300  }
0x1f: {  	[tilespmem:s12], [sflag:$0x4] =	stream.linear.gather [hbm4b:s13+s4], $0x100, $0x38;
	[tilespmem:$0x16380] =	vst v63  }
0x20: {  	s17 =	rddreg [dreg:$0xb];
	s13 =	simm.s32 $0x400  }
0x21: {  	[tilespmem:s13], [sflag:$0x5] =	stream.linear.gather [hbm4b:s14+s4], $0x100, $0x38;
	[tilespmem:$0x16380] =	vst v63  }
0x22: {  	s10 =	simm.s32 $0x500;
	s20 =	rddreg [dreg:$0xc]  }
0x23: {  	[tilespmem:s10], [sflag:$0x6] =	stream.linear.gather [hbm4b:s16+s4], $0x100, $0x38;
	[tilespmem:$0x16380] =	vst v63  }
0x24: {  	s19 =	simm.s32 $0x600;
	s21 =	simm.s32 $0x700;
	s22 =	rddreg [dreg:$0xd]  }
0x25: {  	[tilespmem:s19], [sflag:$0x7] =	stream.linear.gather [hbm4b:s17+s4], $0x100, $0x38;
	[tilespmem:$0x16380] =	vst v63  }
0x26: {  	s23 =	rddreg [dreg:$0x4];
	s26 =	simm.s32 $0x1;
	s10 =	sshrl.u32 s22, $0x3  }
0x27: {  	[tilespmem:s21], [sflag:$0x8] =	stream.linear.gather [hbm4b:s20+s4], $0x100, $0x38;
	[tilespmem:$0x16380] =	vst v63  }
0x28: {  	[spmem:s10], [sflag:s15] =	dma.local [hbm:s23], $0x1400  }
0x29: {  	_ =	swait.ge [sflag:s26], $0x100  }
0x2a: {  	[sflag:s26] =	ssyncset.done $0x0  }
0x2b: {  	s30 =	simm.s32 $0x800;
	s14 =	simm.s32 $0x2;
	[sflag:s26] =	ssyncadd.s32 $0xFFFFFF00  }
0x2c: {  	[tilespmem:s30], [sflag:$0x9] =	stream.indirect.gather [hbm4b:s1+s28], $0x40, s4, s28, $0xb8;
	[tilespmem:$0x16380] =	vst v63  }
0x2d: {  	_ =	swait.ge [sflag:s14], $0x100  }
0x2e: {  	p0 =	por $0x0, $0x0;
	[sflag:s14] =	ssyncset.done $0x0  }
0x2f: {  	s16 =	simm.s32 $0x2740;
	s17 =	simm.s32 $0x3;
	[sflag:s14] =	ssyncadd.s32 $0xFFFFFF00  }
0x30: {  	[tilespmem:s16], [sflag:$0xA] =	stream.indirect.gather [hbm4b:s1+s28], $0x40, s6, s28, $0xb8;
	[tilespmem:$0x16380] =	vst v63  }
0x31: {  	p1 =	por @!p0 $0x1, $0x1;
	_ =	swait.ge [sflag:s17], $0x100  }
0x32: {  	p2 =	por p1, p0;
	[sflag:s17] =	ssyncset.done $0x0  }
0x33: {  	s19 =	simm.s32 $0x4680;
	s20 =	simm.s32 $0x4;
	[sflag:s17] =	ssyncadd.s32 $0xFFFFFF00  }
0x34: {  	[tilespmem:s19], [sflag:$0xB] =	stream.indirect.gather [hbm4b:s1+s28], $0x40, s11, s28, $0xb8;
	[tilespmem:$0x16380] =	vst v63  }
0x35: {  	p3 =	por @!p2 $0x0, $0x0;
	s22 =	smul.u32 $0xAB, s4;
	_ =	swait.ge [sflag:s20], $0x100  }
0x36: {  	p1 =	por @!p0 p3, p1;
	[sflag:s20] =	ssyncset.done $0x0  }
0x37: {  	s21 =	simm.s32 $0x65C0;
	s11 =	sshrl.u32 s22, $0xA;
	[sflag:s20] =	ssyncadd.s32 $0xFFFFFF00  }
0x38: {  	[tilespmem:s21], [sflag:$0xC] =	stream.indirect.gather [hbm4b:s1+s28], $0x40, s12, s28, $0xb8;
	[tilespmem:$0x16380] =	vst v63  }
0x39: {  	s23 =	simm.s32 $0x8500;
	s11 =	sand.u32 $0x3F, s11;
	_ =	swait.ge [sflag:s25], $0x100  }
0x3a: {  	s14 =	simm.s32 $0x5;
	s11 =	smul.u32 $0x6, s11;
	[sflag:s25] =	ssyncset.done $0x0  }
0x3b: {  	s17 =	sand.u32 $0x1C00, s4;
	s12 =	smul.u32 @!p0 $0xAB, s14;
	[sflag:s25] =	ssyncadd.s32 $0xFFFFFF00  }
0x3c: {  	[tilespmem:s23], [sflag:$0xD] =	stream.indirect.gather [hbm4b:s1+s28], $0x40, s13, s28, $0xb8;
	[tilespmem:$0x16380] =	vst v63  }
0x3d: {  	s17 =	sshrl.u32 s17, $0x2;
	s11 =	ssub.s32 $0x0, s11;
	_ =	swait.ge [sflag:s31], $0x1400  }
0x3e: {  	s11 =	sand.u32 $0xFF, s11;
	s12 =	sshrl.u32 @!p0 s12, $0xA;
	[sflag:s31] =	ssyncset.done $0x0  }
0x3f: {  	s26 =	smul.u32 $0x7D00, s11;
	s12 =	sand.u32 @!p0 $0x3F, s12;
	[sflag:s31] =	ssyncadd.s32 $0xFFFFEC00  }
0x40: {  	s16 =	sadd.s32 $0x9, s11;
	s12 =	smul.u32 @!p0 $0x6, s12;
	[bflag:$0x0] =	sbarrier.arrive $0xFFFF  }
0x41: {  	s30 =	sor.u32 $0x80, s17;
	s11 =	sadd.s32 $0xF, s11;
	_ =	swait.ge [sflag:s16], $0x1F40  }
0x42: {  	s13 =	sshrl.u32 s26, $0x2;
	s12 =	ssub.s32 @!p0 $0x5, s12;
	[sflag:s16] =	ssyncset.done $0x0  }
0x43: {  	s13 =	sadd.s32 $0x800, s13;
	s20 =	sand.u32 @!p0 $0xFF, s12;
	[sflag:s16] =	ssyncadd.s32 $0xFFFFE0C0  }
0x44: {  	[spmem:s3] =	stream.indirect.scatter.add.f32 [tilespmem:s13], [sflag:s11], $0x40, s30, s28, $0xb8;
	[tilespmem:$0x16380] =	vst v63  }
0x45: {  	p1 =	por p1, p0;
	s12 =	simm.s32 @!p0 $0xFFFFFFFF;
	s13 =	sadd.s32 @!p2 $0xF, s20  }
0x46: {  	s19 =	simm.s32 @!p1 $0x0;
	s12 =	sand.u32 @!p0 $0x7, s12;
	_ =	swait.ge @!p2 [sflag:s13], $0x1F40  }
0x47: {  	s17 =	sshll.u32 @!p1 s12, $0x8;
	s12 =	sadd.s32 @!p1 $0x1, s12;
	[sflag:s13] =	ssyncset.done @!p2 $0x0  }
0x48: {  	s16 =	smul.u32 @!p0 $0x7D00, s20;
	s11 =	simm.s32 $0x1;
	[sflag:s13] =	ssyncadd.s32 @!p2 $0xFFFFE0C0  }
0x49: {  	[tilespmem:s17], [sflag:s12] =	stream.linear.gather @!p1 [hbm4b:s18+s19], $0x100, $0x38;
	[tilespmem:$0x16380] =	vst v63  }
0x4a: {  	s21 =	sshrl.u32 @!p0 s16, $0x2;
	s13 =	sadd.s32 $0x20, s18;
	s19 =	sand.u32 @!p0 $0x7, s14  }
0x4b: {  	s12 =	simm.s32 $0x400;
	s14 =	simm.s32 @!p0 $0x7D;
	s17 =	sadd.s32 @!p0 $0x1, s19  }
.LBB2_2:
0x4c: {  	_ =	swait.ge @!p0 [sflag:s17], $0x100;
	s21 =	sadd.s32 @!p0 $0x800, s21;
	s20 =	sadd.s32 @!p0 $0x9, s20  }
0x4d: {  	s22 =	smov.u32 s11;
	s6 =	smov.u32 s12;
	s16 =	smov.u32 s13  }
0x4e: {  	s26 =	smul.u32 $0xAB, s11;
	s19 =	sshll.u32 @!p0 s19, $0x8;
	[sflag:s17] =	ssyncset.done @!p0 $0x0  }
0x4f: {  	s11 =	sadd.s32 $0x1, s11;
	[sflag:s17] =	ssyncadd.s32 @!p0 $0xFFFFFF00  }
0x50: {  	[tilespmem:s21], [sflag:s20] =	stream.indirect.gather @!p0 [hbm4b:s1+s14], $0x40, s19, s14, $0xb8;
	[tilespmem:$0x16380] =	vst v63  }
0x51: {  	p1 =	sne.s32 s11, $0x50;
	s14 =	sshrl.u32 s26, $0xA  }
0x52: {  	s12 =	sadd.s32 $0x400, s12;
	s20 =	sadd.s32 $0x5, s22;
	s14 =	sand.u32 $0x3F, s14  }
0x53: {  	s13 =	sadd.s32 $0x20, s13;
	p0 =	sgt.u32 s22, $0x4A;
	s14 =	smul.u32 $0x6, s14  }
0x54: {  	s17 =	smul.u32 @!p0 $0xAB, s20;
	s21 =	sadd.s32 @!p0 $0xFFFFFFFF, s22;
	p2 =	seq.s32 @!p0 s22, $0x0  }
0x55: {  	s19 =	sand.u32 @!p0 $0x7, s20;
	s26 =	ssub.s32 s22, s14;
	s14 =	simm.s32 @!p0 $0x7D  }
0x56: {  	s30 =	sshrl.u32 @!p0 s17, $0xA;
	s17 =	sadd.s32 @!p0 $0x1, s19;
	s26 =	sand.u32 $0xFF, s26  }
0x57: {  	s30 =	sand.u32 @!p0 $0x3F, s30;
	s2 =	smul.u32 $0x7D00, s26;
	s23 =	sadd.s32 $0x9, s26  }
0x58: {  	s6 =	sand.u32 $0x1C00, s6;
	s30 =	smul.u32 @!p0 $0x6, s30;
	_ =	swait.ge [sflag:s23], $0x1F40  }
0x59: {  	s6 =	sshrl.u32 s6, $0x2;
	s2 =	sshrl.u32 s2, $0x2;
	[sflag:s23] =	ssyncset.done $0x0  }
0x5a: {  	s6 =	sor.u32 $0x80, s6;
	s2 =	sadd.s32 $0x800, s2;
	[sflag:s23] =	ssyncadd.s32 $0xFFFFE0C0  }
0x5b: {  	p3 =	por p2, p0;
	s20 =	ssub.s32 @!p0 s20, s30;
	s23 =	sadd.s32 $0xF, s26  }
0x5c: {  	[spmem:s3] =	stream.indirect.scatter.add.f32 [tilespmem:s2], [sflag:s23], $0x40, s6, s28, $0xb8;
	[tilespmem:$0x16380] =	vst v63  }
0x5d: {  	p4 =	sgt.u32 @!p3 s22, $0x48;
	s20 =	sand.u32 @!p0 $0xFF, s20;
	s2 =	sand.u32 @!p0 $0x7, s21  }
.Ltmp0:
0x5e: {  	p2 =	por @!p0 p4, p2;
	s6 =	sadd.s32 @!p3 $0xF, s20;
	(pc) =	sbr.rel @p1 .LBB2_2-.Ltmp0, $4  }
0x5f: {  	p2 =	por p2, p0;
	s21 =	smul.u32 @!p0 $0x7D00, s20;
	_ =	swait.ge @!p3 [sflag:s6], $0x1F40  }
0x60: {  	s23 =	simm.s32 @!p2 $0x0;
	s22 =	sshll.u32 @!p2 s2, $0x8;
	[sflag:s6] =	ssyncset.done @!p3 $0x0  }
0x61: {  	s2 =	sadd.s32 @!p2 $0x1, s2;
	s21 =	sshrl.u32 @!p0 s21, $0x2;
	[sflag:s6] =	ssyncadd.s32 @!p3 $0xFFFFE0C0  }
0x62: {  	[tilespmem:s22], [sflag:s2] =	stream.linear.gather @!p2 [hbm4b:s16+s23], $0x100, $0x38;
	[tilespmem:$0x16380] =	vst v63  }
0x63: {  	_ =	swait.ge @!p0 [sflag:s17], $0x100  }
0x64: {  	s2 =	sadd.s32 @!p0 $0x800, s21;
	[sflag:s17] =	ssyncset.done @!p0 $0x0  }
0x65: {  	s6 =	sadd.s32 @!p0 $0x9, s20;
	s11 =	sshll.u32 @!p0 s19, $0x8;
	[sflag:s17] =	ssyncadd.s32 @!p0 $0xFFFFFF00  }
0x66: {  	[tilespmem:s2], [sflag:s6] =	stream.indirect.gather @!p0 [hbm4b:s1+s14], $0x40, s11, s14, $0xb8;
	[tilespmem:$0x16380] =	vst v63  }
0x67: {  	_ =	swait.ge [sflag:s0], $0x1F40  }
0x68: {  	[sflag:s0] =	ssyncset.done $0x0  }
0x69: {  	[sflag:s0] =	ssyncadd.s32 $0xFFFFE0C0  }
0x6a: {  	_ =	swait.ge [sflag:s24], $0x1F40  }
0x6b: {  	[sflag:s24] =	ssyncset.done $0x0  }
0x6c: {  	[sflag:s24] =	ssyncadd.s32 $0xFFFFE0C0  }
0x6d: {  	_ =	swait.ge [sflag:s29], $0x1F40  }
0x6e: {  	[sflag:s29] =	ssyncset.done $0x0  }
0x6f: {  	[sflag:s29] =	ssyncadd.s32 $0xFFFFE0C0  }
0x70: {  	_ =	swait.ge [sflag:s5], $0x1F40  }
0x71: {  	[sflag:s5] =	ssyncset.done $0x0  }
0x72: {  	[sflag:s5] =	ssyncadd.s32 $0xFFFFE0C0  }
0x73: {  	_ =	swait.ge [sflag:s7], $0x1F40  }
0x74: {  	[sflag:s7] =	ssyncset.done $0x0  }
0x75: {  	[sflag:s7] =	ssyncadd.s32 $0xFFFFE0C0  }
0x76: {  	_ =	swait.ge [sflag:s8], $0x1F40  }
0x77: {  	[sflag:s8] =	ssyncset.done $0x0  }
0x78: {  	[sflag:s8] =	ssyncadd.s32 $0xFFFFE0C0  }
0x79: {  	[bflag:$0x0] =	sbarrier.arrive $0xFFFF  }
0x7a: {  	s26 =	rddreg [dreg:$0xe]  }
0x7b: {  	[hbm:s26], [sflag:s15] =	dma.local [spmem:s10], $0x1400  }
0x7c: {  	_ =	swait.ge [sflag:s31], $0x1400  }
0x7d: {  	s9 =	sadd.s32 $0x1, s9;
	s30 =	rddreg [dreg:$0xf]  }
0x7e: {  	p0 =	sne.s32 s9, s30  }
.Ltmp1:
0x7f: {  	_ = 	snop;
	(pc) =	sbr.rel @p0 .LBB2_1-.Ltmp1, $3  }
0x80: {  	_ =	sdelay $0x1  }
0x81: {  	[sflag:s31] =	ssyncset.done $0x0  }
0x82: {  	[sflag:s31] =	ssyncadd.s32 $0xFFFFEC00  }
0x83: {  	_ =	sfence.sel $0x180000  }
0x84: {  	[bflag:$0x0] =	sbarrier.arrive $0xFFFF  }
0x85: {  	_ =	strace $0x9000004A  }
0x86: {  	s0 =	stileid.u32;
	[bflag:$0x2] =	sbarrier.arrive $0xFFFF  }
0x87: {  	p0 =	sne.s32 s0, $0x0;
	s0 =	rddreg [dreg:$0x3]  }
0x88: {  	s0 =	sadd.s32 @!p0 $0x100000, s0  }
0x89: {  	[sflag:s0] =	ssyncadd.tile.s32 @!p0 $0x1;
	_ =	shalt  }
.Lfunc_end2:
_tile_overlayer_lowered:
.L_overlay_start_2:
0x8a: {  	(tag) =	ssettag $0x2  }
0x8b: {  	s0 =	rddreg [dreg:$0x0];
	s2 =	stileid.u32  }
0x8c: {  	s1 =	rddreg [dreg:$0x1];
	p0 =	sne.s32 s2, $0x0  }
0x8d: {  	s3 =	rddreg [dreg:$0x2];
	[bflag:$0x3] =	sbarrier.arrive $0xFFFF;
	s2 =	simm.s32 @!p0 $0x1C16  }
0x8e: {  	[timem:s3], [sflag:s2] =	dma.local @!p0 [hbm:s0], s1  }
0x8f: {  	s0 =	simm.s32 @!p0 $0x16  }
0x90: {  	_ =	swait.ge @!p0 [sflag:s0], s1  }
0x91: {  	s1 =	ssub.s32 @!p0 $0x0, s1;
	[sflag:s0] =	ssyncset.done @!p0 $0x0  }
0x92: {  	[sflag:s0] =	ssyncadd.s32 @!p0 s1  }
0x93: {  	[bflag:$0x3] =	sbarrier.arrive $0xFFFF  }
0x94: {  	_ =	shalt  }

</sc_bundles>
